<compile_context>
chip_gen: v7x
topology: tpu7x:2x2x1
jax: 0.10.2.dev20260603
libtpu: 0.0.44.dev20260713+nightly
codegen_flags: <defaults>
</compile_context>

<pallas_src>
import functools

import jax
import jax.numpy as jnp
from jax import lax
from jax.experimental import pallas as pl
from jax.experimental.pallas import tpu as pltpu
from jax.experimental.pallas import tpu_sc as plsc

N_BATCH = 1024
DIM = 32
N_STATES = 256
RADIUS = 8
TEMP = 2.0
WS = 2 * RADIUS + 1

NUM_WORKERS = 32
ROWS_PER_WORKER = N_BATCH // NUM_WORKERS
GROUPS = ROWS_PER_WORKER // 16

LN2 = 0.6931471805599453
_LN_POLY = (0.030449, -0.28382685, 1.11609003, -2.44002976, 3.5140873,
            -1.93675974)


def _vlog(s):
    bits = plsc.bitcast(s, jnp.int32)
    e = (bits >> 23) - 127
    mant = plsc.bitcast((bits & 0x007FFFFF) | 0x3F800000, jnp.float32)
    p = jnp.full((16,), _LN_POLY[0], jnp.float32)
    for coef in _LN_POLY[1:]:
        p = p * mant + coef
    return e.astype(jnp.float32) * LN2 + p


def _sc_body(x_hbm, s_hbm, w_hbm, ss_hbm, out_hbm,
             xv, sv, wv, ssv, tlin, tlse, ov,
             sem_x, sem_s, sem_w, sem_ss):
    wid = lax.axis_index("s") * 2 + lax.axis_index("c")
    base = wid * ROWS_PER_WORKER
    cp_x = pltpu.async_copy(x_hbm.at[pl.ds(base, ROWS_PER_WORKER)], xv, sem_x)
    cp_s = pltpu.async_copy(s_hbm.at[pl.ds(base, ROWS_PER_WORKER)], sv, sem_s)
    cp_w = pltpu.async_copy(w_hbm, wv, sem_w)
    cp_ss = pltpu.async_copy(ss_hbm.at[pl.ds(0, 32)], ssv, sem_ss)
    cp_w.wait()
    cp_ss.wait()

    iota16 = lax.iota(jnp.int32, 16)
    s0 = plsc.load_gather(ssv, [iota16])
    s1 = plsc.load_gather(ssv, [iota16 + 1])
    a = (s1 - s0) * (1.0 / TEMP)
    for h in range(DIM // 16):
        sl = pl.ds(h * 16, 16)
        w_h = wv[sl]
        prefix = []
        run = None
        for k in range(WS):
            arg = w_h * (a * float(k - RADIUS))
            tlin[k, sl] = arg
            run = jnp.exp(arg) if run is None else run + jnp.exp(arg)
            prefix.append(run)
        for c in range(WS):
            hi = min(WS - 1, c + RADIUS)
            ssum = prefix[hi]
            if c - RADIUS - 1 >= 0:
                ssum = ssum - prefix[c - RADIUS - 1]
            tlse[c, sl] = _vlog(ssum)

    cp_x.wait()
    cp_s.wait()
    rvecs = tuple(iota16 + (g * 16) for g in range(GROUPS))

    def dim_step(i, accs):
        ifull = jnp.full((16,), i, jnp.int32)
        new_accs = []
        for g in range(GROUPS):
            x = plsc.load_gather(xv, [rvecs[g], ifull])
            s = plsc.load_gather(sv, [rvecs[g], ifull])
            j = jnp.clip(s - x + RADIUS, 0, WS - 1)
            c = RADIUS + jnp.maximum(0, RADIUS - x) \
                - jnp.maximum(0, x - (N_STATES - 1 - RADIUS))
            c = jnp.clip(c, 0, WS - 1)
            lin = plsc.load_gather(tlin, [j, ifull])
            lse = plsc.load_gather(tlse, [c, ifull])
            new_accs.append(accs[g] + (lin - lse))
        return tuple(new_accs)

    accs = lax.fori_loop(0, DIM, dim_step,
                         tuple(jnp.zeros((16,), jnp.float32)
                               for _ in range(GROUPS)))
    for g in range(GROUPS):
        ov[pl.ds(g * 16, 16)] = accs[g]
    pltpu.sync_copy(ov, out_hbm.at[pl.ds(base, ROWS_PER_WORKER)])


@functools.partial(
    pl.kernel,
    mesh=plsc.VectorSubcoreMesh(core_axis_name="c", subcore_axis_name="s"),
    out_type=jax.ShapeDtypeStruct((N_BATCH,), jnp.float32),
    compiler_params=pltpu.CompilerParams(needs_layout_passes=False,
                                         skip_device_barrier=True,
                                         use_tc_tiling_on_sc=True),
    scratch_types=[
        pltpu.VMEM((ROWS_PER_WORKER, DIM), jnp.int32),
        pltpu.VMEM((ROWS_PER_WORKER, DIM), jnp.int32),
        pltpu.VMEM((DIM,), jnp.float32),
        pltpu.VMEM((32,), jnp.float32),
        pltpu.VMEM((WS, DIM), jnp.float32),
        pltpu.VMEM((WS, DIM), jnp.float32),
        pltpu.VMEM((ROWS_PER_WORKER,), jnp.float32),
        pltpu.SemaphoreType.DMA,
        pltpu.SemaphoreType.DMA,
        pltpu.SemaphoreType.DMA,
        pltpu.SemaphoreType.DMA,
    ],
)
def _sc_fused(x, s, w, ss, out, xv, sv, wv, ssv, tlin, tlse, ov,
              sem_x, sem_s, sem_w, sem_ss):
    _sc_body(x, s, w, ss, out, xv, sv, wv, ssv, tlin, tlse, ov,
             sem_x, sem_s, sem_w, sem_ss)


def kernel(state_space, w, b, x_idx, s_idx):
    del b
    return _sc_fused(x_idx.astype(jnp.int32), s_idx.astype(jnp.int32),
                     w.astype(jnp.float32), state_space.astype(jnp.float32))

# --- scband reference (transcript-rebuilt; emitter-appended) ---
"""Pipeline reference for scband-local-pseudo-marginal-46926812676952 (READ-ONLY COPY).

The authoritative reference and input builder live on the scoring server;
editing this copy changes nothing except your own understanding.
"""

import jax, jax.numpy as jnp
import numpy as np

N_BATCH = 1024
DIM = 32
N_STATES = 256
RADIUS = 8
TEMP = 2.0


def setup_inputs(seed: int = 0) -> dict:
    key = jax.random.key(seed)
    k1, k2, k3, k4 = jax.random.split(key, 4)
    x_idx = jax.random.randint(k1, (N_BATCH, DIM), 0, N_STATES)
    # s must lie inside the local window of x so log_prob is finite
    delta = jax.random.randint(k2, (N_BATCH, DIM), 0, 2 * RADIUS + 1) - RADIUS
    s_idx = jnp.clip(x_idx + delta, 0, N_STATES - 1)
    w = jax.random.normal(k3, (DIM,), dtype=jnp.float32) * 0.1
    b = jax.random.normal(k4, (1,), dtype=jnp.float32) * 0.1
    state_space = jnp.arange(N_STATES, dtype=jnp.float32)
    return {"state_space": state_space, "w": w, "b": b, "x_idx": x_idx, "s_idx": s_idx}


def _model(v, w, b):
    # energy model: R^dim -> scalar per row
    return v @ w + b[0]


def _logits(state_space, w, b, x_idx):
    n_batch, dim = x_idx.shape
    length_scale = state_space[1] - state_space[0]
    x = jnp.take(state_space, x_idx, axis=0)  # [n_batch, dim], values in state space
    window = jnp.arange(-RADIUS, RADIUS + 1, dtype=jnp.float32) * length_scale
    ws = window.shape[0]
    # x_tiled[b, i, k, :] = x[b] + e_i * window[k]
    x_tiled = jnp.tile(x[:, None, None, :], (1, dim, ws, 1))
    mask = jnp.eye(dim, dtype=jnp.float32)
    mask = jnp.tile(mask[:, :, None], (1, 1, ws))  # [dim, dim, ws]
    x_tiled = x_tiled + jnp.swapaxes(mask * window, 1, 2)  # broadcast [dim, ws, dim]
    window_logits = _model(x_tiled.reshape(-1, dim), w, b).reshape(n_batch, dim, ws)
    # scatter-overwrite into the -inf logits memory; invalid (out-of-state-space)
    # window positions are exactly the out-of-bounds y indices -> drop them
    offsets = jnp.arange(-RADIUS, RADIUS + 1)
    y = x_idx.reshape(-1)[:, None] + offsets[None, :]  # [n_batch*dim, ws]
    valid = (y >= 0) & (y < N_STATES)
    y_safe = jnp.where(valid, y, N_STATES)  # out-of-bounds sentinel, dropped by scatter
    rows = jnp.arange(n_batch * dim)
    flat = jnp.full((n_batch * dim, N_STATES), -jnp.inf, dtype=jnp.float32)
    flat = flat.at[rows[:, None], y_safe].set(
        window_logits.reshape(n_batch * dim, ws), mode="drop"
    )
    return flat.reshape(n_batch, dim, N_STATES) / TEMP


def reference(state_space, w, b, x_idx, s_idx):
    logits = _logits(state_space, w, b, x_idx)
    # Ordinal(product=True).log_prob(s): categorical log-prob per element, summed over dim
    logp = jax.nn.log_softmax(logits, axis=-1)
    lp = jnp.take_along_axis(logp, s_idx[..., None], axis=-1)[..., 0]
    return lp.sum(-1)

if __name__ == "__main__":
    import jax
    _d = setup_inputs()
    print(jax.jit(kernel)(*tuple(_d.values())))

</pallas_src>

<mosaic_0001>
#map = affine_map<(d0, d1) -> (0, 0)>
#map1 = affine_map<(d0, d1) -> (0)>
module attributes {stable_mosaic.version = 14 : i64} {
  func.func @_sc_fused(%arg0: i32, %arg1: i32, %arg2: memref<1024x32xi32, #tpu.memory_space<hbm>>, %arg3: memref<1024x32xi32, #tpu.memory_space<hbm>>, %arg4: memref<32xf32, #tpu.memory_space<hbm>>, %arg5: memref<256xf32, #tpu.memory_space<hbm>>, %arg6: memref<1024xf32, #tpu.memory_space<hbm>>, %arg7: memref<32x32xi32, #tpu.memory_space<vmem>>, %arg8: memref<32x32xi32, #tpu.memory_space<vmem>>, %arg9: memref<32xf32, #tpu.memory_space<vmem>>, %arg10: memref<32xf32, #tpu.memory_space<vmem>>, %arg11: memref<17x32xf32, #tpu.memory_space<vmem>>, %arg12: memref<17x32xf32, #tpu.memory_space<vmem>>, %arg13: memref<32xf32, #tpu.memory_space<vmem>>, %arg14: memref<!tpu.dma_semaphore, #tpu.memory_space<semaphore_mem>>, %arg15: memref<!tpu.dma_semaphore, #tpu.memory_space<semaphore_mem>>, %arg16: memref<!tpu.dma_semaphore, #tpu.memory_space<semaphore_mem>>, %arg17: memref<!tpu.dma_semaphore, #tpu.memory_space<semaphore_mem>>) attributes {dimension_semantics = [#tpu.dimension_semantics<core_parallel>, #tpu.dimension_semantics<subcore_parallel>], iteration_bounds = array<i64: 2, 16>, scalar_prefetch = 0 : i64, scratch_operands = 11 : i64, tpu.core_type = #tpu.core_type<sc_vector_subcore>, window_params = [{transform_indices = #map}, {transform_indices = #map}, {transform_indices = #map1}, {transform_indices = #map1}, {transform_indices = #map1}]} {
    %mul3A = arith.constant 2 : i32
    %mul3A_0 = arith.muli %arg1, %mul3A : i32
    %add3A = arith.addi %mul3A_0, %arg0 : i32
    %mul3A_1 = arith.constant 32 : i32
    %mul3A_2 = arith.muli %add3A, %mul3A_1 : i32
    %dma_start3A = arith.constant 0 : i32
    %dma_start3A_3 = tpu.memref_slice %arg2[%mul3A_2, %dma_start3A] : memref<1024x32xi32, #tpu.memory_space<hbm>> -> memref<32x32xi32, #tpu.memory_space<hbm>>
    %dma_start3A_4 = arith.constant 0 : i32
    %dma_start3A_5 = tpu.memref_slice %arg2[%mul3A_2, %dma_start3A_4] : memref<1024x32xi32, #tpu.memory_space<hbm>> -> memref<32x32xi32, #tpu.memory_space<hbm>>
    tpu.enqueue_dma source(%dma_start3A_5 : memref<32x32xi32, #tpu.memory_space<hbm>>) target(%arg7 : memref<32x32xi32, #tpu.memory_space<vmem>>) target_semaphore(%arg14 : memref<!tpu.dma_semaphore, #tpu.memory_space<semaphore_mem>>)
    %dma_start3A_6 = arith.constant 0 : i32
    %dma_start3A_7 = tpu.memref_slice %arg3[%mul3A_2, %dma_start3A_6] : memref<1024x32xi32, #tpu.memory_space<hbm>> -> memref<32x32xi32, #tpu.memory_space<hbm>>
    %dma_start3A_8 = arith.constant 0 : i32
    %dma_start3A_9 = tpu.memref_slice %arg3[%mul3A_2, %dma_start3A_8] : memref<1024x32xi32, #tpu.memory_space<hbm>> -> memref<32x32xi32, #tpu.memory_space<hbm>>
    tpu.enqueue_dma source(%dma_start3A_9 : memref<32x32xi32, #tpu.memory_space<hbm>>) target(%arg8 : memref<32x32xi32, #tpu.memory_space<vmem>>) target_semaphore(%arg15 : memref<!tpu.dma_semaphore, #tpu.memory_space<semaphore_mem>>)
    tpu.enqueue_dma source(%arg4 : memref<32xf32, #tpu.memory_space<hbm>>) target(%arg9 : memref<32xf32, #tpu.memory_space<vmem>>) target_semaphore(%arg16 : memref<!tpu.dma_semaphore, #tpu.memory_space<semaphore_mem>>)
    %dma_start3A_10 = arith.constant 0 : i32
    %dma_start3A_11 = tpu.memref_slice %arg5[%dma_start3A_10] : memref<256xf32, #tpu.memory_space<hbm>> -> memref<32xf32, #tpu.memory_space<hbm>>
    %dma_start3A_12 = arith.constant 0 : i32
    %dma_start3A_13 = tpu.memref_slice %arg5[%dma_start3A_12] : memref<256xf32, #tpu.memory_space<hbm>> -> memref<32xf32, #tpu.memory_space<hbm>>
    tpu.enqueue_dma source(%dma_start3A_13 : memref<32xf32, #tpu.memory_space<hbm>>) target(%arg10 : memref<32xf32, #tpu.memory_space<vmem>>) target_semaphore(%arg17 : memref<!tpu.dma_semaphore, #tpu.memory_space<semaphore_mem>>)
    tpu.wait_dma2 semaphore(%arg16 : memref<!tpu.dma_semaphore, #tpu.memory_space<semaphore_mem>>) src(%arg4 : memref<32xf32, #tpu.memory_space<hbm>>) dst(%arg9 : memref<32xf32, #tpu.memory_space<vmem>>)
    %dma_wait3A = arith.constant 0 : i32
    %dma_wait3A_14 = tpu.memref_slice %arg5[%dma_wait3A] : memref<256xf32, #tpu.memory_space<hbm>> -> memref<32xf32, #tpu.memory_space<hbm>>
    %dma_wait3A_15 = arith.constant 0 : i32
    %dma_wait3A_16 = tpu.memref_slice %arg5[%dma_wait3A_15] : memref<256xf32, #tpu.memory_space<hbm>> -> memref<32xf32, #tpu.memory_space<hbm>>
    tpu.wait_dma2 semaphore(%arg17 : memref<!tpu.dma_semaphore, #tpu.memory_space<semaphore_mem>>) src(%dma_wait3A_16 : memref<32xf32, #tpu.memory_space<hbm>>) dst(%arg10 : memref<32xf32, #tpu.memory_space<vmem>>)
    %iota3A = tpu.iota {dimensions = array<i32: 0>} : vector<16xi32>
    %gather3A = tpu.vector_load_idx %arg10[%iota3A] : memref<32xf32, #tpu.memory_space<vmem>>[vector<16xi32>], vector<16xf32>,
    %add3A_17 = arith.constant 1 : i32
    %add3A_18 = vector.broadcast %add3A_17 : i32 to vector<16xi32>
    %add3A_19 = arith.addi %iota3A, %add3A_18 : vector<16xi32>
    %gather3A_20 = tpu.vector_load_idx %arg10[%add3A_19] : memref<32xf32, #tpu.memory_space<vmem>>[vector<16xi32>], vector<16xf32>,
    %sub3A = arith.subf %gather3A_20, %gather3A : vector<16xf32>
    %mul3A_21 = arith.constant 5.000000e-01 : f32
    %mul3A_22 = vector.broadcast %mul3A_21 : f32 to vector<16xf32>
    %mul3A_23 = arith.mulf %sub3A, %mul3A_22 : vector<16xf32>
    %get3A = arith.constant 0 : index
    %get3A_24 = tpu.vector_load %arg9[%get3A] {strides = array<i32>} : memref<32xf32, #tpu.memory_space<vmem>>, vector<16xf32>,
    %mul3A_25 = arith.constant -8.000000e+00 : f32
    %mul3A_26 = vector.broadcast %mul3A_25 : f32 to vector<16xf32>
    %mul3A_27 = arith.mulf %mul3A_23, %mul3A_26 : vector<16xf32>
    %mul3A_28 = arith.mulf %get3A_24, %mul3A_27 : vector<16xf32>
    %swap3A = arith.constant 0 : i32
    %swap3A_29 = arith.index_cast %swap3A : i32 to index
    %swap3A_30 = arith.constant 0 : index
    %swap3A_31 = tpu.vector_load %arg11[%swap3A_29, %swap3A_30] {strides = array<i32>} : memref<17x32xf32, #tpu.memory_space<vmem>>, vector<16xf32>,
    tpu.vector_store %arg11[%swap3A_29, %swap3A_30], %mul3A_28 {strides = array<i32>} : memref<17x32xf32, #tpu.memory_space<vmem>>, vector<16xf32>,
    %exp3A = math.exp %mul3A_28 : vector<16xf32>
    %mul3A_32 = arith.constant -7.000000e+00 : f32
    %mul3A_33 = vector.broadcast %mul3A_32 : f32 to vector<16xf32>
    %mul3A_34 = arith.mulf %mul3A_23, %mul3A_33 : vector<16xf32>
    %mul3A_35 = arith.mulf %get3A_24, %mul3A_34 : vector<16xf32>
    %swap3A_36 = arith.constant 1 : i32
    %swap3A_37 = arith.index_cast %swap3A_36 : i32 to index
    %swap3A_38 = arith.constant 0 : index
    %swap3A_39 = tpu.vector_load %arg11[%swap3A_37, %swap3A_38] {strides = array<i32>} : memref<17x32xf32, #tpu.memory_space<vmem>>, vector<16xf32>,
    tpu.vector_store %arg11[%swap3A_37, %swap3A_38], %mul3A_35 {strides = array<i32>} : memref<17x32xf32, #tpu.memory_space<vmem>>, vector<16xf32>,
    %exp3A_40 = math.exp %mul3A_35 : vector<16xf32>
    %add3A_41 = arith.addf %exp3A, %exp3A_40 : vector<16xf32>
    %mul3A_42 = arith.constant -6.000000e+00 : f32
    %mul3A_43 = vector.broadcast %mul3A_42 : f32 to vector<16xf32>
    %mul3A_44 = arith.mulf %mul3A_23, %mul3A_43 : vector<16xf32>
    %mul3A_45 = arith.mulf %get3A_24, %mul3A_44 : vector<16xf32>
    %swap3A_46 = arith.constant 2 : i32
    %swap3A_47 = arith.index_cast %swap3A_46 : i32 to index
    %swap3A_48 = arith.constant 0 : index
    %swap3A_49 = tpu.vector_load %arg11[%swap3A_47, %swap3A_48] {strides = array<i32>} : memref<17x32xf32, #tpu.memory_space<vmem>>, vector<16xf32>,
    tpu.vector_store %arg11[%swap3A_47, %swap3A_48], %mul3A_45 {strides = array<i32>} : memref<17x32xf32, #tpu.memory_space<vmem>>, vector<16xf32>,
    %exp3A_50 = math.exp %mul3A_45 : vector<16xf32>
    %add3A_51 = arith.addf %add3A_41, %exp3A_50 : vector<16xf32>
    %mul3A_52 = arith.constant -5.000000e+00 : f32
    %mul3A_53 = vector.broadcast %mul3A_52 : f32 to vector<16xf32>
    %mul3A_54 = arith.mulf %mul3A_23, %mul3A_53 : vector<16xf32>
    %mul3A_55 = arith.mulf %get3A_24, %mul3A_54 : vector<16xf32>
    %swap3A_56 = arith.constant 3 : i32
    %swap3A_57 = arith.index_cast %swap3A_56 : i32 to index
    %swap3A_58 = arith.constant 0 : index
    %swap3A_59 = tpu.vector_load %arg11[%swap3A_57, %swap3A_58] {strides = array<i32>} : memref<17x32xf32, #tpu.memory_space<vmem>>, vector<16xf32>,
    tpu.vector_store %arg11[%swap3A_57, %swap3A_58], %mul3A_55 {strides = array<i32>} : memref<17x32xf32, #tpu.memory_space<vmem>>, vector<16xf32>,
    %exp3A_60 = math.exp %mul3A_55 : vector<16xf32>
    %add3A_61 = arith.addf %add3A_51, %exp3A_60 : vector<16xf32>
    %mul3A_62 = arith.constant -4.000000e+00 : f32
    %mul3A_63 = vector.broadcast %mul3A_62 : f32 to vector<16xf32>
    %mul3A_64 = arith.mulf %mul3A_23, %mul3A_63 : vector<16xf32>
    %mul3A_65 = arith.mulf %get3A_24, %mul3A_64 : vector<16xf32>
    %swap3A_66 = arith.constant 4 : i32
    %swap3A_67 = arith.index_cast %swap3A_66 : i32 to index
    %swap3A_68 = arith.constant 0 : index
    %swap3A_69 = tpu.vector_load %arg11[%swap3A_67, %swap3A_68] {strides = array<i32>} : memref<17x32xf32, #tpu.memory_space<vmem>>, vector<16xf32>,
    tpu.vector_store %arg11[%swap3A_67, %swap3A_68], %mul3A_65 {strides = array<i32>} : memref<17x32xf32, #tpu.memory_space<vmem>>, vector<16xf32>,
    %exp3A_70 = math.exp %mul3A_65 : vector<16xf32>
    %add3A_71 = arith.addf %add3A_61, %exp3A_70 : vector<16xf32>
    %mul3A_72 = arith.constant -3.000000e+00 : f32
    %mul3A_73 = vector.broadcast %mul3A_72 : f32 to vector<16xf32>
    %mul3A_74 = arith.mulf %mul3A_23, %mul3A_73 : vector<16xf32>
    %mul3A_75 = arith.mulf %get3A_24, %mul3A_74 : vector<16xf32>
    %swap3A_76 = arith.constant 5 : i32
    %swap3A_77 = arith.index_cast %swap3A_76 : i32 to index
    %swap3A_78 = arith.constant 0 : index
    %swap3A_79 = tpu.vector_load %arg11[%swap3A_77, %swap3A_78] {strides = array<i32>} : memref<17x32xf32, #tpu.memory_space<vmem>>, vector<16xf32>,
    tpu.vector_store %arg11[%swap3A_77, %swap3A_78], %mul3A_75 {strides = array<i32>} : memref<17x32xf32, #tpu.memory_space<vmem>>, vector<16xf32>,
    %exp3A_80 = math.exp %mul3A_75 : vector<16xf32>
    %add3A_81 = arith.addf %add3A_71, %exp3A_80 : vector<16xf32>
    %mul3A_82 = arith.constant -2.000000e+00 : f32
    %mul3A_83 = vector.broadcast %mul3A_82 : f32 to vector<16xf32>
    %mul3A_84 = arith.mulf %mul3A_23, %mul3A_83 : vector<16xf32>
    %mul3A_85 = arith.mulf %get3A_24, %mul3A_84 : vector<16xf32>
    %swap3A_86 = arith.constant 6 : i32
    %swap3A_87 = arith.index_cast %swap3A_86 : i32 to index
    %swap3A_88 = arith.constant 0 : index
    %swap3A_89 = tpu.vector_load %arg11[%swap3A_87, %swap3A_88] {strides = array<i32>} : memref<17x32xf32, #tpu.memory_space<vmem>>, vector<16xf32>,
    tpu.vector_store %arg11[%swap3A_87, %swap3A_88], %mul3A_85 {strides = array<i32>} : memref<17x32xf32, #tpu.memory_space<vmem>>, vector<16xf32>,
    %exp3A_90 = math.exp %mul3A_85 : vector<16xf32>
    %add3A_91 = arith.addf %add3A_81, %exp3A_90 : vector<16xf32>
    %mul3A_92 = arith.constant -1.000000e+00 : f32
    %mul3A_93 = vector.broadcast %mul3A_92 : f32 to vector<16xf32>
    %mul3A_94 = arith.mulf %mul3A_23, %mul3A_93 : vector<16xf32>
    %mul3A_95 = arith.mulf %get3A_24, %mul3A_94 : vector<16xf32>
    %swap3A_96 = arith.constant 7 : i32
    %swap3A_97 = arith.index_cast %swap3A_96 : i32 to index
    %swap3A_98 = arith.constant 0 : index
    %swap3A_99 = tpu.vector_load %arg11[%swap3A_97, %swap3A_98] {strides = array<i32>} : memref<17x32xf32, #tpu.memory_space<vmem>>, vector<16xf32>,
    tpu.vector_store %arg11[%swap3A_97, %swap3A_98], %mul3A_95 {strides = array<i32>} : memref<17x32xf32, #tpu.memory_space<vmem>>, vector<16xf32>,
    %exp3A_100 = math.exp %mul3A_95 : vector<16xf32>
    %add3A_101 = arith.addf %add3A_91, %exp3A_100 : vector<16xf32>
    %mul3A_102 = arith.constant 0.000000e+00 : f32
    %mul3A_103 = vector.broadcast %mul3A_102 : f32 to vector<16xf32>
    %mul3A_104 = arith.mulf %mul3A_23, %mul3A_103 : vector<16xf32>
    %mul3A_105 = arith.mulf %get3A_24, %mul3A_104 : vector<16xf32>
    %swap3A_106 = arith.constant 8 : i32
    %swap3A_107 = arith.index_cast %swap3A_106 : i32 to index
    %swap3A_108 = arith.constant 0 : index
    %swap3A_109 = tpu.vector_load %arg11[%swap3A_107, %swap3A_108] {strides = array<i32>} : memref<17x32xf32, #tpu.memory_space<vmem>>, vector<16xf32>,
    tpu.vector_store %arg11[%swap3A_107, %swap3A_108], %mul3A_105 {strides = array<i32>} : memref<17x32xf32, #tpu.memory_space<vmem>>, vector<16xf32>,
    %exp3A_110 = math.exp %mul3A_105 : vector<16xf32>
    %add3A_111 = arith.addf %add3A_101, %exp3A_110 : vector<16xf32>
    %mul3A_112 = arith.constant 1.000000e+00 : f32
    %mul3A_113 = vector.broadcast %mul3A_112 : f32 to vector<16xf32>
    %mul3A_114 = arith.mulf %mul3A_23, %mul3A_113 : vector<16xf32>
    %mul3A_115 = arith.mulf %get3A_24, %mul3A_114 : vector<16xf32>
    %swap3A_116 = arith.constant 9 : i32
    %swap3A_117 = arith.index_cast %swap3A_116 : i32 to index
    %swap3A_118 = arith.constant 0 : index
    %swap3A_119 = tpu.vector_load %arg11[%swap3A_117, %swap3A_118] {strides = array<i32>} : memref<17x32xf32, #tpu.memory_space<vmem>>, vector<16xf32>,
    tpu.vector_store %arg11[%swap3A_117, %swap3A_118], %mul3A_115 {strides = array<i32>} : memref<17x32xf32, #tpu.memory_space<vmem>>, vector<16xf32>,
    %exp3A_120 = math.exp %mul3A_115 : vector<16xf32>
    %add3A_121 = arith.addf %add3A_111, %exp3A_120 : vector<16xf32>
    %mul3A_122 = arith.constant 2.000000e+00 : f32
    %mul3A_123 = vector.broadcast %mul3A_122 : f32 to vector<16xf32>
    %mul3A_124 = arith.mulf %mul3A_23, %mul3A_123 : vector<16xf32>
    %mul3A_125 = arith.mulf %get3A_24, %mul3A_124 : vector<16xf32>
    %swap3A_126 = arith.constant 10 : i32
    %swap3A_127 = arith.index_cast %swap3A_126 : i32 to index
    %swap3A_128 = arith.constant 0 : index
    %swap3A_129 = tpu.vector_load %arg11[%swap3A_127, %swap3A_128] {strides = array<i32>} : memref<17x32xf32, #tpu.memory_space<vmem>>, vector<16xf32>,
    tpu.vector_store %arg11[%swap3A_127, %swap3A_128], %mul3A_125 {strides = array<i32>} : memref<17x32xf32, #tpu.memory_space<vmem>>, vector<16xf32>,
    %exp3A_130 = math.exp %mul3A_125 : vector<16xf32>
    %add3A_131 = arith.addf %add3A_121, %exp3A_130 : vector<16xf32>
    %mul3A_132 = arith.constant 3.000000e+00 : f32
    %mul3A_133 = vector.broadcast %mul3A_132 : f32 to vector<16xf32>
    %mul3A_134 = arith.mulf %mul3A_23, %mul3A_133 : vector<16xf32>
    %mul3A_135 = arith.mulf %get3A_24, %mul3A_134 : vector<16xf32>
    %swap3A_136 = arith.constant 11 : i32
    %swap3A_137 = arith.index_cast %swap3A_136 : i32 to index
    %swap3A_138 = arith.constant 0 : index
    %swap3A_139 = tpu.vector_load %arg11[%swap3A_137, %swap3A_138] {strides = array<i32>} : memref<17x32xf32, #tpu.memory_space<vmem>>, vector<16xf32>,
    tpu.vector_store %arg11[%swap3A_137, %swap3A_138], %mul3A_135 {strides = array<i32>} : memref<17x32xf32, #tpu.memory_space<vmem>>, vector<16xf32>,
    %exp3A_140 = math.exp %mul3A_135 : vector<16xf32>
    %add3A_141 = arith.addf %add3A_131, %exp3A_140 : vector<16xf32>
    %mul3A_142 = arith.constant 4.000000e+00 : f32
    %mul3A_143 = vector.broadcast %mul3A_142 : f32 to vector<16xf32>
    %mul3A_144 = arith.mulf %mul3A_23, %mul3A_143 : vector<16xf32>
    %mul3A_145 = arith.mulf %get3A_24, %mul3A_144 : vector<16xf32>
    %swap3A_146 = arith.constant 12 : i32
    %swap3A_147 = arith.index_cast %swap3A_146 : i32 to index
    %swap3A_148 = arith.constant 0 : index
    %swap3A_149 = tpu.vector_load %arg11[%swap3A_147, %swap3A_148] {strides = array<i32>} : memref<17x32xf32, #tpu.memory_space<vmem>>, vector<16xf32>,
    tpu.vector_store %arg11[%swap3A_147, %swap3A_148], %mul3A_145 {strides = array<i32>} : memref<17x32xf32, #tpu.memory_space<vmem>>, vector<16xf32>,
    %exp3A_150 = math.exp %mul3A_145 : vector<16xf32>
    %add3A_151 = arith.addf %add3A_141, %exp3A_150 : vector<16xf32>
    %mul3A_152 = arith.constant 5.000000e+00 : f32
    %mul3A_153 = vector.broadcast %mul3A_152 : f32 to vector<16xf32>
    %mul3A_154 = arith.mulf %mul3A_23, %mul3A_153 : vector<16xf32>
    %mul3A_155 = arith.mulf %get3A_24, %mul3A_154 : vector<16xf32>
    %swap3A_156 = arith.constant 13 : i32
    %swap3A_157 = arith.index_cast %swap3A_156 : i32 to index
    %swap3A_158 = arith.constant 0 : index
    %swap3A_159 = tpu.vector_load %arg11[%swap3A_157, %swap3A_158] {strides = array<i32>} : memref<17x32xf32, #tpu.memory_space<vmem>>, vector<16xf32>,
    tpu.vector_store %arg11[%swap3A_157, %swap3A_158], %mul3A_155 {strides = array<i32>} : memref<17x32xf32, #tpu.memory_space<vmem>>, vector<16xf32>,
    %exp3A_160 = math.exp %mul3A_155 : vector<16xf32>
    %add3A_161 = arith.addf %add3A_151, %exp3A_160 : vector<16xf32>
    %mul3A_162 = arith.constant 6.000000e+00 : f32
    %mul3A_163 = vector.broadcast %mul3A_162 : f32 to vector<16xf32>
    %mul3A_164 = arith.mulf %mul3A_23, %mul3A_163 : vector<16xf32>
    %mul3A_165 = arith.mulf %get3A_24, %mul3A_164 : vector<16xf32>
    %swap3A_166 = arith.constant 14 : i32
    %swap3A_167 = arith.index_cast %swap3A_166 : i32 to index
    %swap3A_168 = arith.constant 0 : index
    %swap3A_169 = tpu.vector_load %arg11[%swap3A_167, %swap3A_168] {strides = array<i32>} : memref<17x32xf32, #tpu.memory_space<vmem>>, vector<16xf32>,
    tpu.vector_store %arg11[%swap3A_167, %swap3A_168], %mul3A_165 {strides = array<i32>} : memref<17x32xf32, #tpu.memory_space<vmem>>, vector<16xf32>,
    %exp3A_170 = math.exp %mul3A_165 : vector<16xf32>
    %add3A_171 = arith.addf %add3A_161, %exp3A_170 : vector<16xf32>
    %mul3A_172 = arith.constant 7.000000e+00 : f32
    %mul3A_173 = vector.broadcast %mul3A_172 : f32 to vector<16xf32>
    %mul3A_174 = arith.mulf %mul3A_23, %mul3A_173 : vector<16xf32>
    %mul3A_175 = arith.mulf %get3A_24, %mul3A_174 : vector<16xf32>
    %swap3A_176 = arith.constant 15 : i32
    %swap3A_177 = arith.index_cast %swap3A_176 : i32 to index
    %swap3A_178 = arith.constant 0 : index
    %swap3A_179 = tpu.vector_load %arg11[%swap3A_177, %swap3A_178] {strides = array<i32>} : memref<17x32xf32, #tpu.memory_space<vmem>>, vector<16xf32>,
    tpu.vector_store %arg11[%swap3A_177, %swap3A_178], %mul3A_175 {strides = array<i32>} : memref<17x32xf32, #tpu.memory_space<vmem>>, vector<16xf32>,
    %exp3A_180 = math.exp %mul3A_175 : vector<16xf32>
    %add3A_181 = arith.addf %add3A_171, %exp3A_180 : vector<16xf32>
    %mul3A_182 = arith.constant 8.000000e+00 : f32
    %mul3A_183 = vector.broadcast %mul3A_182 : f32 to vector<16xf32>
    %mul3A_184 = arith.mulf %mul3A_23, %mul3A_183 : vector<16xf32>
    %mul3A_185 = arith.mulf %get3A_24, %mul3A_184 : vector<16xf32>
    %swap3A_186 = arith.constant 16 : i32
    %swap3A_187 = arith.index_cast %swap3A_186 : i32 to index
    %swap3A_188 = arith.constant 0 : index
    %swap3A_189 = tpu.vector_load %arg11[%swap3A_187, %swap3A_188] {strides = array<i32>} : memref<17x32xf32, #tpu.memory_space<vmem>>, vector<16xf32>,
    tpu.vector_store %arg11[%swap3A_187, %swap3A_188], %mul3A_185 {strides = array<i32>} : memref<17x32xf32, #tpu.memory_space<vmem>>, vector<16xf32>,
    %exp3A_190 = math.exp %mul3A_185 : vector<16xf32>
    %add3A_191 = arith.addf %add3A_181, %exp3A_190 : vector<16xf32>
    %bitcast3A = vector.bitcast %add3A_111 : vector<16xf32> to vector<16xi32>
    %shift_right_arithmetic3A = arith.constant 23 : i32
    %shift_right_arithmetic3A_192 = vector.broadcast %shift_right_arithmetic3A : i32 to vector<16xi32>
    %shift_right_arithmetic3A_193 = arith.shrsi %bitcast3A, %shift_right_arithmetic3A_192 : vector<16xi32>
    %sub3A_194 = arith.constant 127 : i32
    %sub3A_195 = vector.broadcast %sub3A_194 : i32 to vector<16xi32>
    %sub3A_196 = arith.subi %shift_right_arithmetic3A_193, %sub3A_195 : vector<16xi32>
    %and3A = arith.constant 8388607 : i32
    %and3A_197 = vector.broadcast %and3A : i32 to vector<16xi32>
    %and3A_198 = arith.andi %bitcast3A, %and3A_197 : vector<16xi32>
    %or3A = arith.constant 1065353216 : i32
    %or3A_199 = vector.broadcast %or3A : i32 to vector<16xi32>
    %or3A_200 = arith.ori %and3A_198, %or3A_199 : vector<16xi32>
    %bitcast3A_201 = vector.bitcast %or3A_200 : vector<16xi32> to vector<16xf32>
    %broadcast_in_dim3A = arith.constant 3.044900e-02 : f32
    %broadcast_in_dim3A_202 = vector.broadcast %broadcast_in_dim3A : f32 to vector<16xf32>
    %mul3A_203 = arith.mulf %broadcast_in_dim3A_202, %bitcast3A_201 : vector<16xf32>
    %add3A_204 = arith.constant -0.283826858 : f32
    %add3A_205 = vector.broadcast %add3A_204 : f32 to vector<16xf32>
    %add3A_206 = arith.addf %mul3A_203, %add3A_205 : vector<16xf32>
    %mul3A_207 = arith.mulf %add3A_206, %bitcast3A_201 : vector<16xf32>
    %add3A_208 = arith.constant 1.116090e+00 : f32
    %add3A_209 = vector.broadcast %add3A_208 : f32 to vector<16xf32>
    %add3A_210 = arith.addf %mul3A_207, %add3A_209 : vector<16xf32>
    %mul3A_211 = arith.mulf %add3A_210, %bitcast3A_201 : vector<16xf32>
    %add3A_212 = arith.constant -2.44002986 : f32
    %add3A_213 = vector.broadcast %add3A_212 : f32 to vector<16xf32>
    %add3A_214 = arith.addf %mul3A_211, %add3A_213 : vector<16xf32>
    %mul3A_215 = arith.mulf %add3A_214, %bitcast3A_201 : vector<16xf32>
    %add3A_216 = arith.constant 3.5140872 : f32
    %add3A_217 = vector.broadcast %add3A_216 : f32 to vector<16xf32>
    %add3A_218 = arith.addf %mul3A_215, %add3A_217 : vector<16xf32>
    %mul3A_219 = arith.mulf %add3A_218, %bitcast3A_201 : vector<16xf32>
    %add3A_220 = arith.constant -1.93675971 : f32
    %add3A_221 = vector.broadcast %add3A_220 : f32 to vector<16xf32>
    %add3A_222 = arith.addf %mul3A_219, %add3A_221 : vector<16xf32>
    %convert_element_type3A = arith.sitofp %sub3A_196 : vector<16xi32> to vector<16xf32>
    %mul3A_223 = arith.constant 0.693147182 : f32
    %mul3A_224 = vector.broadcast %mul3A_223 : f32 to vector<16xf32>
    %mul3A_225 = arith.mulf %convert_element_type3A, %mul3A_224 : vector<16xf32>
    %add3A_226 = arith.addf %mul3A_225, %add3A_222 : vector<16xf32>
    %swap3A_227 = arith.constant 0 : i32
    %swap3A_228 = arith.index_cast %swap3A_227 : i32 to index
    %swap3A_229 = arith.constant 0 : index
    %swap3A_230 = tpu.vector_load %arg12[%swap3A_228, %swap3A_229] {strides = array<i32>} : memref<17x32xf32, #tpu.memory_space<vmem>>, vector<16xf32>,
    tpu.vector_store %arg12[%swap3A_228, %swap3A_229], %add3A_226 {strides = array<i32>} : memref<17x32xf32, #tpu.memory_space<vmem>>, vector<16xf32>,
    %bitcast3A_231 = vector.bitcast %add3A_121 : vector<16xf32> to vector<16xi32>
    %shift_right_arithmetic3A_232 = arith.constant 23 : i32
    %shift_right_arithmetic3A_233 = vector.broadcast %shift_right_arithmetic3A_232 : i32 to vector<16xi32>
    %shift_right_arithmetic3A_234 = arith.shrsi %bitcast3A_231, %shift_right_arithmetic3A_233 : vector<16xi32>
    %sub3A_235 = arith.constant 127 : i32
    %sub3A_236 = vector.broadcast %sub3A_235 : i32 to vector<16xi32>
    %sub3A_237 = arith.subi %shift_right_arithmetic3A_234, %sub3A_236 : vector<16xi32>
    %and3A_238 = arith.constant 8388607 : i32
    %and3A_239 = vector.broadcast %and3A_238 : i32 to vector<16xi32>
    %and3A_240 = arith.andi %bitcast3A_231, %and3A_239 : vector<16xi32>
    %or3A_241 = arith.constant 1065353216 : i32
    %or3A_242 = vector.broadcast %or3A_241 : i32 to vector<16xi32>
    %or3A_243 = arith.ori %and3A_240, %or3A_242 : vector<16xi32>
    %bitcast3A_244 = vector.bitcast %or3A_243 : vector<16xi32> to vector<16xf32>
    %broadcast_in_dim3A_245 = arith.constant 3.044900e-02 : f32
    %broadcast_in_dim3A_246 = vector.broadcast %broadcast_in_dim3A_245 : f32 to vector<16xf32>
    %mul3A_247 = arith.mulf %broadcast_in_dim3A_246, %bitcast3A_244 : vector<16xf32>
    %add3A_248 = arith.constant -0.283826858 : f32
    %add3A_249 = vector.broadcast %add3A_248 : f32 to vector<16xf32>
    %add3A_250 = arith.addf %mul3A_247, %add3A_249 : vector<16xf32>
    %mul3A_251 = arith.mulf %add3A_250, %bitcast3A_244 : vector<16xf32>
    %add3A_252 = arith.constant 1.116090e+00 : f32
    %add3A_253 = vector.broadcast %add3A_252 : f32 to vector<16xf32>
    %add3A_254 = arith.addf %mul3A_251, %add3A_253 : vector<16xf32>
    %mul3A_255 = arith.mulf %add3A_254, %bitcast3A_244 : vector<16xf32>
    %add3A_256 = arith.constant -2.44002986 : f32
    %add3A_257 = vector.broadcast %add3A_256 : f32 to vector<16xf32>
    %add3A_258 = arith.addf %mul3A_255, %add3A_257 : vector<16xf32>
    %mul3A_259 = arith.mulf %add3A_258, %bitcast3A_244 : vector<16xf32>
    %add3A_260 = arith.constant 3.5140872 : f32
    %add3A_261 = vector.broadcast %add3A_260 : f32 to vector<16xf32>
    %add3A_262 = arith.addf %mul3A_259, %add3A_261 : vector<16xf32>
    %mul3A_263 = arith.mulf %add3A_262, %bitcast3A_244 : vector<16xf32>
    %add3A_264 = arith.constant -1.93675971 : f32
    %add3A_265 = vector.broadcast %add3A_264 : f32 to vector<16xf32>
    %add3A_266 = arith.addf %mul3A_263, %add3A_265 : vector<16xf32>
    %convert_element_type3A_267 = arith.sitofp %sub3A_237 : vector<16xi32> to vector<16xf32>
    %mul3A_268 = arith.constant 0.693147182 : f32
    %mul3A_269 = vector.broadcast %mul3A_268 : f32 to vector<16xf32>
    %mul3A_270 = arith.mulf %convert_element_type3A_267, %mul3A_269 : vector<16xf32>
    %add3A_271 = arith.addf %mul3A_270, %add3A_266 : vector<16xf32>
    %swap3A_272 = arith.constant 1 : i32
    %swap3A_273 = arith.index_cast %swap3A_272 : i32 to index
    %swap3A_274 = arith.constant 0 : index
    %swap3A_275 = tpu.vector_load %arg12[%swap3A_273, %swap3A_274] {strides = array<i32>} : memref<17x32xf32, #tpu.memory_space<vmem>>, vector<16xf32>,
    tpu.vector_store %arg12[%swap3A_273, %swap3A_274], %add3A_271 {strides = array<i32>} : memref<17x32xf32, #tpu.memory_space<vmem>>, vector<16xf32>,
    %bitcast3A_276 = vector.bitcast %add3A_131 : vector<16xf32> to vector<16xi32>
    %shift_right_arithmetic3A_277 = arith.constant 23 : i32
    %shift_right_arithmetic3A_278 = vector.broadcast %shift_right_arithmetic3A_277 : i32 to vector<16xi32>
    %shift_right_arithmetic3A_279 = arith.shrsi %bitcast3A_276, %shift_right_arithmetic3A_278 : vector<16xi32>
    %sub3A_280 = arith.constant 127 : i32
    %sub3A_281 = vector.broadcast %sub3A_280 : i32 to vector<16xi32>
    %sub3A_282 = arith.subi %shift_right_arithmetic3A_279, %sub3A_281 : vector<16xi32>
    %and3A_283 = arith.constant 8388607 : i32
    %and3A_284 = vector.broadcast %and3A_283 : i32 to vector<16xi32>
    %and3A_285 = arith.andi %bitcast3A_276, %and3A_284 : vector<16xi32>
    %or3A_286 = arith.constant 1065353216 : i32
    %or3A_287 = vector.broadcast %or3A_286 : i32 to vector<16xi32>
    %or3A_288 = arith.ori %and3A_285, %or3A_287 : vector<16xi32>
    %bitcast3A_289 = vector.bitcast %or3A_288 : vector<16xi32> to vector<16xf32>
    %broadcast_in_dim3A_290 = arith.constant 3.044900e-02 : f32
    %broadcast_in_dim3A_291 = vector.broadcast %broadcast_in_dim3A_290 : f32 to vector<16xf32>
    %mul3A_292 = arith.mulf %broadcast_in_dim3A_291, %bitcast3A_289 : vector<16xf32>
    %add3A_293 = arith.constant -0.283826858 : f32
    %add3A_294 = vector.broadcast %add3A_293 : f32 to vector<16xf32>
    %add3A_295 = arith.addf %mul3A_292, %add3A_294 : vector<16xf32>
    %mul3A_296 = arith.mulf %add3A_295, %bitcast3A_289 : vector<16xf32>
    %add3A_297 = arith.constant 1.116090e+00 : f32
    %add3A_298 = vector.broadcast %add3A_297 : f32 to vector<16xf32>
    %add3A_299 = arith.addf %mul3A_296, %add3A_298 : vector<16xf32>
    %mul3A_300 = arith.mulf %add3A_299, %bitcast3A_289 : vector<16xf32>
    %add3A_301 = arith.constant -2.44002986 : f32
    %add3A_302 = vector.broadcast %add3A_301 : f32 to vector<16xf32>
    %add3A_303 = arith.addf %mul3A_300, %add3A_302 : vector<16xf32>
    %mul3A_304 = arith.mulf %add3A_303, %bitcast3A_289 : vector<16xf32>
    %add3A_305 = arith.constant 3.5140872 : f32
    %add3A_306 = vector.broadcast %add3A_305 : f32 to vector<16xf32>
    %add3A_307 = arith.addf %mul3A_304, %add3A_306 : vector<16xf32>
    %mul3A_308 = arith.mulf %add3A_307, %bitcast3A_289 : vector<16xf32>
    %add3A_309 = arith.constant -1.93675971 : f32
    %add3A_310 = vector.broadcast %add3A_309 : f32 to vector<16xf32>
    %add3A_311 = arith.addf %mul3A_308, %add3A_310 : vector<16xf32>
    %convert_element_type3A_312 = arith.sitofp %sub3A_282 : vector<16xi32> to vector<16xf32>
    %mul3A_313 = arith.constant 0.693147182 : f32
    %mul3A_314 = vector.broadcast %mul3A_313 : f32 to vector<16xf32>
    %mul3A_315 = arith.mulf %convert_element_type3A_312, %mul3A_314 : vector<16xf32>
    %add3A_316 = arith.addf %mul3A_315, %add3A_311 : vector<16xf32>
    %swap3A_317 = arith.constant 2 : i32
    %swap3A_318 = arith.index_cast %swap3A_317 : i32 to index
    %swap3A_319 = arith.constant 0 : index
    %swap3A_320 = tpu.vector_load %arg12[%swap3A_318, %swap3A_319] {strides = array<i32>} : memref<17x32xf32, #tpu.memory_space<vmem>>, vector<16xf32>,
    tpu.vector_store %arg12[%swap3A_318, %swap3A_319], %add3A_316 {strides = array<i32>} : memref<17x32xf32, #tpu.memory_space<vmem>>, vector<16xf32>,
    %bitcast3A_321 = vector.bitcast %add3A_141 : vector<16xf32> to vector<16xi32>
    %shift_right_arithmetic3A_322 = arith.constant 23 : i32
    %shift_right_arithmetic3A_323 = vector.broadcast %shift_right_arithmetic3A_322 : i32 to vector<16xi32>
    %shift_right_arithmetic3A_324 = arith.shrsi %bitcast3A_321, %shift_right_arithmetic3A_323 : vector<16xi32>
    %sub3A_325 = arith.constant 127 : i32
    %sub3A_326 = vector.broadcast %sub3A_325 : i32 to vector<16xi32>
    %sub3A_327 = arith.subi %shift_right_arithmetic3A_324, %sub3A_326 : vector<16xi32>
    %and3A_328 = arith.constant 8388607 : i32
    %and3A_329 = vector.broadcast %and3A_328 : i32 to vector<16xi32>
    %and3A_330 = arith.andi %bitcast3A_321, %and3A_329 : vector<16xi32>
    %or3A_331 = arith.constant 1065353216 : i32
    %or3A_332 = vector.broadcast %or3A_331 : i32 to vector<16xi32>
    %or3A_333 = arith.ori %and3A_330, %or3A_332 : vector<16xi32>
    %bitcast3A_334 = vector.bitcast %or3A_333 : vector<16xi32> to vector<16xf32>
    %broadcast_in_dim3A_335 = arith.constant 3.044900e-02 : f32
    %broadcast_in_dim3A_336 = vector.broadcast %broadcast_in_dim3A_335 : f32 to vector<16xf32>
    %mul3A_337 = arith.mulf %broadcast_in_dim3A_336, %bitcast3A_334 : vector<16xf32>
    %add3A_338 = arith.constant -0.283826858 : f32
    %add3A_339 = vector.broadcast %add3A_338 : f32 to vector<16xf32>
    %add3A_340 = arith.addf %mul3A_337, %add3A_339 : vector<16xf32>
    %mul3A_341 = arith.mulf %add3A_340, %bitcast3A_334 : vector<16xf32>
    %add3A_342 = arith.constant 1.116090e+00 : f32
    %add3A_343 = vector.broadcast %add3A_342 : f32 to vector<16xf32>
    %add3A_344 = arith.addf %mul3A_341, %add3A_343 : vector<16xf32>
    %mul3A_345 = arith.mulf %add3A_344, %bitcast3A_334 : vector<16xf32>
    %add3A_346 = arith.constant -2.44002986 : f32
    %add3A_347 = vector.broadcast %add3A_346 : f32 to vector<16xf32>
    %add3A_348 = arith.addf %mul3A_345, %add3A_347 : vector<16xf32>
    %mul3A_349 = arith.mulf %add3A_348, %bitcast3A_334 : vector<16xf32>
    %add3A_350 = arith.constant 3.5140872 : f32
    %add3A_351 = vector.broadcast %add3A_350 : f32 to vector<16xf32>
    %add3A_352 = arith.addf %mul3A_349, %add3A_351 : vector<16xf32>
    %mul3A_353 = arith.mulf %add3A_352, %bitcast3A_334 : vector<16xf32>
    %add3A_354 = arith.constant -1.93675971 : f32
    %add3A_355 = vector.broadcast %add3A_354 : f32 to vector<16xf32>
    %add3A_356 = arith.addf %mul3A_353, %add3A_355 : vector<16xf32>
    %convert_element_type3A_357 = arith.sitofp %sub3A_327 : vector<16xi32> to vector<16xf32>
    %mul3A_358 = arith.constant 0.693147182 : f32
    %mul3A_359 = vector.broadcast %mul3A_358 : f32 to vector<16xf32>
    %mul3A_360 = arith.mulf %convert_element_type3A_357, %mul3A_359 : vector<16xf32>
    %add3A_361 = arith.addf %mul3A_360, %add3A_356 : vector<16xf32>
    %swap3A_362 = arith.constant 3 : i32
    %swap3A_363 = arith.index_cast %swap3A_362 : i32 to index
    %swap3A_364 = arith.constant 0 : index
    %swap3A_365 = tpu.vector_load %arg12[%swap3A_363, %swap3A_364] {strides = array<i32>} : memref<17x32xf32, #tpu.memory_space<vmem>>, vector<16xf32>,
    tpu.vector_store %arg12[%swap3A_363, %swap3A_364], %add3A_361 {strides = array<i32>} : memref<17x32xf32, #tpu.memory_space<vmem>>, vector<16xf32>,
    %bitcast3A_366 = vector.bitcast %add3A_151 : vector<16xf32> to vector<16xi32>
    %shift_right_arithmetic3A_367 = arith.constant 23 : i32
    %shift_right_arithmetic3A_368 = vector.broadcast %shift_right_arithmetic3A_367 : i32 to vector<16xi32>
    %shift_right_arithmetic3A_369 = arith.shrsi %bitcast3A_366, %shift_right_arithmetic3A_368 : vector<16xi32>
    %sub3A_370 = arith.constant 127 : i32
    %sub3A_371 = vector.broadcast %sub3A_370 : i32 to vector<16xi32>
    %sub3A_372 = arith.subi %shift_right_arithmetic3A_369, %sub3A_371 : vector<16xi32>
    %and3A_373 = arith.constant 8388607 : i32
    %and3A_374 = vector.broadcast %and3A_373 : i32 to vector<16xi32>
    %and3A_375 = arith.andi %bitcast3A_366, %and3A_374 : vector<16xi32>
    %or3A_376 = arith.constant 1065353216 : i32
    %or3A_377 = vector.broadcast %or3A_376 : i32 to vector<16xi32>
    %or3A_378 = arith.ori %and3A_375, %or3A_377 : vector<16xi32>
    %bitcast3A_379 = vector.bitcast %or3A_378 : vector<16xi32> to vector<16xf32>
    %broadcast_in_dim3A_380 = arith.constant 3.044900e-02 : f32
    %broadcast_in_dim3A_381 = vector.broadcast %broadcast_in_dim3A_380 : f32 to vector<16xf32>
    %mul3A_382 = arith.mulf %broadcast_in_dim3A_381, %bitcast3A_379 : vector<16xf32>
    %add3A_383 = arith.constant -0.283826858 : f32
    %add3A_384 = vector.broadcast %add3A_383 : f32 to vector<16xf32>
    %add3A_385 = arith.addf %mul3A_382, %add3A_384 : vector<16xf32>
    %mul3A_386 = arith.mulf %add3A_385, %bitcast3A_379 : vector<16xf32>
    %add3A_387 = arith.constant 1.116090e+00 : f32
    %add3A_388 = vector.broadcast %add3A_387 : f32 to vector<16xf32>
    %add3A_389 = arith.addf %mul3A_386, %add3A_388 : vector<16xf32>
    %mul3A_390 = arith.mulf %add3A_389, %bitcast3A_379 : vector<16xf32>
    %add3A_391 = arith.constant -2.44002986 : f32
    %add3A_392 = vector.broadcast %add3A_391 : f32 to vector<16xf32>
    %add3A_393 = arith.addf %mul3A_390, %add3A_392 : vector<16xf32>
    %mul3A_394 = arith.mulf %add3A_393, %bitcast3A_379 : vector<16xf32>
    %add3A_395 = arith.constant 3.5140872 : f32
    %add3A_396 = vector.broadcast %add3A_395 : f32 to vector<16xf32>
    %add3A_397 = arith.addf %mul3A_394, %add3A_396 : vector<16xf32>
    %mul3A_398 = arith.mulf %add3A_397, %bitcast3A_379 : vector<16xf32>
    %add3A_399 = arith.constant -1.93675971 : f32
    %add3A_400 = vector.broadcast %add3A_399 : f32 to vector<16xf32>
    %add3A_401 = arith.addf %mul3A_398, %add3A_400 : vector<16xf32>
    %convert_element_type3A_402 = arith.sitofp %sub3A_372 : vector<16xi32> to vector<16xf32>
    %mul3A_403 = arith.constant 0.693147182 : f32
    %mul3A_404 = vector.broadcast %mul3A_403 : f32 to vector<16xf32>
    %mul3A_405 = arith.mulf %convert_element_type3A_402, %mul3A_404 : vector<16xf32>
    %add3A_406 = arith.addf %mul3A_405, %add3A_401 : vector<16xf32>
    %swap3A_407 = arith.constant 4 : i32
    %swap3A_408 = arith.index_cast %swap3A_407 : i32 to index
    %swap3A_409 = arith.constant 0 : index
    %swap3A_410 = tpu.vector_load %arg12[%swap3A_408, %swap3A_409] {strides = array<i32>} : memref<17x32xf32, #tpu.memory_space<vmem>>, vector<16xf32>,
    tpu.vector_store %arg12[%swap3A_408, %swap3A_409], %add3A_406 {strides = array<i32>} : memref<17x32xf32, #tpu.memory_space<vmem>>, vector<16xf32>,
    %bitcast3A_411 = vector.bitcast %add3A_161 : vector<16xf32> to vector<16xi32>
    %shift_right_arithmetic3A_412 = arith.constant 23 : i32
    %shift_right_arithmetic3A_413 = vector.broadcast %shift_right_arithmetic3A_412 : i32 to vector<16xi32>
    %shift_right_arithmetic3A_414 = arith.shrsi %bitcast3A_411, %shift_right_arithmetic3A_413 : vector<16xi32>
    %sub3A_415 = arith.constant 127 : i32
    %sub3A_416 = vector.broadcast %sub3A_415 : i32 to vector<16xi32>
    %sub3A_417 = arith.subi %shift_right_arithmetic3A_414, %sub3A_416 : vector<16xi32>
    %and3A_418 = arith.constant 8388607 : i32
    %and3A_419 = vector.broadcast %and3A_418 : i32 to vector<16xi32>
    %and3A_420 = arith.andi %bitcast3A_411, %and3A_419 : vector<16xi32>
    %or3A_421 = arith.constant 1065353216 : i32
    %or3A_422 = vector.broadcast %or3A_421 : i32 to vector<16xi32>
    %or3A_423 = arith.ori %and3A_420, %or3A_422 : vector<16xi32>
    %bitcast3A_424 = vector.bitcast %or3A_423 : vector<16xi32> to vector<16xf32>
    %broadcast_in_dim3A_425 = arith.constant 3.044900e-02 : f32
    %broadcast_in_dim3A_426 = vector.broadcast %broadcast_in_dim3A_425 : f32 to vector<16xf32>
    %mul3A_427 = arith.mulf %broadcast_in_dim3A_426, %bitcast3A_424 : vector<16xf32>
    %add3A_428 = arith.constant -0.283826858 : f32
    %add3A_429 = vector.broadcast %add3A_428 : f32 to vector<16xf32>
    %add3A_430 = arith.addf %mul3A_427, %add3A_429 : vector<16xf32>
    %mul3A_431 = arith.mulf %add3A_430, %bitcast3A_424 : vector<16xf32>
    %add3A_432 = arith.constant 1.116090e+00 : f32
    %add3A_433 = vector.broadcast %add3A_432 : f32 to vector<16xf32>
    %add3A_434 = arith.addf %mul3A_431, %add3A_433 : vector<16xf32>
    %mul3A_435 = arith.mulf %add3A_434, %bitcast3A_424 : vector<16xf32>
    %add3A_436 = arith.constant -2.44002986 : f32
    %add3A_437 = vector.broadcast %add3A_436 : f32 to vector<16xf32>
    %add3A_438 = arith.addf %mul3A_435, %add3A_437 : vector<16xf32>
    %mul3A_439 = arith.mulf %add3A_438, %bitcast3A_424 : vector<16xf32>
    %add3A_440 = arith.constant 3.5140872 : f32
    %add3A_441 = vector.broadcast %add3A_440 : f32 to vector<16xf32>
    %add3A_442 = arith.addf %mul3A_439, %add3A_441 : vector<16xf32>
    %mul3A_443 = arith.mulf %add3A_442, %bitcast3A_424 : vector<16xf32>
    %add3A_444 = arith.constant -1.93675971 : f32
    %add3A_445 = vector.broadcast %add3A_444 : f32 to vector<16xf32>
    %add3A_446 = arith.addf %mul3A_443, %add3A_445 : vector<16xf32>
    %convert_element_type3A_447 = arith.sitofp %sub3A_417 : vector<16xi32> to vector<16xf32>
    %mul3A_448 = arith.constant 0.693147182 : f32
    %mul3A_449 = vector.broadcast %mul3A_448 : f32 to vector<16xf32>
    %mul3A_450 = arith.mulf %convert_element_type3A_447, %mul3A_449 : vector<16xf32>
    %add3A_451 = arith.addf %mul3A_450, %add3A_446 : vector<16xf32>
    %swap3A_452 = arith.constant 5 : i32
    %swap3A_453 = arith.index_cast %swap3A_452 : i32 to index
    %swap3A_454 = arith.constant 0 : index
    %swap3A_455 = tpu.vector_load %arg12[%swap3A_453, %swap3A_454] {strides = array<i32>} : memref<17x32xf32, #tpu.memory_space<vmem>>, vector<16xf32>,
    tpu.vector_store %arg12[%swap3A_453, %swap3A_454], %add3A_451 {strides = array<i32>} : memref<17x32xf32, #tpu.memory_space<vmem>>, vector<16xf32>,
    %bitcast3A_456 = vector.bitcast %add3A_171 : vector<16xf32> to vector<16xi32>
    %shift_right_arithmetic3A_457 = arith.constant 23 : i32
    %shift_right_arithmetic3A_458 = vector.broadcast %shift_right_arithmetic3A_457 : i32 to vector<16xi32>
    %shift_right_arithmetic3A_459 = arith.shrsi %bitcast3A_456, %shift_right_arithmetic3A_458 : vector<16xi32>
    %sub3A_460 = arith.constant 127 : i32
    %sub3A_461 = vector.broadcast %sub3A_460 : i32 to vector<16xi32>
    %sub3A_462 = arith.subi %shift_right_arithmetic3A_459, %sub3A_461 : vector<16xi32>
    %and3A_463 = arith.constant 8388607 : i32
    %and3A_464 = vector.broadcast %and3A_463 : i32 to vector<16xi32>
    %and3A_465 = arith.andi %bitcast3A_456, %and3A_464 : vector<16xi32>
    %or3A_466 = arith.constant 1065353216 : i32
    %or3A_467 = vector.broadcast %or3A_466 : i32 to vector<16xi32>
    %or3A_468 = arith.ori %and3A_465, %or3A_467 : vector<16xi32>
    %bitcast3A_469 = vector.bitcast %or3A_468 : vector<16xi32> to vector<16xf32>
    %broadcast_in_dim3A_470 = arith.constant 3.044900e-02 : f32
    %broadcast_in_dim3A_471 = vector.broadcast %broadcast_in_dim3A_470 : f32 to vector<16xf32>
    %mul3A_472 = arith.mulf %broadcast_in_dim3A_471, %bitcast3A_469 : vector<16xf32>
    %add3A_473 = arith.constant -0.283826858 : f32
    %add3A_474 = vector.broadcast %add3A_473 : f32 to vector<16xf32>
    %add3A_475 = arith.addf %mul3A_472, %add3A_474 : vector<16xf32>
    %mul3A_476 = arith.mulf %add3A_475, %bitcast3A_469 : vector<16xf32>
    %add3A_477 = arith.constant 1.116090e+00 : f32
    %add3A_478 = vector.broadcast %add3A_477 : f32 to vector<16xf32>
    %add3A_479 = arith.addf %mul3A_476, %add3A_478 : vector<16xf32>
    %mul3A_480 = arith.mulf %add3A_479, %bitcast3A_469 : vector<16xf32>
    %add3A_481 = arith.constant -2.44002986 : f32
    %add3A_482 = vector.broadcast %add3A_481 : f32 to vector<16xf32>
    %add3A_483 = arith.addf %mul3A_480, %add3A_482 : vector<16xf32>
    %mul3A_484 = arith.mulf %add3A_483, %bitcast3A_469 : vector<16xf32>
    %add3A_485 = arith.constant 3.5140872 : f32
    %add3A_486 = vector.broadcast %add3A_485 : f32 to vector<16xf32>
    %add3A_487 = arith.addf %mul3A_484, %add3A_486 : vector<16xf32>
    %mul3A_488 = arith.mulf %add3A_487, %bitcast3A_469 : vector<16xf32>
    %add3A_489 = arith.constant -1.93675971 : f32
    %add3A_490 = vector.broadcast %add3A_489 : f32 to vector<16xf32>
    %add3A_491 = arith.addf %mul3A_488, %add3A_490 : vector<16xf32>
    %convert_element_type3A_492 = arith.sitofp %sub3A_462 : vector<16xi32> to vector<16xf32>
    %mul3A_493 = arith.constant 0.693147182 : f32
    %mul3A_494 = vector.broadcast %mul3A_493 : f32 to vector<16xf32>
    %mul3A_495 = arith.mulf %convert_element_type3A_492, %mul3A_494 : vector<16xf32>
    %add3A_496 = arith.addf %mul3A_495, %add3A_491 : vector<16xf32>
    %swap3A_497 = arith.constant 6 : i32
    %swap3A_498 = arith.index_cast %swap3A_497 : i32 to index
    %swap3A_499 = arith.constant 0 : index
    %swap3A_500 = tpu.vector_load %arg12[%swap3A_498, %swap3A_499] {strides = array<i32>} : memref<17x32xf32, #tpu.memory_space<vmem>>, vector<16xf32>,
    tpu.vector_store %arg12[%swap3A_498, %swap3A_499], %add3A_496 {strides = array<i32>} : memref<17x32xf32, #tpu.memory_space<vmem>>, vector<16xf32>,
    %bitcast3A_501 = vector.bitcast %add3A_181 : vector<16xf32> to vector<16xi32>
    %shift_right_arithmetic3A_502 = arith.constant 23 : i32
    %shift_right_arithmetic3A_503 = vector.broadcast %shift_right_arithmetic3A_502 : i32 to vector<16xi32>
    %shift_right_arithmetic3A_504 = arith.shrsi %bitcast3A_501, %shift_right_arithmetic3A_503 : vector<16xi32>
    %sub3A_505 = arith.constant 127 : i32
    %sub3A_506 = vector.broadcast %sub3A_505 : i32 to vector<16xi32>
    %sub3A_507 = arith.subi %shift_right_arithmetic3A_504, %sub3A_506 : vector<16xi32>
    %and3A_508 = arith.constant 8388607 : i32
    %and3A_509 = vector.broadcast %and3A_508 : i32 to vector<16xi32>
    %and3A_510 = arith.andi %bitcast3A_501, %and3A_509 : vector<16xi32>
    %or3A_511 = arith.constant 1065353216 : i32
    %or3A_512 = vector.broadcast %or3A_511 : i32 to vector<16xi32>
    %or3A_513 = arith.ori %and3A_510, %or3A_512 : vector<16xi32>
    %bitcast3A_514 = vector.bitcast %or3A_513 : vector<16xi32> to vector<16xf32>
    %broadcast_in_dim3A_515 = arith.constant 3.044900e-02 : f32
    %broadcast_in_dim3A_516 = vector.broadcast %broadcast_in_dim3A_515 : f32 to vector<16xf32>
    %mul3A_517 = arith.mulf %broadcast_in_dim3A_516, %bitcast3A_514 : vector<16xf32>
    %add3A_518 = arith.constant -0.283826858 : f32
    %add3A_519 = vector.broadcast %add3A_518 : f32 to vector<16xf32>
    %add3A_520 = arith.addf %mul3A_517, %add3A_519 : vector<16xf32>
    %mul3A_521 = arith.mulf %add3A_520, %bitcast3A_514 : vector<16xf32>
    %add3A_522 = arith.constant 1.116090e+00 : f32
    %add3A_523 = vector.broadcast %add3A_522 : f32 to vector<16xf32>
    %add3A_524 = arith.addf %mul3A_521, %add3A_523 : vector<16xf32>
    %mul3A_525 = arith.mulf %add3A_524, %bitcast3A_514 : vector<16xf32>
    %add3A_526 = arith.constant -2.44002986 : f32
    %add3A_527 = vector.broadcast %add3A_526 : f32 to vector<16xf32>
    %add3A_528 = arith.addf %mul3A_525, %add3A_527 : vector<16xf32>
    %mul3A_529 = arith.mulf %add3A_528, %bitcast3A_514 : vector<16xf32>
    %add3A_530 = arith.constant 3.5140872 : f32
    %add3A_531 = vector.broadcast %add3A_530 : f32 to vector<16xf32>
    %add3A_532 = arith.addf %mul3A_529, %add3A_531 : vector<16xf32>
    %mul3A_533 = arith.mulf %add3A_532, %bitcast3A_514 : vector<16xf32>
    %add3A_534 = arith.constant -1.93675971 : f32
    %add3A_535 = vector.broadcast %add3A_534 : f32 to vector<16xf32>
    %add3A_536 = arith.addf %mul3A_533, %add3A_535 : vector<16xf32>
    %convert_element_type3A_537 = arith.sitofp %sub3A_507 : vector<16xi32> to vector<16xf32>
    %mul3A_538 = arith.constant 0.693147182 : f32
    %mul3A_539 = vector.broadcast %mul3A_538 : f32 to vector<16xf32>
    %mul3A_540 = arith.mulf %convert_element_type3A_537, %mul3A_539 : vector<16xf32>
    %add3A_541 = arith.addf %mul3A_540, %add3A_536 : vector<16xf32>
    %swap3A_542 = arith.constant 7 : i32
    %swap3A_543 = arith.index_cast %swap3A_542 : i32 to index
    %swap3A_544 = arith.constant 0 : index
    %swap3A_545 = tpu.vector_load %arg12[%swap3A_543, %swap3A_544] {strides = array<i32>} : memref<17x32xf32, #tpu.memory_space<vmem>>, vector<16xf32>,
    tpu.vector_store %arg12[%swap3A_543, %swap3A_544], %add3A_541 {strides = array<i32>} : memref<17x32xf32, #tpu.memory_space<vmem>>, vector<16xf32>,
    %bitcast3A_546 = vector.bitcast %add3A_191 : vector<16xf32> to vector<16xi32>
    %shift_right_arithmetic3A_547 = arith.constant 23 : i32
    %shift_right_arithmetic3A_548 = vector.broadcast %shift_right_arithmetic3A_547 : i32 to vector<16xi32>
    %shift_right_arithmetic3A_549 = arith.shrsi %bitcast3A_546, %shift_right_arithmetic3A_548 : vector<16xi32>
    %sub3A_550 = arith.constant 127 : i32
    %sub3A_551 = vector.broadcast %sub3A_550 : i32 to vector<16xi32>
    %sub3A_552 = arith.subi %shift_right_arithmetic3A_549, %sub3A_551 : vector<16xi32>
    %and3A_553 = arith.constant 8388607 : i32
    %and3A_554 = vector.broadcast %and3A_553 : i32 to vector<16xi32>
    %and3A_555 = arith.andi %bitcast3A_546, %and3A_554 : vector<16xi32>
    %or3A_556 = arith.constant 1065353216 : i32
    %or3A_557 = vector.broadcast %or3A_556 : i32 to vector<16xi32>
    %or3A_558 = arith.ori %and3A_555, %or3A_557 : vector<16xi32>
    %bitcast3A_559 = vector.bitcast %or3A_558 : vector<16xi32> to vector<16xf32>
    %broadcast_in_dim3A_560 = arith.constant 3.044900e-02 : f32
    %broadcast_in_dim3A_561 = vector.broadcast %broadcast_in_dim3A_560 : f32 to vector<16xf32>
    %mul3A_562 = arith.mulf %broadcast_in_dim3A_561, %bitcast3A_559 : vector<16xf32>
    %add3A_563 = arith.constant -0.283826858 : f32
    %add3A_564 = vector.broadcast %add3A_563 : f32 to vector<16xf32>
    %add3A_565 = arith.addf %mul3A_562, %add3A_564 : vector<16xf32>
    %mul3A_566 = arith.mulf %add3A_565, %bitcast3A_559 : vector<16xf32>
    %add3A_567 = arith.constant 1.116090e+00 : f32
    %add3A_568 = vector.broadcast %add3A_567 : f32 to vector<16xf32>
    %add3A_569 = arith.addf %mul3A_566, %add3A_568 : vector<16xf32>
    %mul3A_570 = arith.mulf %add3A_569, %bitcast3A_559 : vector<16xf32>
    %add3A_571 = arith.constant -2.44002986 : f32
    %add3A_572 = vector.broadcast %add3A_571 : f32 to vector<16xf32>
    %add3A_573 = arith.addf %mul3A_570, %add3A_572 : vector<16xf32>
    %mul3A_574 = arith.mulf %add3A_573, %bitcast3A_559 : vector<16xf32>
    %add3A_575 = arith.constant 3.5140872 : f32
    %add3A_576 = vector.broadcast %add3A_575 : f32 to vector<16xf32>
    %add3A_577 = arith.addf %mul3A_574, %add3A_576 : vector<16xf32>
    %mul3A_578 = arith.mulf %add3A_577, %bitcast3A_559 : vector<16xf32>
    %add3A_579 = arith.constant -1.93675971 : f32
    %add3A_580 = vector.broadcast %add3A_579 : f32 to vector<16xf32>
    %add3A_581 = arith.addf %mul3A_578, %add3A_580 : vector<16xf32>
    %convert_element_type3A_582 = arith.sitofp %sub3A_552 : vector<16xi32> to vector<16xf32>
    %mul3A_583 = arith.constant 0.693147182 : f32
    %mul3A_584 = vector.broadcast %mul3A_583 : f32 to vector<16xf32>
    %mul3A_585 = arith.mulf %convert_element_type3A_582, %mul3A_584 : vector<16xf32>
    %add3A_586 = arith.addf %mul3A_585, %add3A_581 : vector<16xf32>
    %swap3A_587 = arith.constant 8 : i32
    %swap3A_588 = arith.index_cast %swap3A_587 : i32 to index
    %swap3A_589 = arith.constant 0 : index
    %swap3A_590 = tpu.vector_load %arg12[%swap3A_588, %swap3A_589] {strides = array<i32>} : memref<17x32xf32, #tpu.memory_space<vmem>>, vector<16xf32>,
    tpu.vector_store %arg12[%swap3A_588, %swap3A_589], %add3A_586 {strides = array<i32>} : memref<17x32xf32, #tpu.memory_space<vmem>>, vector<16xf32>,
    %sub3A_591 = arith.subf %add3A_191, %exp3A : vector<16xf32>
    %bitcast3A_592 = vector.bitcast %sub3A_591 : vector<16xf32> to vector<16xi32>
    %shift_right_arithmetic3A_593 = arith.constant 23 : i32
    %shift_right_arithmetic3A_594 = vector.broadcast %shift_right_arithmetic3A_593 : i32 to vector<16xi32>
    %shift_right_arithmetic3A_595 = arith.shrsi %bitcast3A_592, %shift_right_arithmetic3A_594 : vector<16xi32>
    %sub3A_596 = arith.constant 127 : i32
    %sub3A_597 = vector.broadcast %sub3A_596 : i32 to vector<16xi32>
    %sub3A_598 = arith.subi %shift_right_arithmetic3A_595, %sub3A_597 : vector<16xi32>
    %and3A_599 = arith.constant 8388607 : i32
    %and3A_600 = vector.broadcast %and3A_599 : i32 to vector<16xi32>
    %and3A_601 = arith.andi %bitcast3A_592, %and3A_600 : vector<16xi32>
    %or3A_602 = arith.constant 1065353216 : i32
    %or3A_603 = vector.broadcast %or3A_602 : i32 to vector<16xi32>
    %or3A_604 = arith.ori %and3A_601, %or3A_603 : vector<16xi32>
    %bitcast3A_605 = vector.bitcast %or3A_604 : vector<16xi32> to vector<16xf32>
    %broadcast_in_dim3A_606 = arith.constant 3.044900e-02 : f32
    %broadcast_in_dim3A_607 = vector.broadcast %broadcast_in_dim3A_606 : f32 to vector<16xf32>
    %mul3A_608 = arith.mulf %broadcast_in_dim3A_607, %bitcast3A_605 : vector<16xf32>
    %add3A_609 = arith.constant -0.283826858 : f32
    %add3A_610 = vector.broadcast %add3A_609 : f32 to vector<16xf32>
    %add3A_611 = arith.addf %mul3A_608, %add3A_610 : vector<16xf32>
    %mul3A_612 = arith.mulf %add3A_611, %bitcast3A_605 : vector<16xf32>
    %add3A_613 = arith.constant 1.116090e+00 : f32
    %add3A_614 = vector.broadcast %add3A_613 : f32 to vector<16xf32>
    %add3A_615 = arith.addf %mul3A_612, %add3A_614 : vector<16xf32>
    %mul3A_616 = arith.mulf %add3A_615, %bitcast3A_605 : vector<16xf32>
    %add3A_617 = arith.constant -2.44002986 : f32
    %add3A_618 = vector.broadcast %add3A_617 : f32 to vector<16xf32>
    %add3A_619 = arith.addf %mul3A_616, %add3A_618 : vector<16xf32>
    %mul3A_620 = arith.mulf %add3A_619, %bitcast3A_605 : vector<16xf32>
    %add3A_621 = arith.constant 3.5140872 : f32
    %add3A_622 = vector.broadcast %add3A_621 : f32 to vector<16xf32>
    %add3A_623 = arith.addf %mul3A_620, %add3A_622 : vector<16xf32>
    %mul3A_624 = arith.mulf %add3A_623, %bitcast3A_605 : vector<16xf32>
    %add3A_625 = arith.constant -1.93675971 : f32
    %add3A_626 = vector.broadcast %add3A_625 : f32 to vector<16xf32>
    %add3A_627 = arith.addf %mul3A_624, %add3A_626 : vector<16xf32>
    %convert_element_type3A_628 = arith.sitofp %sub3A_598 : vector<16xi32> to vector<16xf32>
    %mul3A_629 = arith.constant 0.693147182 : f32
    %mul3A_630 = vector.broadcast %mul3A_629 : f32 to vector<16xf32>
    %mul3A_631 = arith.mulf %convert_element_type3A_628, %mul3A_630 : vector<16xf32>
    %add3A_632 = arith.addf %mul3A_631, %add3A_627 : vector<16xf32>
    %swap3A_633 = arith.constant 9 : i32
    %swap3A_634 = arith.index_cast %swap3A_633 : i32 to index
    %swap3A_635 = arith.constant 0 : index
    %swap3A_636 = tpu.vector_load %arg12[%swap3A_634, %swap3A_635] {strides = array<i32>} : memref<17x32xf32, #tpu.memory_space<vmem>>, vector<16xf32>,
    tpu.vector_store %arg12[%swap3A_634, %swap3A_635], %add3A_632 {strides = array<i32>} : memref<17x32xf32, #tpu.memory_space<vmem>>, vector<16xf32>,
    %sub3A_637 = arith.subf %add3A_191, %add3A_41 : vector<16xf32>
    %bitcast3A_638 = vector.bitcast %sub3A_637 : vector<16xf32> to vector<16xi32>
    %shift_right_arithmetic3A_639 = arith.constant 23 : i32
    %shift_right_arithmetic3A_640 = vector.broadcast %shift_right_arithmetic3A_639 : i32 to vector<16xi32>
    %shift_right_arithmetic3A_641 = arith.shrsi %bitcast3A_638, %shift_right_arithmetic3A_640 : vector<16xi32>
    %sub3A_642 = arith.constant 127 : i32
    %sub3A_643 = vector.broadcast %sub3A_642 : i32 to vector<16xi32>
    %sub3A_644 = arith.subi %shift_right_arithmetic3A_641, %sub3A_643 : vector<16xi32>
    %and3A_645 = arith.constant 8388607 : i32
    %and3A_646 = vector.broadcast %and3A_645 : i32 to vector<16xi32>
    %and3A_647 = arith.andi %bitcast3A_638, %and3A_646 : vector<16xi32>
    %or3A_648 = arith.constant 1065353216 : i32
    %or3A_649 = vector.broadcast %or3A_648 : i32 to vector<16xi32>
    %or3A_650 = arith.ori %and3A_647, %or3A_649 : vector<16xi32>
    %bitcast3A_651 = vector.bitcast %or3A_650 : vector<16xi32> to vector<16xf32>
    %broadcast_in_dim3A_652 = arith.constant 3.044900e-02 : f32
    %broadcast_in_dim3A_653 = vector.broadcast %broadcast_in_dim3A_652 : f32 to vector<16xf32>
    %mul3A_654 = arith.mulf %broadcast_in_dim3A_653, %bitcast3A_651 : vector<16xf32>
    %add3A_655 = arith.constant -0.283826858 : f32
    %add3A_656 = vector.broadcast %add3A_655 : f32 to vector<16xf32>
    %add3A_657 = arith.addf %mul3A_654, %add3A_656 : vector<16xf32>
    %mul3A_658 = arith.mulf %add3A_657, %bitcast3A_651 : vector<16xf32>
    %add3A_659 = arith.constant 1.116090e+00 : f32
    %add3A_660 = vector.broadcast %add3A_659 : f32 to vector<16xf32>
    %add3A_661 = arith.addf %mul3A_658, %add3A_660 : vector<16xf32>
    %mul3A_662 = arith.mulf %add3A_661, %bitcast3A_651 : vector<16xf32>
    %add3A_663 = arith.constant -2.44002986 : f32
    %add3A_664 = vector.broadcast %add3A_663 : f32 to vector<16xf32>
    %add3A_665 = arith.addf %mul3A_662, %add3A_664 : vector<16xf32>
    %mul3A_666 = arith.mulf %add3A_665, %bitcast3A_651 : vector<16xf32>
    %add3A_667 = arith.constant 3.5140872 : f32
    %add3A_668 = vector.broadcast %add3A_667 : f32 to vector<16xf32>
    %add3A_669 = arith.addf %mul3A_666, %add3A_668 : vector<16xf32>
    %mul3A_670 = arith.mulf %add3A_669, %bitcast3A_651 : vector<16xf32>
    %add3A_671 = arith.constant -1.93675971 : f32
    %add3A_672 = vector.broadcast %add3A_671 : f32 to vector<16xf32>
    %add3A_673 = arith.addf %mul3A_670, %add3A_672 : vector<16xf32>
    %convert_element_type3A_674 = arith.sitofp %sub3A_644 : vector<16xi32> to vector<16xf32>
    %mul3A_675 = arith.constant 0.693147182 : f32
    %mul3A_676 = vector.broadcast %mul3A_675 : f32 to vector<16xf32>
    %mul3A_677 = arith.mulf %convert_element_type3A_674, %mul3A_676 : vector<16xf32>
    %add3A_678 = arith.addf %mul3A_677, %add3A_673 : vector<16xf32>
    %swap3A_679 = arith.constant 10 : i32
    %swap3A_680 = arith.index_cast %swap3A_679 : i32 to index
    %swap3A_681 = arith.constant 0 : index
    %swap3A_682 = tpu.vector_load %arg12[%swap3A_680, %swap3A_681] {strides = array<i32>} : memref<17x32xf32, #tpu.memory_space<vmem>>, vector<16xf32>,
    tpu.vector_store %arg12[%swap3A_680, %swap3A_681], %add3A_678 {strides = array<i32>} : memref<17x32xf32, #tpu.memory_space<vmem>>, vector<16xf32>,
    %sub3A_683 = arith.subf %add3A_191, %add3A_51 : vector<16xf32>
    %bitcast3A_684 = vector.bitcast %sub3A_683 : vector<16xf32> to vector<16xi32>
    %shift_right_arithmetic3A_685 = arith.constant 23 : i32
    %shift_right_arithmetic3A_686 = vector.broadcast %shift_right_arithmetic3A_685 : i32 to vector<16xi32>
    %shift_right_arithmetic3A_687 = arith.shrsi %bitcast3A_684, %shift_right_arithmetic3A_686 : vector<16xi32>
    %sub3A_688 = arith.constant 127 : i32
    %sub3A_689 = vector.broadcast %sub3A_688 : i32 to vector<16xi32>
    %sub3A_690 = arith.subi %shift_right_arithmetic3A_687, %sub3A_689 : vector<16xi32>
    %and3A_691 = arith.constant 8388607 : i32
    %and3A_692 = vector.broadcast %and3A_691 : i32 to vector<16xi32>
    %and3A_693 = arith.andi %bitcast3A_684, %and3A_692 : vector<16xi32>
    %or3A_694 = arith.constant 1065353216 : i32
    %or3A_695 = vector.broadcast %or3A_694 : i32 to vector<16xi32>
    %or3A_696 = arith.ori %and3A_693, %or3A_695 : vector<16xi32>
    %bitcast3A_697 = vector.bitcast %or3A_696 : vector<16xi32> to vector<16xf32>
    %broadcast_in_dim3A_698 = arith.constant 3.044900e-02 : f32
    %broadcast_in_dim3A_699 = vector.broadcast %broadcast_in_dim3A_698 : f32 to vector<16xf32>
    %mul3A_700 = arith.mulf %broadcast_in_dim3A_699, %bitcast3A_697 : vector<16xf32>
    %add3A_701 = arith.constant -0.283826858 : f32
    %add3A_702 = vector.broadcast %add3A_701 : f32 to vector<16xf32>
    %add3A_703 = arith.addf %mul3A_700, %add3A_702 : vector<16xf32>
    %mul3A_704 = arith.mulf %add3A_703, %bitcast3A_697 : vector<16xf32>
    %add3A_705 = arith.constant 1.116090e+00 : f32
    %add3A_706 = vector.broadcast %add3A_705 : f32 to vector<16xf32>
    %add3A_707 = arith.addf %mul3A_704, %add3A_706 : vector<16xf32>
    %mul3A_708 = arith.mulf %add3A_707, %bitcast3A_697 : vector<16xf32>
    %add3A_709 = arith.constant -2.44002986 : f32
    %add3A_710 = vector.broadcast %add3A_709 : f32 to vector<16xf32>
    %add3A_711 = arith.addf %mul3A_708, %add3A_710 : vector<16xf32>
    %mul3A_712 = arith.mulf %add3A_711, %bitcast3A_697 : vector<16xf32>
    %add3A_713 = arith.constant 3.5140872 : f32
    %add3A_714 = vector.broadcast %add3A_713 : f32 to vector<16xf32>
    %add3A_715 = arith.addf %mul3A_712, %add3A_714 : vector<16xf32>
    %mul3A_716 = arith.mulf %add3A_715, %bitcast3A_697 : vector<16xf32>
    %add3A_717 = arith.constant -1.93675971 : f32
    %add3A_718 = vector.broadcast %add3A_717 : f32 to vector<16xf32>
    %add3A_719 = arith.addf %mul3A_716, %add3A_718 : vector<16xf32>
    %convert_element_type3A_720 = arith.sitofp %sub3A_690 : vector<16xi32> to vector<16xf32>
    %mul3A_721 = arith.constant 0.693147182 : f32
    %mul3A_722 = vector.broadcast %mul3A_721 : f32 to vector<16xf32>
    %mul3A_723 = arith.mulf %convert_element_type3A_720, %mul3A_722 : vector<16xf32>
    %add3A_724 = arith.addf %mul3A_723, %add3A_719 : vector<16xf32>
    %swap3A_725 = arith.constant 11 : i32
    %swap3A_726 = arith.index_cast %swap3A_725 : i32 to index
    %swap3A_727 = arith.constant 0 : index
    %swap3A_728 = tpu.vector_load %arg12[%swap3A_726, %swap3A_727] {strides = array<i32>} : memref<17x32xf32, #tpu.memory_space<vmem>>, vector<16xf32>,
    tpu.vector_store %arg12[%swap3A_726, %swap3A_727], %add3A_724 {strides = array<i32>} : memref<17x32xf32, #tpu.memory_space<vmem>>, vector<16xf32>,
    %sub3A_729 = arith.subf %add3A_191, %add3A_61 : vector<16xf32>
    %bitcast3A_730 = vector.bitcast %sub3A_729 : vector<16xf32> to vector<16xi32>
    %shift_right_arithmetic3A_731 = arith.constant 23 : i32
    %shift_right_arithmetic3A_732 = vector.broadcast %shift_right_arithmetic3A_731 : i32 to vector<16xi32>
    %shift_right_arithmetic3A_733 = arith.shrsi %bitcast3A_730, %shift_right_arithmetic3A_732 : vector<16xi32>
    %sub3A_734 = arith.constant 127 : i32
    %sub3A_735 = vector.broadcast %sub3A_734 : i32 to vector<16xi32>
    %sub3A_736 = arith.subi %shift_right_arithmetic3A_733, %sub3A_735 : vector<16xi32>
    %and3A_737 = arith.constant 8388607 : i32
    %and3A_738 = vector.broadcast %and3A_737 : i32 to vector<16xi32>
    %and3A_739 = arith.andi %bitcast3A_730, %and3A_738 : vector<16xi32>
    %or3A_740 = arith.constant 1065353216 : i32
    %or3A_741 = vector.broadcast %or3A_740 : i32 to vector<16xi32>
    %or3A_742 = arith.ori %and3A_739, %or3A_741 : vector<16xi32>
    %bitcast3A_743 = vector.bitcast %or3A_742 : vector<16xi32> to vector<16xf32>
    %broadcast_in_dim3A_744 = arith.constant 3.044900e-02 : f32
    %broadcast_in_dim3A_745 = vector.broadcast %broadcast_in_dim3A_744 : f32 to vector<16xf32>
    %mul3A_746 = arith.mulf %broadcast_in_dim3A_745, %bitcast3A_743 : vector<16xf32>
    %add3A_747 = arith.constant -0.283826858 : f32
    %add3A_748 = vector.broadcast %add3A_747 : f32 to vector<16xf32>
    %add3A_749 = arith.addf %mul3A_746, %add3A_748 : vector<16xf32>
    %mul3A_750 = arith.mulf %add3A_749, %bitcast3A_743 : vector<16xf32>
    %add3A_751 = arith.constant 1.116090e+00 : f32
    %add3A_752 = vector.broadcast %add3A_751 : f32 to vector<16xf32>
    %add3A_753 = arith.addf %mul3A_750, %add3A_752 : vector<16xf32>
    %mul3A_754 = arith.mulf %add3A_753, %bitcast3A_743 : vector<16xf32>
    %add3A_755 = arith.constant -2.44002986 : f32
    %add3A_756 = vector.broadcast %add3A_755 : f32 to vector<16xf32>
    %add3A_757 = arith.addf %mul3A_754, %add3A_756 : vector<16xf32>
    %mul3A_758 = arith.mulf %add3A_757, %bitcast3A_743 : vector<16xf32>
    %add3A_759 = arith.constant 3.5140872 : f32
    %add3A_760 = vector.broadcast %add3A_759 : f32 to vector<16xf32>
    %add3A_761 = arith.addf %mul3A_758, %add3A_760 : vector<16xf32>
    %mul3A_762 = arith.mulf %add3A_761, %bitcast3A_743 : vector<16xf32>
    %add3A_763 = arith.constant -1.93675971 : f32
    %add3A_764 = vector.broadcast %add3A_763 : f32 to vector<16xf32>
    %add3A_765 = arith.addf %mul3A_762, %add3A_764 : vector<16xf32>
    %convert_element_type3A_766 = arith.sitofp %sub3A_736 : vector<16xi32> to vector<16xf32>
    %mul3A_767 = arith.constant 0.693147182 : f32
    %mul3A_768 = vector.broadcast %mul3A_767 : f32 to vector<16xf32>
    %mul3A_769 = arith.mulf %convert_element_type3A_766, %mul3A_768 : vector<16xf32>
    %add3A_770 = arith.addf %mul3A_769, %add3A_765 : vector<16xf32>
    %swap3A_771 = arith.constant 12 : i32
    %swap3A_772 = arith.index_cast %swap3A_771 : i32 to index
    %swap3A_773 = arith.constant 0 : index
    %swap3A_774 = tpu.vector_load %arg12[%swap3A_772, %swap3A_773] {strides = array<i32>} : memref<17x32xf32, #tpu.memory_space<vmem>>, vector<16xf32>,
    tpu.vector_store %arg12[%swap3A_772, %swap3A_773], %add3A_770 {strides = array<i32>} : memref<17x32xf32, #tpu.memory_space<vmem>>, vector<16xf32>,
    %sub3A_775 = arith.subf %add3A_191, %add3A_71 : vector<16xf32>
    %bitcast3A_776 = vector.bitcast %sub3A_775 : vector<16xf32> to vector<16xi32>
    %shift_right_arithmetic3A_777 = arith.constant 23 : i32
    %shift_right_arithmetic3A_778 = vector.broadcast %shift_right_arithmetic3A_777 : i32 to vector<16xi32>
    %shift_right_arithmetic3A_779 = arith.shrsi %bitcast3A_776, %shift_right_arithmetic3A_778 : vector<16xi32>
    %sub3A_780 = arith.constant 127 : i32
    %sub3A_781 = vector.broadcast %sub3A_780 : i32 to vector<16xi32>
    %sub3A_782 = arith.subi %shift_right_arithmetic3A_779, %sub3A_781 : vector<16xi32>
    %and3A_783 = arith.constant 8388607 : i32
    %and3A_784 = vector.broadcast %and3A_783 : i32 to vector<16xi32>
    %and3A_785 = arith.andi %bitcast3A_776, %and3A_784 : vector<16xi32>
    %or3A_786 = arith.constant 1065353216 : i32
    %or3A_787 = vector.broadcast %or3A_786 : i32 to vector<16xi32>
    %or3A_788 = arith.ori %and3A_785, %or3A_787 : vector<16xi32>
    %bitcast3A_789 = vector.bitcast %or3A_788 : vector<16xi32> to vector<16xf32>
    %broadcast_in_dim3A_790 = arith.constant 3.044900e-02 : f32
    %broadcast_in_dim3A_791 = vector.broadcast %broadcast_in_dim3A_790 : f32 to vector<16xf32>
    %mul3A_792 = arith.mulf %broadcast_in_dim3A_791, %bitcast3A_789 : vector<16xf32>
    %add3A_793 = arith.constant -0.283826858 : f32
    %add3A_794 = vector.broadcast %add3A_793 : f32 to vector<16xf32>
    %add3A_795 = arith.addf %mul3A_792, %add3A_794 : vector<16xf32>
    %mul3A_796 = arith.mulf %add3A_795, %bitcast3A_789 : vector<16xf32>
    %add3A_797 = arith.constant 1.116090e+00 : f32
    %add3A_798 = vector.broadcast %add3A_797 : f32 to vector<16xf32>
    %add3A_799 = arith.addf %mul3A_796, %add3A_798 : vector<16xf32>
    %mul3A_800 = arith.mulf %add3A_799, %bitcast3A_789 : vector<16xf32>
    %add3A_801 = arith.constant -2.44002986 : f32
    %add3A_802 = vector.broadcast %add3A_801 : f32 to vector<16xf32>
    %add3A_803 = arith.addf %mul3A_800, %add3A_802 : vector<16xf32>
    %mul3A_804 = arith.mulf %add3A_803, %bitcast3A_789 : vector<16xf32>
    %add3A_805 = arith.constant 3.5140872 : f32
    %add3A_806 = vector.broadcast %add3A_805 : f32 to vector<16xf32>
    %add3A_807 = arith.addf %mul3A_804, %add3A_806 : vector<16xf32>
    %mul3A_808 = arith.mulf %add3A_807, %bitcast3A_789 : vector<16xf32>
    %add3A_809 = arith.constant -1.93675971 : f32
    %add3A_810 = vector.broadcast %add3A_809 : f32 to vector<16xf32>
    %add3A_811 = arith.addf %mul3A_808, %add3A_810 : vector<16xf32>
    %convert_element_type3A_812 = arith.sitofp %sub3A_782 : vector<16xi32> to vector<16xf32>
    %mul3A_813 = arith.constant 0.693147182 : f32
    %mul3A_814 = vector.broadcast %mul3A_813 : f32 to vector<16xf32>
    %mul3A_815 = arith.mulf %convert_element_type3A_812, %mul3A_814 : vector<16xf32>
    %add3A_816 = arith.addf %mul3A_815, %add3A_811 : vector<16xf32>
    %swap3A_817 = arith.constant 13 : i32
    %swap3A_818 = arith.index_cast %swap3A_817 : i32 to index
    %swap3A_819 = arith.constant 0 : index
    %swap3A_820 = tpu.vector_load %arg12[%swap3A_818, %swap3A_819] {strides = array<i32>} : memref<17x32xf32, #tpu.memory_space<vmem>>, vector<16xf32>,
    tpu.vector_store %arg12[%swap3A_818, %swap3A_819], %add3A_816 {strides = array<i32>} : memref<17x32xf32, #tpu.memory_space<vmem>>, vector<16xf32>,
    %sub3A_821 = arith.subf %add3A_191, %add3A_81 : vector<16xf32>
    %bitcast3A_822 = vector.bitcast %sub3A_821 : vector<16xf32> to vector<16xi32>
    %shift_right_arithmetic3A_823 = arith.constant 23 : i32
    %shift_right_arithmetic3A_824 = vector.broadcast %shift_right_arithmetic3A_823 : i32 to vector<16xi32>
    %shift_right_arithmetic3A_825 = arith.shrsi %bitcast3A_822, %shift_right_arithmetic3A_824 : vector<16xi32>
    %sub3A_826 = arith.constant 127 : i32
    %sub3A_827 = vector.broadcast %sub3A_826 : i32 to vector<16xi32>
    %sub3A_828 = arith.subi %shift_right_arithmetic3A_825, %sub3A_827 : vector<16xi32>
    %and3A_829 = arith.constant 8388607 : i32
    %and3A_830 = vector.broadcast %and3A_829 : i32 to vector<16xi32>
    %and3A_831 = arith.andi %bitcast3A_822, %and3A_830 : vector<16xi32>
    %or3A_832 = arith.constant 1065353216 : i32
    %or3A_833 = vector.broadcast %or3A_832 : i32 to vector<16xi32>
    %or3A_834 = arith.ori %and3A_831, %or3A_833 : vector<16xi32>
    %bitcast3A_835 = vector.bitcast %or3A_834 : vector<16xi32> to vector<16xf32>
    %broadcast_in_dim3A_836 = arith.constant 3.044900e-02 : f32
    %broadcast_in_dim3A_837 = vector.broadcast %broadcast_in_dim3A_836 : f32 to vector<16xf32>
    %mul3A_838 = arith.mulf %broadcast_in_dim3A_837, %bitcast3A_835 : vector<16xf32>
    %add3A_839 = arith.constant -0.283826858 : f32
    %add3A_840 = vector.broadcast %add3A_839 : f32 to vector<16xf32>
    %add3A_841 = arith.addf %mul3A_838, %add3A_840 : vector<16xf32>
    %mul3A_842 = arith.mulf %add3A_841, %bitcast3A_835 : vector<16xf32>
    %add3A_843 = arith.constant 1.116090e+00 : f32
    %add3A_844 = vector.broadcast %add3A_843 : f32 to vector<16xf32>
    %add3A_845 = arith.addf %mul3A_842, %add3A_844 : vector<16xf32>
    %mul3A_846 = arith.mulf %add3A_845, %bitcast3A_835 : vector<16xf32>
    %add3A_847 = arith.constant -2.44002986 : f32
    %add3A_848 = vector.broadcast %add3A_847 : f32 to vector<16xf32>
    %add3A_849 = arith.addf %mul3A_846, %add3A_848 : vector<16xf32>
    %mul3A_850 = arith.mulf %add3A_849, %bitcast3A_835 : vector<16xf32>
    %add3A_851 = arith.constant 3.5140872 : f32
    %add3A_852 = vector.broadcast %add3A_851 : f32 to vector<16xf32>
    %add3A_853 = arith.addf %mul3A_850, %add3A_852 : vector<16xf32>
    %mul3A_854 = arith.mulf %add3A_853, %bitcast3A_835 : vector<16xf32>
    %add3A_855 = arith.constant -1.93675971 : f32
    %add3A_856 = vector.broadcast %add3A_855 : f32 to vector<16xf32>
    %add3A_857 = arith.addf %mul3A_854, %add3A_856 : vector<16xf32>
    %convert_element_type3A_858 = arith.sitofp %sub3A_828 : vector<16xi32> to vector<16xf32>
    %mul3A_859 = arith.constant 0.693147182 : f32
    %mul3A_860 = vector.broadcast %mul3A_859 : f32 to vector<16xf32>
    %mul3A_861 = arith.mulf %convert_element_type3A_858, %mul3A_860 : vector<16xf32>
    %add3A_862 = arith.addf %mul3A_861, %add3A_857 : vector<16xf32>
    %swap3A_863 = arith.constant 14 : i32
    %swap3A_864 = arith.index_cast %swap3A_863 : i32 to index
    %swap3A_865 = arith.constant 0 : index
    %swap3A_866 = tpu.vector_load %arg12[%swap3A_864, %swap3A_865] {strides = array<i32>} : memref<17x32xf32, #tpu.memory_space<vmem>>, vector<16xf32>,
    tpu.vector_store %arg12[%swap3A_864, %swap3A_865], %add3A_862 {strides = array<i32>} : memref<17x32xf32, #tpu.memory_space<vmem>>, vector<16xf32>,
    %sub3A_867 = arith.subf %add3A_191, %add3A_91 : vector<16xf32>
    %bitcast3A_868 = vector.bitcast %sub3A_867 : vector<16xf32> to vector<16xi32>
    %shift_right_arithmetic3A_869 = arith.constant 23 : i32
    %shift_right_arithmetic3A_870 = vector.broadcast %shift_right_arithmetic3A_869 : i32 to vector<16xi32>
    %shift_right_arithmetic3A_871 = arith.shrsi %bitcast3A_868, %shift_right_arithmetic3A_870 : vector<16xi32>
    %sub3A_872 = arith.constant 127 : i32
    %sub3A_873 = vector.broadcast %sub3A_872 : i32 to vector<16xi32>
    %sub3A_874 = arith.subi %shift_right_arithmetic3A_871, %sub3A_873 : vector<16xi32>
    %and3A_875 = arith.constant 8388607 : i32
    %and3A_876 = vector.broadcast %and3A_875 : i32 to vector<16xi32>
    %and3A_877 = arith.andi %bitcast3A_868, %and3A_876 : vector<16xi32>
    %or3A_878 = arith.constant 1065353216 : i32
    %or3A_879 = vector.broadcast %or3A_878 : i32 to vector<16xi32>
    %or3A_880 = arith.ori %and3A_877, %or3A_879 : vector<16xi32>
    %bitcast3A_881 = vector.bitcast %or3A_880 : vector<16xi32> to vector<16xf32>
    %broadcast_in_dim3A_882 = arith.constant 3.044900e-02 : f32
    %broadcast_in_dim3A_883 = vector.broadcast %broadcast_in_dim3A_882 : f32 to vector<16xf32>
    %mul3A_884 = arith.mulf %broadcast_in_dim3A_883, %bitcast3A_881 : vector<16xf32>
    %add3A_885 = arith.constant -0.283826858 : f32
    %add3A_886 = vector.broadcast %add3A_885 : f32 to vector<16xf32>
    %add3A_887 = arith.addf %mul3A_884, %add3A_886 : vector<16xf32>
    %mul3A_888 = arith.mulf %add3A_887, %bitcast3A_881 : vector<16xf32>
    %add3A_889 = arith.constant 1.116090e+00 : f32
    %add3A_890 = vector.broadcast %add3A_889 : f32 to vector<16xf32>
    %add3A_891 = arith.addf %mul3A_888, %add3A_890 : vector<16xf32>
    %mul3A_892 = arith.mulf %add3A_891, %bitcast3A_881 : vector<16xf32>
    %add3A_893 = arith.constant -2.44002986 : f32
    %add3A_894 = vector.broadcast %add3A_893 : f32 to vector<16xf32>
    %add3A_895 = arith.addf %mul3A_892, %add3A_894 : vector<16xf32>
    %mul3A_896 = arith.mulf %add3A_895, %bitcast3A_881 : vector<16xf32>
    %add3A_897 = arith.constant 3.5140872 : f32
    %add3A_898 = vector.broadcast %add3A_897 : f32 to vector<16xf32>
    %add3A_899 = arith.addf %mul3A_896, %add3A_898 : vector<16xf32>
    %mul3A_900 = arith.mulf %add3A_899, %bitcast3A_881 : vector<16xf32>
    %add3A_901 = arith.constant -1.93675971 : f32
    %add3A_902 = vector.broadcast %add3A_901 : f32 to vector<16xf32>
    %add3A_903 = arith.addf %mul3A_900, %add3A_902 : vector<16xf32>
    %convert_element_type3A_904 = arith.sitofp %sub3A_874 : vector<16xi32> to vector<16xf32>
    %mul3A_905 = arith.constant 0.693147182 : f32
    %mul3A_906 = vector.broadcast %mul3A_905 : f32 to vector<16xf32>
    %mul3A_907 = arith.mulf %convert_element_type3A_904, %mul3A_906 : vector<16xf32>
    %add3A_908 = arith.addf %mul3A_907, %add3A_903 : vector<16xf32>
    %swap3A_909 = arith.constant 15 : i32
    %swap3A_910 = arith.index_cast %swap3A_909 : i32 to index
    %swap3A_911 = arith.constant 0 : index
    %swap3A_912 = tpu.vector_load %arg12[%swap3A_910, %swap3A_911] {strides = array<i32>} : memref<17x32xf32, #tpu.memory_space<vmem>>, vector<16xf32>,
    tpu.vector_store %arg12[%swap3A_910, %swap3A_911], %add3A_908 {strides = array<i32>} : memref<17x32xf32, #tpu.memory_space<vmem>>, vector<16xf32>,
    %sub3A_913 = arith.subf %add3A_191, %add3A_101 : vector<16xf32>
    %bitcast3A_914 = vector.bitcast %sub3A_913 : vector<16xf32> to vector<16xi32>
    %shift_right_arithmetic3A_915 = arith.constant 23 : i32
    %shift_right_arithmetic3A_916 = vector.broadcast %shift_right_arithmetic3A_915 : i32 to vector<16xi32>
    %shift_right_arithmetic3A_917 = arith.shrsi %bitcast3A_914, %shift_right_arithmetic3A_916 : vector<16xi32>
    %sub3A_918 = arith.constant 127 : i32
    %sub3A_919 = vector.broadcast %sub3A_918 : i32 to vector<16xi32>
    %sub3A_920 = arith.subi %shift_right_arithmetic3A_917, %sub3A_919 : vector<16xi32>
    %and3A_921 = arith.constant 8388607 : i32
    %and3A_922 = vector.broadcast %and3A_921 : i32 to vector<16xi32>
    %and3A_923 = arith.andi %bitcast3A_914, %and3A_922 : vector<16xi32>
    %or3A_924 = arith.constant 1065353216 : i32
    %or3A_925 = vector.broadcast %or3A_924 : i32 to vector<16xi32>
    %or3A_926 = arith.ori %and3A_923, %or3A_925 : vector<16xi32>
    %bitcast3A_927 = vector.bitcast %or3A_926 : vector<16xi32> to vector<16xf32>
    %broadcast_in_dim3A_928 = arith.constant 3.044900e-02 : f32
    %broadcast_in_dim3A_929 = vector.broadcast %broadcast_in_dim3A_928 : f32 to vector<16xf32>
    %mul3A_930 = arith.mulf %broadcast_in_dim3A_929, %bitcast3A_927 : vector<16xf32>
    %add3A_931 = arith.constant -0.283826858 : f32
    %add3A_932 = vector.broadcast %add3A_931 : f32 to vector<16xf32>
    %add3A_933 = arith.addf %mul3A_930, %add3A_932 : vector<16xf32>
    %mul3A_934 = arith.mulf %add3A_933, %bitcast3A_927 : vector<16xf32>
    %add3A_935 = arith.constant 1.116090e+00 : f32
    %add3A_936 = vector.broadcast %add3A_935 : f32 to vector<16xf32>
    %add3A_937 = arith.addf %mul3A_934, %add3A_936 : vector<16xf32>
    %mul3A_938 = arith.mulf %add3A_937, %bitcast3A_927 : vector<16xf32>
    %add3A_939 = arith.constant -2.44002986 : f32
    %add3A_940 = vector.broadcast %add3A_939 : f32 to vector<16xf32>
    %add3A_941 = arith.addf %mul3A_938, %add3A_940 : vector<16xf32>
    %mul3A_942 = arith.mulf %add3A_941, %bitcast3A_927 : vector<16xf32>
    %add3A_943 = arith.constant 3.5140872 : f32
    %add3A_944 = vector.broadcast %add3A_943 : f32 to vector<16xf32>
    %add3A_945 = arith.addf %mul3A_942, %add3A_944 : vector<16xf32>
    %mul3A_946 = arith.mulf %add3A_945, %bitcast3A_927 : vector<16xf32>
    %add3A_947 = arith.constant -1.93675971 : f32
    %add3A_948 = vector.broadcast %add3A_947 : f32 to vector<16xf32>
    %add3A_949 = arith.addf %mul3A_946, %add3A_948 : vector<16xf32>
    %convert_element_type3A_950 = arith.sitofp %sub3A_920 : vector<16xi32> to vector<16xf32>
    %mul3A_951 = arith.constant 0.693147182 : f32
    %mul3A_952 = vector.broadcast %mul3A_951 : f32 to vector<16xf32>
    %mul3A_953 = arith.mulf %convert_element_type3A_950, %mul3A_952 : vector<16xf32>
    %add3A_954 = arith.addf %mul3A_953, %add3A_949 : vector<16xf32>
    %swap3A_955 = arith.constant 16 : i32
    %swap3A_956 = arith.index_cast %swap3A_955 : i32 to index
    %swap3A_957 = arith.constant 0 : index
    %swap3A_958 = tpu.vector_load %arg12[%swap3A_956, %swap3A_957] {strides = array<i32>} : memref<17x32xf32, #tpu.memory_space<vmem>>, vector<16xf32>,
    tpu.vector_store %arg12[%swap3A_956, %swap3A_957], %add3A_954 {strides = array<i32>} : memref<17x32xf32, #tpu.memory_space<vmem>>, vector<16xf32>,
    %get3A_959 = arith.constant 16 : index
    %get3A_960 = tpu.vector_load %arg9[%get3A_959] {strides = array<i32>} : memref<32xf32, #tpu.memory_space<vmem>>, vector<16xf32>,
    %mul3A_961 = arith.constant -8.000000e+00 : f32
    %mul3A_962 = vector.broadcast %mul3A_961 : f32 to vector<16xf32>
    %mul3A_963 = arith.mulf %mul3A_23, %mul3A_962 : vector<16xf32>
    %mul3A_964 = arith.mulf %get3A_960, %mul3A_963 : vector<16xf32>
    %swap3A_965 = arith.constant 0 : i32
    %swap3A_966 = arith.index_cast %swap3A_965 : i32 to index
    %swap3A_967 = arith.constant 16 : index
    %swap3A_968 = tpu.vector_load %arg11[%swap3A_966, %swap3A_967] {strides = array<i32>} : memref<17x32xf32, #tpu.memory_space<vmem>>, vector<16xf32>,
    tpu.vector_store %arg11[%swap3A_966, %swap3A_967], %mul3A_964 {strides = array<i32>} : memref<17x32xf32, #tpu.memory_space<vmem>>, vector<16xf32>,
    %exp3A_969 = math.exp %mul3A_964 : vector<16xf32>
    %mul3A_970 = arith.constant -7.000000e+00 : f32
    %mul3A_971 = vector.broadcast %mul3A_970 : f32 to vector<16xf32>
    %mul3A_972 = arith.mulf %mul3A_23, %mul3A_971 : vector<16xf32>
    %mul3A_973 = arith.mulf %get3A_960, %mul3A_972 : vector<16xf32>
    %swap3A_974 = arith.constant 1 : i32
    %swap3A_975 = arith.index_cast %swap3A_974 : i32 to index
    %swap3A_976 = arith.constant 16 : index
    %swap3A_977 = tpu.vector_load %arg11[%swap3A_975, %swap3A_976] {strides = array<i32>} : memref<17x32xf32, #tpu.memory_space<vmem>>, vector<16xf32>,
    tpu.vector_store %arg11[%swap3A_975, %swap3A_976], %mul3A_973 {strides = array<i32>} : memref<17x32xf32, #tpu.memory_space<vmem>>, vector<16xf32>,
    %exp3A_978 = math.exp %mul3A_973 : vector<16xf32>
    %add3A_979 = arith.addf %exp3A_969, %exp3A_978 : vector<16xf32>
    %mul3A_980 = arith.constant -6.000000e+00 : f32
    %mul3A_981 = vector.broadcast %mul3A_980 : f32 to vector<16xf32>
    %mul3A_982 = arith.mulf %mul3A_23, %mul3A_981 : vector<16xf32>
    %mul3A_983 = arith.mulf %get3A_960, %mul3A_982 : vector<16xf32>
    %swap3A_984 = arith.constant 2 : i32
    %swap3A_985 = arith.index_cast %swap3A_984 : i32 to index
    %swap3A_986 = arith.constant 16 : index
    %swap3A_987 = tpu.vector_load %arg11[%swap3A_985, %swap3A_986] {strides = array<i32>} : memref<17x32xf32, #tpu.memory_space<vmem>>, vector<16xf32>,
    tpu.vector_store %arg11[%swap3A_985, %swap3A_986], %mul3A_983 {strides = array<i32>} : memref<17x32xf32, #tpu.memory_space<vmem>>, vector<16xf32>,
    %exp3A_988 = math.exp %mul3A_983 : vector<16xf32>
    %add3A_989 = arith.addf %add3A_979, %exp3A_988 : vector<16xf32>
    %mul3A_990 = arith.constant -5.000000e+00 : f32
    %mul3A_991 = vector.broadcast %mul3A_990 : f32 to vector<16xf32>
    %mul3A_992 = arith.mulf %mul3A_23, %mul3A_991 : vector<16xf32>
    %mul3A_993 = arith.mulf %get3A_960, %mul3A_992 : vector<16xf32>
    %swap3A_994 = arith.constant 3 : i32
    %swap3A_995 = arith.index_cast %swap3A_994 : i32 to index
    %swap3A_996 = arith.constant 16 : index
    %swap3A_997 = tpu.vector_load %arg11[%swap3A_995, %swap3A_996] {strides = array<i32>} : memref<17x32xf32, #tpu.memory_space<vmem>>, vector<16xf32>,
    tpu.vector_store %arg11[%swap3A_995, %swap3A_996], %mul3A_993 {strides = array<i32>} : memref<17x32xf32, #tpu.memory_space<vmem>>, vector<16xf32>,
    %exp3A_998 = math.exp %mul3A_993 : vector<16xf32>
    %add3A_999 = arith.addf %add3A_989, %exp3A_998 : vector<16xf32>
    %mul3A_1000 = arith.constant -4.000000e+00 : f32
    %mul3A_1001 = vector.broadcast %mul3A_1000 : f32 to vector<16xf32>
    %mul3A_1002 = arith.mulf %mul3A_23, %mul3A_1001 : vector<16xf32>
    %mul3A_1003 = arith.mulf %get3A_960, %mul3A_1002 : vector<16xf32>
    %swap3A_1004 = arith.constant 4 : i32
    %swap3A_1005 = arith.index_cast %swap3A_1004 : i32 to index
    %swap3A_1006 = arith.constant 16 : index
    %swap3A_1007 = tpu.vector_load %arg11[%swap3A_1005, %swap3A_1006] {strides = array<i32>} : memref<17x32xf32, #tpu.memory_space<vmem>>, vector<16xf32>,
    tpu.vector_store %arg11[%swap3A_1005, %swap3A_1006], %mul3A_1003 {strides = array<i32>} : memref<17x32xf32, #tpu.memory_space<vmem>>, vector<16xf32>,
    %exp3A_1008 = math.exp %mul3A_1003 : vector<16xf32>
    %add3A_1009 = arith.addf %add3A_999, %exp3A_1008 : vector<16xf32>
    %mul3A_1010 = arith.constant -3.000000e+00 : f32
    %mul3A_1011 = vector.broadcast %mul3A_1010 : f32 to vector<16xf32>
    %mul3A_1012 = arith.mulf %mul3A_23, %mul3A_1011 : vector<16xf32>
    %mul3A_1013 = arith.mulf %get3A_960, %mul3A_1012 : vector<16xf32>
    %swap3A_1014 = arith.constant 5 : i32
    %swap3A_1015 = arith.index_cast %swap3A_1014 : i32 to index
    %swap3A_1016 = arith.constant 16 : index
    %swap3A_1017 = tpu.vector_load %arg11[%swap3A_1015, %swap3A_1016] {strides = array<i32>} : memref<17x32xf32, #tpu.memory_space<vmem>>, vector<16xf32>,
    tpu.vector_store %arg11[%swap3A_1015, %swap3A_1016], %mul3A_1013 {strides = array<i32>} : memref<17x32xf32, #tpu.memory_space<vmem>>, vector<16xf32>,
    %exp3A_1018 = math.exp %mul3A_1013 : vector<16xf32>
    %add3A_1019 = arith.addf %add3A_1009, %exp3A_1018 : vector<16xf32>
    %mul3A_1020 = arith.constant -2.000000e+00 : f32
    %mul3A_1021 = vector.broadcast %mul3A_1020 : f32 to vector<16xf32>
    %mul3A_1022 = arith.mulf %mul3A_23, %mul3A_1021 : vector<16xf32>
    %mul3A_1023 = arith.mulf %get3A_960, %mul3A_1022 : vector<16xf32>
    %swap3A_1024 = arith.constant 6 : i32
    %swap3A_1025 = arith.index_cast %swap3A_1024 : i32 to index
    %swap3A_1026 = arith.constant 16 : index
    %swap3A_1027 = tpu.vector_load %arg11[%swap3A_1025, %swap3A_1026] {strides = array<i32>} : memref<17x32xf32, #tpu.memory_space<vmem>>, vector<16xf32>,
    tpu.vector_store %arg11[%swap3A_1025, %swap3A_1026], %mul3A_1023 {strides = array<i32>} : memref<17x32xf32, #tpu.memory_space<vmem>>, vector<16xf32>,
    %exp3A_1028 = math.exp %mul3A_1023 : vector<16xf32>
    %add3A_1029 = arith.addf %add3A_1019, %exp3A_1028 : vector<16xf32>
    %mul3A_1030 = arith.constant -1.000000e+00 : f32
    %mul3A_1031 = vector.broadcast %mul3A_1030 : f32 to vector<16xf32>
    %mul3A_1032 = arith.mulf %mul3A_23, %mul3A_1031 : vector<16xf32>
    %mul3A_1033 = arith.mulf %get3A_960, %mul3A_1032 : vector<16xf32>
    %swap3A_1034 = arith.constant 7 : i32
    %swap3A_1035 = arith.index_cast %swap3A_1034 : i32 to index
    %swap3A_1036 = arith.constant 16 : index
    %swap3A_1037 = tpu.vector_load %arg11[%swap3A_1035, %swap3A_1036] {strides = array<i32>} : memref<17x32xf32, #tpu.memory_space<vmem>>, vector<16xf32>,
    tpu.vector_store %arg11[%swap3A_1035, %swap3A_1036], %mul3A_1033 {strides = array<i32>} : memref<17x32xf32, #tpu.memory_space<vmem>>, vector<16xf32>,
    %exp3A_1038 = math.exp %mul3A_1033 : vector<16xf32>
    %add3A_1039 = arith.addf %add3A_1029, %exp3A_1038 : vector<16xf32>
    %mul3A_1040 = arith.constant 0.000000e+00 : f32
    %mul3A_1041 = vector.broadcast %mul3A_1040 : f32 to vector<16xf32>
    %mul3A_1042 = arith.mulf %mul3A_23, %mul3A_1041 : vector<16xf32>
    %mul3A_1043 = arith.mulf %get3A_960, %mul3A_1042 : vector<16xf32>
    %swap3A_1044 = arith.constant 8 : i32
    %swap3A_1045 = arith.index_cast %swap3A_1044 : i32 to index
    %swap3A_1046 = arith.constant 16 : index
    %swap3A_1047 = tpu.vector_load %arg11[%swap3A_1045, %swap3A_1046] {strides = array<i32>} : memref<17x32xf32, #tpu.memory_space<vmem>>, vector<16xf32>,
    tpu.vector_store %arg11[%swap3A_1045, %swap3A_1046], %mul3A_1043 {strides = array<i32>} : memref<17x32xf32, #tpu.memory_space<vmem>>, vector<16xf32>,
    %exp3A_1048 = math.exp %mul3A_1043 : vector<16xf32>
    %add3A_1049 = arith.addf %add3A_1039, %exp3A_1048 : vector<16xf32>
    %mul3A_1050 = arith.constant 1.000000e+00 : f32
    %mul3A_1051 = vector.broadcast %mul3A_1050 : f32 to vector<16xf32>
    %mul3A_1052 = arith.mulf %mul3A_23, %mul3A_1051 : vector<16xf32>
    %mul3A_1053 = arith.mulf %get3A_960, %mul3A_1052 : vector<16xf32>
    %swap3A_1054 = arith.constant 9 : i32
    %swap3A_1055 = arith.index_cast %swap3A_1054 : i32 to index
    %swap3A_1056 = arith.constant 16 : index
    %swap3A_1057 = tpu.vector_load %arg11[%swap3A_1055, %swap3A_1056] {strides = array<i32>} : memref<17x32xf32, #tpu.memory_space<vmem>>, vector<16xf32>,
    tpu.vector_store %arg11[%swap3A_1055, %swap3A_1056], %mul3A_1053 {strides = array<i32>} : memref<17x32xf32, #tpu.memory_space<vmem>>, vector<16xf32>,
    %exp3A_1058 = math.exp %mul3A_1053 : vector<16xf32>
    %add3A_1059 = arith.addf %add3A_1049, %exp3A_1058 : vector<16xf32>
    %mul3A_1060 = arith.constant 2.000000e+00 : f32
    %mul3A_1061 = vector.broadcast %mul3A_1060 : f32 to vector<16xf32>
    %mul3A_1062 = arith.mulf %mul3A_23, %mul3A_1061 : vector<16xf32>
    %mul3A_1063 = arith.mulf %get3A_960, %mul3A_1062 : vector<16xf32>
    %swap3A_1064 = arith.constant 10 : i32
    %swap3A_1065 = arith.index_cast %swap3A_1064 : i32 to index
    %swap3A_1066 = arith.constant 16 : index
    %swap3A_1067 = tpu.vector_load %arg11[%swap3A_1065, %swap3A_1066] {strides = array<i32>} : memref<17x32xf32, #tpu.memory_space<vmem>>, vector<16xf32>,
    tpu.vector_store %arg11[%swap3A_1065, %swap3A_1066], %mul3A_1063 {strides = array<i32>} : memref<17x32xf32, #tpu.memory_space<vmem>>, vector<16xf32>,
    %exp3A_1068 = math.exp %mul3A_1063 : vector<16xf32>
    %add3A_1069 = arith.addf %add3A_1059, %exp3A_1068 : vector<16xf32>
    %mul3A_1070 = arith.constant 3.000000e+00 : f32
    %mul3A_1071 = vector.broadcast %mul3A_1070 : f32 to vector<16xf32>
    %mul3A_1072 = arith.mulf %mul3A_23, %mul3A_1071 : vector<16xf32>
    %mul3A_1073 = arith.mulf %get3A_960, %mul3A_1072 : vector<16xf32>
    %swap3A_1074 = arith.constant 11 : i32
    %swap3A_1075 = arith.index_cast %swap3A_1074 : i32 to index
    %swap3A_1076 = arith.constant 16 : index
    %swap3A_1077 = tpu.vector_load %arg11[%swap3A_1075, %swap3A_1076] {strides = array<i32>} : memref<17x32xf32, #tpu.memory_space<vmem>>, vector<16xf32>,
    tpu.vector_store %arg11[%swap3A_1075, %swap3A_1076], %mul3A_1073 {strides = array<i32>} : memref<17x32xf32, #tpu.memory_space<vmem>>, vector<16xf32>,
    %exp3A_1078 = math.exp %mul3A_1073 : vector<16xf32>
    %add3A_1079 = arith.addf %add3A_1069, %exp3A_1078 : vector<16xf32>
    %mul3A_1080 = arith.constant 4.000000e+00 : f32
    %mul3A_1081 = vector.broadcast %mul3A_1080 : f32 to vector<16xf32>
    %mul3A_1082 = arith.mulf %mul3A_23, %mul3A_1081 : vector<16xf32>
    %mul3A_1083 = arith.mulf %get3A_960, %mul3A_1082 : vector<16xf32>
    %swap3A_1084 = arith.constant 12 : i32
    %swap3A_1085 = arith.index_cast %swap3A_1084 : i32 to index
    %swap3A_1086 = arith.constant 16 : index
    %swap3A_1087 = tpu.vector_load %arg11[%swap3A_1085, %swap3A_1086] {strides = array<i32>} : memref<17x32xf32, #tpu.memory_space<vmem>>, vector<16xf32>,
    tpu.vector_store %arg11[%swap3A_1085, %swap3A_1086], %mul3A_1083 {strides = array<i32>} : memref<17x32xf32, #tpu.memory_space<vmem>>, vector<16xf32>,
    %exp3A_1088 = math.exp %mul3A_1083 : vector<16xf32>
    %add3A_1089 = arith.addf %add3A_1079, %exp3A_1088 : vector<16xf32>
    %mul3A_1090 = arith.constant 5.000000e+00 : f32
    %mul3A_1091 = vector.broadcast %mul3A_1090 : f32 to vector<16xf32>
    %mul3A_1092 = arith.mulf %mul3A_23, %mul3A_1091 : vector<16xf32>
    %mul3A_1093 = arith.mulf %get3A_960, %mul3A_1092 : vector<16xf32>
    %swap3A_1094 = arith.constant 13 : i32
    %swap3A_1095 = arith.index_cast %swap3A_1094 : i32 to index
    %swap3A_1096 = arith.constant 16 : index
    %swap3A_1097 = tpu.vector_load %arg11[%swap3A_1095, %swap3A_1096] {strides = array<i32>} : memref<17x32xf32, #tpu.memory_space<vmem>>, vector<16xf32>,
    tpu.vector_store %arg11[%swap3A_1095, %swap3A_1096], %mul3A_1093 {strides = array<i32>} : memref<17x32xf32, #tpu.memory_space<vmem>>, vector<16xf32>,
    %exp3A_1098 = math.exp %mul3A_1093 : vector<16xf32>
    %add3A_1099 = arith.addf %add3A_1089, %exp3A_1098 : vector<16xf32>
    %mul3A_1100 = arith.constant 6.000000e+00 : f32
    %mul3A_1101 = vector.broadcast %mul3A_1100 : f32 to vector<16xf32>
    %mul3A_1102 = arith.mulf %mul3A_23, %mul3A_1101 : vector<16xf32>
    %mul3A_1103 = arith.mulf %get3A_960, %mul3A_1102 : vector<16xf32>
    %swap3A_1104 = arith.constant 14 : i32
    %swap3A_1105 = arith.index_cast %swap3A_1104 : i32 to index
    %swap3A_1106 = arith.constant 16 : index
    %swap3A_1107 = tpu.vector_load %arg11[%swap3A_1105, %swap3A_1106] {strides = array<i32>} : memref<17x32xf32, #tpu.memory_space<vmem>>, vector<16xf32>,
    tpu.vector_store %arg11[%swap3A_1105, %swap3A_1106], %mul3A_1103 {strides = array<i32>} : memref<17x32xf32, #tpu.memory_space<vmem>>, vector<16xf32>,
    %exp3A_1108 = math.exp %mul3A_1103 : vector<16xf32>
    %add3A_1109 = arith.addf %add3A_1099, %exp3A_1108 : vector<16xf32>
    %mul3A_1110 = arith.constant 7.000000e+00 : f32
    %mul3A_1111 = vector.broadcast %mul3A_1110 : f32 to vector<16xf32>
    %mul3A_1112 = arith.mulf %mul3A_23, %mul3A_1111 : vector<16xf32>
    %mul3A_1113 = arith.mulf %get3A_960, %mul3A_1112 : vector<16xf32>
    %swap3A_1114 = arith.constant 15 : i32
    %swap3A_1115 = arith.index_cast %swap3A_1114 : i32 to index
    %swap3A_1116 = arith.constant 16 : index
    %swap3A_1117 = tpu.vector_load %arg11[%swap3A_1115, %swap3A_1116] {strides = array<i32>} : memref<17x32xf32, #tpu.memory_space<vmem>>, vector<16xf32>,
    tpu.vector_store %arg11[%swap3A_1115, %swap3A_1116], %mul3A_1113 {strides = array<i32>} : memref<17x32xf32, #tpu.memory_space<vmem>>, vector<16xf32>,
    %exp3A_1118 = math.exp %mul3A_1113 : vector<16xf32>
    %add3A_1119 = arith.addf %add3A_1109, %exp3A_1118 : vector<16xf32>
    %mul3A_1120 = arith.constant 8.000000e+00 : f32
    %mul3A_1121 = vector.broadcast %mul3A_1120 : f32 to vector<16xf32>
    %mul3A_1122 = arith.mulf %mul3A_23, %mul3A_1121 : vector<16xf32>
    %mul3A_1123 = arith.mulf %get3A_960, %mul3A_1122 : vector<16xf32>
    %swap3A_1124 = arith.constant 16 : i32
    %swap3A_1125 = arith.index_cast %swap3A_1124 : i32 to index
    %swap3A_1126 = arith.constant 16 : index
    %swap3A_1127 = tpu.vector_load %arg11[%swap3A_1125, %swap3A_1126] {strides = array<i32>} : memref<17x32xf32, #tpu.memory_space<vmem>>, vector<16xf32>,
    tpu.vector_store %arg11[%swap3A_1125, %swap3A_1126], %mul3A_1123 {strides = array<i32>} : memref<17x32xf32, #tpu.memory_space<vmem>>, vector<16xf32>,
    %exp3A_1128 = math.exp %mul3A_1123 : vector<16xf32>
    %add3A_1129 = arith.addf %add3A_1119, %exp3A_1128 : vector<16xf32>
    %bitcast3A_1130 = vector.bitcast %add3A_1049 : vector<16xf32> to vector<16xi32>
    %shift_right_arithmetic3A_1131 = arith.constant 23 : i32
    %shift_right_arithmetic3A_1132 = vector.broadcast %shift_right_arithmetic3A_1131 : i32 to vector<16xi32>
    %shift_right_arithmetic3A_1133 = arith.shrsi %bitcast3A_1130, %shift_right_arithmetic3A_1132 : vector<16xi32>
    %sub3A_1134 = arith.constant 127 : i32
    %sub3A_1135 = vector.broadcast %sub3A_1134 : i32 to vector<16xi32>
    %sub3A_1136 = arith.subi %shift_right_arithmetic3A_1133, %sub3A_1135 : vector<16xi32>
    %and3A_1137 = arith.constant 8388607 : i32
    %and3A_1138 = vector.broadcast %and3A_1137 : i32 to vector<16xi32>
    %and3A_1139 = arith.andi %bitcast3A_1130, %and3A_1138 : vector<16xi32>
    %or3A_1140 = arith.constant 1065353216 : i32
    %or3A_1141 = vector.broadcast %or3A_1140 : i32 to vector<16xi32>
    %or3A_1142 = arith.ori %and3A_1139, %or3A_1141 : vector<16xi32>
    %bitcast3A_1143 = vector.bitcast %or3A_1142 : vector<16xi32> to vector<16xf32>
    %broadcast_in_dim3A_1144 = arith.constant 3.044900e-02 : f32
    %broadcast_in_dim3A_1145 = vector.broadcast %broadcast_in_dim3A_1144 : f32 to vector<16xf32>
    %mul3A_1146 = arith.mulf %broadcast_in_dim3A_1145, %bitcast3A_1143 : vector<16xf32>
    %add3A_1147 = arith.constant -0.283826858 : f32
    %add3A_1148 = vector.broadcast %add3A_1147 : f32 to vector<16xf32>
    %add3A_1149 = arith.addf %mul3A_1146, %add3A_1148 : vector<16xf32>
    %mul3A_1150 = arith.mulf %add3A_1149, %bitcast3A_1143 : vector<16xf32>
    %add3A_1151 = arith.constant 1.116090e+00 : f32
    %add3A_1152 = vector.broadcast %add3A_1151 : f32 to vector<16xf32>
    %add3A_1153 = arith.addf %mul3A_1150, %add3A_1152 : vector<16xf32>
    %mul3A_1154 = arith.mulf %add3A_1153, %bitcast3A_1143 : vector<16xf32>
    %add3A_1155 = arith.constant -2.44002986 : f32
    %add3A_1156 = vector.broadcast %add3A_1155 : f32 to vector<16xf32>
    %add3A_1157 = arith.addf %mul3A_1154, %add3A_1156 : vector<16xf32>
    %mul3A_1158 = arith.mulf %add3A_1157, %bitcast3A_1143 : vector<16xf32>
    %add3A_1159 = arith.constant 3.5140872 : f32
    %add3A_1160 = vector.broadcast %add3A_1159 : f32 to vector<16xf32>
    %add3A_1161 = arith.addf %mul3A_1158, %add3A_1160 : vector<16xf32>
    %mul3A_1162 = arith.mulf %add3A_1161, %bitcast3A_1143 : vector<16xf32>
    %add3A_1163 = arith.constant -1.93675971 : f32
    %add3A_1164 = vector.broadcast %add3A_1163 : f32 to vector<16xf32>
    %add3A_1165 = arith.addf %mul3A_1162, %add3A_1164 : vector<16xf32>
    %convert_element_type3A_1166 = arith.sitofp %sub3A_1136 : vector<16xi32> to vector<16xf32>
    %mul3A_1167 = arith.constant 0.693147182 : f32
    %mul3A_1168 = vector.broadcast %mul3A_1167 : f32 to vector<16xf32>
    %mul3A_1169 = arith.mulf %convert_element_type3A_1166, %mul3A_1168 : vector<16xf32>
    %add3A_1170 = arith.addf %mul3A_1169, %add3A_1165 : vector<16xf32>
    %swap3A_1171 = arith.constant 0 : i32
    %swap3A_1172 = arith.index_cast %swap3A_1171 : i32 to index
    %swap3A_1173 = arith.constant 16 : index
    %swap3A_1174 = tpu.vector_load %arg12[%swap3A_1172, %swap3A_1173] {strides = array<i32>} : memref<17x32xf32, #tpu.memory_space<vmem>>, vector<16xf32>,
    tpu.vector_store %arg12[%swap3A_1172, %swap3A_1173], %add3A_1170 {strides = array<i32>} : memref<17x32xf32, #tpu.memory_space<vmem>>, vector<16xf32>,
    %bitcast3A_1175 = vector.bitcast %add3A_1059 : vector<16xf32> to vector<16xi32>
    %shift_right_arithmetic3A_1176 = arith.constant 23 : i32
    %shift_right_arithmetic3A_1177 = vector.broadcast %shift_right_arithmetic3A_1176 : i32 to vector<16xi32>
    %shift_right_arithmetic3A_1178 = arith.shrsi %bitcast3A_1175, %shift_right_arithmetic3A_1177 : vector<16xi32>
    %sub3A_1179 = arith.constant 127 : i32
    %sub3A_1180 = vector.broadcast %sub3A_1179 : i32 to vector<16xi32>
    %sub3A_1181 = arith.subi %shift_right_arithmetic3A_1178, %sub3A_1180 : vector<16xi32>
    %and3A_1182 = arith.constant 8388607 : i32
    %and3A_1183 = vector.broadcast %and3A_1182 : i32 to vector<16xi32>
    %and3A_1184 = arith.andi %bitcast3A_1175, %and3A_1183 : vector<16xi32>
    %or3A_1185 = arith.constant 1065353216 : i32
    %or3A_1186 = vector.broadcast %or3A_1185 : i32 to vector<16xi32>
    %or3A_1187 = arith.ori %and3A_1184, %or3A_1186 : vector<16xi32>
    %bitcast3A_1188 = vector.bitcast %or3A_1187 : vector<16xi32> to vector<16xf32>
    %broadcast_in_dim3A_1189 = arith.constant 3.044900e-02 : f32
    %broadcast_in_dim3A_1190 = vector.broadcast %broadcast_in_dim3A_1189 : f32 to vector<16xf32>
    %mul3A_1191 = arith.mulf %broadcast_in_dim3A_1190, %bitcast3A_1188 : vector<16xf32>
    %add3A_1192 = arith.constant -0.283826858 : f32
    %add3A_1193 = vector.broadcast %add3A_1192 : f32 to vector<16xf32>
    %add3A_1194 = arith.addf %mul3A_1191, %add3A_1193 : vector<16xf32>
    %mul3A_1195 = arith.mulf %add3A_1194, %bitcast3A_1188 : vector<16xf32>
    %add3A_1196 = arith.constant 1.116090e+00 : f32
    %add3A_1197 = vector.broadcast %add3A_1196 : f32 to vector<16xf32>
    %add3A_1198 = arith.addf %mul3A_1195, %add3A_1197 : vector<16xf32>
    %mul3A_1199 = arith.mulf %add3A_1198, %bitcast3A_1188 : vector<16xf32>
    %add3A_1200 = arith.constant -2.44002986 : f32
    %add3A_1201 = vector.broadcast %add3A_1200 : f32 to vector<16xf32>
    %add3A_1202 = arith.addf %mul3A_1199, %add3A_1201 : vector<16xf32>
    %mul3A_1203 = arith.mulf %add3A_1202, %bitcast3A_1188 : vector<16xf32>
    %add3A_1204 = arith.constant 3.5140872 : f32
    %add3A_1205 = vector.broadcast %add3A_1204 : f32 to vector<16xf32>
    %add3A_1206 = arith.addf %mul3A_1203, %add3A_1205 : vector<16xf32>
    %mul3A_1207 = arith.mulf %add3A_1206, %bitcast3A_1188 : vector<16xf32>
    %add3A_1208 = arith.constant -1.93675971 : f32
    %add3A_1209 = vector.broadcast %add3A_1208 : f32 to vector<16xf32>
    %add3A_1210 = arith.addf %mul3A_1207, %add3A_1209 : vector<16xf32>
    %convert_element_type3A_1211 = arith.sitofp %sub3A_1181 : vector<16xi32> to vector<16xf32>
    %mul3A_1212 = arith.constant 0.693147182 : f32
    %mul3A_1213 = vector.broadcast %mul3A_1212 : f32 to vector<16xf32>
    %mul3A_1214 = arith.mulf %convert_element_type3A_1211, %mul3A_1213 : vector<16xf32>
    %add3A_1215 = arith.addf %mul3A_1214, %add3A_1210 : vector<16xf32>
    %swap3A_1216 = arith.constant 1 : i32
    %swap3A_1217 = arith.index_cast %swap3A_1216 : i32 to index
    %swap3A_1218 = arith.constant 16 : index
    %swap3A_1219 = tpu.vector_load %arg12[%swap3A_1217, %swap3A_1218] {strides = array<i32>} : memref<17x32xf32, #tpu.memory_space<vmem>>, vector<16xf32>,
    tpu.vector_store %arg12[%swap3A_1217, %swap3A_1218], %add3A_1215 {strides = array<i32>} : memref<17x32xf32, #tpu.memory_space<vmem>>, vector<16xf32>,
    %bitcast3A_1220 = vector.bitcast %add3A_1069 : vector<16xf32> to vector<16xi32>
    %shift_right_arithmetic3A_1221 = arith.constant 23 : i32
    %shift_right_arithmetic3A_1222 = vector.broadcast %shift_right_arithmetic3A_1221 : i32 to vector<16xi32>
    %shift_right_arithmetic3A_1223 = arith.shrsi %bitcast3A_1220, %shift_right_arithmetic3A_1222 : vector<16xi32>
    %sub3A_1224 = arith.constant 127 : i32
    %sub3A_1225 = vector.broadcast %sub3A_1224 : i32 to vector<16xi32>
    %sub3A_1226 = arith.subi %shift_right_arithmetic3A_1223, %sub3A_1225 : vector<16xi32>
    %and3A_1227 = arith.constant 8388607 : i32
    %and3A_1228 = vector.broadcast %and3A_1227 : i32 to vector<16xi32>
    %and3A_1229 = arith.andi %bitcast3A_1220, %and3A_1228 : vector<16xi32>
    %or3A_1230 = arith.constant 1065353216 : i32
    %or3A_1231 = vector.broadcast %or3A_1230 : i32 to vector<16xi32>
    %or3A_1232 = arith.ori %and3A_1229, %or3A_1231 : vector<16xi32>
    %bitcast3A_1233 = vector.bitcast %or3A_1232 : vector<16xi32> to vector<16xf32>
    %broadcast_in_dim3A_1234 = arith.constant 3.044900e-02 : f32
    %broadcast_in_dim3A_1235 = vector.broadcast %broadcast_in_dim3A_1234 : f32 to vector<16xf32>
    %mul3A_1236 = arith.mulf %broadcast_in_dim3A_1235, %bitcast3A_1233 : vector<16xf32>
    %add3A_1237 = arith.constant -0.283826858 : f32
    %add3A_1238 = vector.broadcast %add3A_1237 : f32 to vector<16xf32>
    %add3A_1239 = arith.addf %mul3A_1236, %add3A_1238 : vector<16xf32>
    %mul3A_1240 = arith.mulf %add3A_1239, %bitcast3A_1233 : vector<16xf32>
    %add3A_1241 = arith.constant 1.116090e+00 : f32
    %add3A_1242 = vector.broadcast %add3A_1241 : f32 to vector<16xf32>
    %add3A_1243 = arith.addf %mul3A_1240, %add3A_1242 : vector<16xf32>
    %mul3A_1244 = arith.mulf %add3A_1243, %bitcast3A_1233 : vector<16xf32>
    %add3A_1245 = arith.constant -2.44002986 : f32
    %add3A_1246 = vector.broadcast %add3A_1245 : f32 to vector<16xf32>
    %add3A_1247 = arith.addf %mul3A_1244, %add3A_1246 : vector<16xf32>
    %mul3A_1248 = arith.mulf %add3A_1247, %bitcast3A_1233 : vector<16xf32>
    %add3A_1249 = arith.constant 3.5140872 : f32
    %add3A_1250 = vector.broadcast %add3A_1249 : f32 to vector<16xf32>
    %add3A_1251 = arith.addf %mul3A_1248, %add3A_1250 : vector<16xf32>
    %mul3A_1252 = arith.mulf %add3A_1251, %bitcast3A_1233 : vector<16xf32>
    %add3A_1253 = arith.constant -1.93675971 : f32
    %add3A_1254 = vector.broadcast %add3A_1253 : f32 to vector<16xf32>
    %add3A_1255 = arith.addf %mul3A_1252, %add3A_1254 : vector<16xf32>
    %convert_element_type3A_1256 = arith.sitofp %sub3A_1226 : vector<16xi32> to vector<16xf32>
    %mul3A_1257 = arith.constant 0.693147182 : f32
    %mul3A_1258 = vector.broadcast %mul3A_1257 : f32 to vector<16xf32>
    %mul3A_1259 = arith.mulf %convert_element_type3A_1256, %mul3A_1258 : vector<16xf32>
    %add3A_1260 = arith.addf %mul3A_1259, %add3A_1255 : vector<16xf32>
    %swap3A_1261 = arith.constant 2 : i32
    %swap3A_1262 = arith.index_cast %swap3A_1261 : i32 to index
    %swap3A_1263 = arith.constant 16 : index
    %swap3A_1264 = tpu.vector_load %arg12[%swap3A_1262, %swap3A_1263] {strides = array<i32>} : memref<17x32xf32, #tpu.memory_space<vmem>>, vector<16xf32>,
    tpu.vector_store %arg12[%swap3A_1262, %swap3A_1263], %add3A_1260 {strides = array<i32>} : memref<17x32xf32, #tpu.memory_space<vmem>>, vector<16xf32>,
    %bitcast3A_1265 = vector.bitcast %add3A_1079 : vector<16xf32> to vector<16xi32>
    %shift_right_arithmetic3A_1266 = arith.constant 23 : i32
    %shift_right_arithmetic3A_1267 = vector.broadcast %shift_right_arithmetic3A_1266 : i32 to vector<16xi32>
    %shift_right_arithmetic3A_1268 = arith.shrsi %bitcast3A_1265, %shift_right_arithmetic3A_1267 : vector<16xi32>
    %sub3A_1269 = arith.constant 127 : i32
    %sub3A_1270 = vector.broadcast %sub3A_1269 : i32 to vector<16xi32>
    %sub3A_1271 = arith.subi %shift_right_arithmetic3A_1268, %sub3A_1270 : vector<16xi32>
    %and3A_1272 = arith.constant 8388607 : i32
    %and3A_1273 = vector.broadcast %and3A_1272 : i32 to vector<16xi32>
    %and3A_1274 = arith.andi %bitcast3A_1265, %and3A_1273 : vector<16xi32>
    %or3A_1275 = arith.constant 1065353216 : i32
    %or3A_1276 = vector.broadcast %or3A_1275 : i32 to vector<16xi32>
    %or3A_1277 = arith.ori %and3A_1274, %or3A_1276 : vector<16xi32>
    %bitcast3A_1278 = vector.bitcast %or3A_1277 : vector<16xi32> to vector<16xf32>
    %broadcast_in_dim3A_1279 = arith.constant 3.044900e-02 : f32
    %broadcast_in_dim3A_1280 = vector.broadcast %broadcast_in_dim3A_1279 : f32 to vector<16xf32>
    %mul3A_1281 = arith.mulf %broadcast_in_dim3A_1280, %bitcast3A_1278 : vector<16xf32>
    %add3A_1282 = arith.constant -0.283826858 : f32
    %add3A_1283 = vector.broadcast %add3A_1282 : f32 to vector<16xf32>
    %add3A_1284 = arith.addf %mul3A_1281, %add3A_1283 : vector<16xf32>
    %mul3A_1285 = arith.mulf %add3A_1284, %bitcast3A_1278 : vector<16xf32>
    %add3A_1286 = arith.constant 1.116090e+00 : f32
    %add3A_1287 = vector.broadcast %add3A_1286 : f32 to vector<16xf32>
    %add3A_1288 = arith.addf %mul3A_1285, %add3A_1287 : vector<16xf32>
    %mul3A_1289 = arith.mulf %add3A_1288, %bitcast3A_1278 : vector<16xf32>
    %add3A_1290 = arith.constant -2.44002986 : f32
    %add3A_1291 = vector.broadcast %add3A_1290 : f32 to vector<16xf32>
    %add3A_1292 = arith.addf %mul3A_1289, %add3A_1291 : vector<16xf32>
    %mul3A_1293 = arith.mulf %add3A_1292, %bitcast3A_1278 : vector<16xf32>
    %add3A_1294 = arith.constant 3.5140872 : f32
    %add3A_1295 = vector.broadcast %add3A_1294 : f32 to vector<16xf32>
    %add3A_1296 = arith.addf %mul3A_1293, %add3A_1295 : vector<16xf32>
    %mul3A_1297 = arith.mulf %add3A_1296, %bitcast3A_1278 : vector<16xf32>
    %add3A_1298 = arith.constant -1.93675971 : f32
    %add3A_1299 = vector.broadcast %add3A_1298 : f32 to vector<16xf32>
    %add3A_1300 = arith.addf %mul3A_1297, %add3A_1299 : vector<16xf32>
    %convert_element_type3A_1301 = arith.sitofp %sub3A_1271 : vector<16xi32> to vector<16xf32>
    %mul3A_1302 = arith.constant 0.693147182 : f32
    %mul3A_1303 = vector.broadcast %mul3A_1302 : f32 to vector<16xf32>
    %mul3A_1304 = arith.mulf %convert_element_type3A_1301, %mul3A_1303 : vector<16xf32>
    %add3A_1305 = arith.addf %mul3A_1304, %add3A_1300 : vector<16xf32>
    %swap3A_1306 = arith.constant 3 : i32
    %swap3A_1307 = arith.index_cast %swap3A_1306 : i32 to index
    %swap3A_1308 = arith.constant 16 : index
    %swap3A_1309 = tpu.vector_load %arg12[%swap3A_1307, %swap3A_1308] {strides = array<i32>} : memref<17x32xf32, #tpu.memory_space<vmem>>, vector<16xf32>,
    tpu.vector_store %arg12[%swap3A_1307, %swap3A_1308], %add3A_1305 {strides = array<i32>} : memref<17x32xf32, #tpu.memory_space<vmem>>, vector<16xf32>,
    %bitcast3A_1310 = vector.bitcast %add3A_1089 : vector<16xf32> to vector<16xi32>
    %shift_right_arithmetic3A_1311 = arith.constant 23 : i32
    %shift_right_arithmetic3A_1312 = vector.broadcast %shift_right_arithmetic3A_1311 : i32 to vector<16xi32>
    %shift_right_arithmetic3A_1313 = arith.shrsi %bitcast3A_1310, %shift_right_arithmetic3A_1312 : vector<16xi32>
    %sub3A_1314 = arith.constant 127 : i32
    %sub3A_1315 = vector.broadcast %sub3A_1314 : i32 to vector<16xi32>
    %sub3A_1316 = arith.subi %shift_right_arithmetic3A_1313, %sub3A_1315 : vector<16xi32>
    %and3A_1317 = arith.constant 8388607 : i32
    %and3A_1318 = vector.broadcast %and3A_1317 : i32 to vector<16xi32>
    %and3A_1319 = arith.andi %bitcast3A_1310, %and3A_1318 : vector<16xi32>
    %or3A_1320 = arith.constant 1065353216 : i32
    %or3A_1321 = vector.broadcast %or3A_1320 : i32 to vector<16xi32>
    %or3A_1322 = arith.ori %and3A_1319, %or3A_1321 : vector<16xi32>
    %bitcast3A_1323 = vector.bitcast %or3A_1322 : vector<16xi32> to vector<16xf32>
    %broadcast_in_dim3A_1324 = arith.constant 3.044900e-02 : f32
    %broadcast_in_dim3A_1325 = vector.broadcast %broadcast_in_dim3A_1324 : f32 to vector<16xf32>
    %mul3A_1326 = arith.mulf %broadcast_in_dim3A_1325, %bitcast3A_1323 : vector<16xf32>
    %add3A_1327 = arith.constant -0.283826858 : f32
    %add3A_1328 = vector.broadcast %add3A_1327 : f32 to vector<16xf32>
    %add3A_1329 = arith.addf %mul3A_1326, %add3A_1328 : vector<16xf32>
    %mul3A_1330 = arith.mulf %add3A_1329, %bitcast3A_1323 : vector<16xf32>
    %add3A_1331 = arith.constant 1.116090e+00 : f32
    %add3A_1332 = vector.broadcast %add3A_1331 : f32 to vector<16xf32>
    %add3A_1333 = arith.addf %mul3A_1330, %add3A_1332 : vector<16xf32>
    %mul3A_1334 = arith.mulf %add3A_1333, %bitcast3A_1323 : vector<16xf32>
    %add3A_1335 = arith.constant -2.44002986 : f32
    %add3A_1336 = vector.broadcast %add3A_1335 : f32 to vector<16xf32>
    %add3A_1337 = arith.addf %mul3A_1334, %add3A_1336 : vector<16xf32>
    %mul3A_1338 = arith.mulf %add3A_1337, %bitcast3A_1323 : vector<16xf32>
    %add3A_1339 = arith.constant 3.5140872 : f32
    %add3A_1340 = vector.broadcast %add3A_1339 : f32 to vector<16xf32>
    %add3A_1341 = arith.addf %mul3A_1338, %add3A_1340 : vector<16xf32>
    %mul3A_1342 = arith.mulf %add3A_1341, %bitcast3A_1323 : vector<16xf32>
    %add3A_1343 = arith.constant -1.93675971 : f32
    %add3A_1344 = vector.broadcast %add3A_1343 : f32 to vector<16xf32>
    %add3A_1345 = arith.addf %mul3A_1342, %add3A_1344 : vector<16xf32>
    %convert_element_type3A_1346 = arith.sitofp %sub3A_1316 : vector<16xi32> to vector<16xf32>
    %mul3A_1347 = arith.constant 0.693147182 : f32
    %mul3A_1348 = vector.broadcast %mul3A_1347 : f32 to vector<16xf32>
    %mul3A_1349 = arith.mulf %convert_element_type3A_1346, %mul3A_1348 : vector<16xf32>
    %add3A_1350 = arith.addf %mul3A_1349, %add3A_1345 : vector<16xf32>
    %swap3A_1351 = arith.constant 4 : i32
    %swap3A_1352 = arith.index_cast %swap3A_1351 : i32 to index
    %swap3A_1353 = arith.constant 16 : index
    %swap3A_1354 = tpu.vector_load %arg12[%swap3A_1352, %swap3A_1353] {strides = array<i32>} : memref<17x32xf32, #tpu.memory_space<vmem>>, vector<16xf32>,
    tpu.vector_store %arg12[%swap3A_1352, %swap3A_1353], %add3A_1350 {strides = array<i32>} : memref<17x32xf32, #tpu.memory_space<vmem>>, vector<16xf32>,
    %bitcast3A_1355 = vector.bitcast %add3A_1099 : vector<16xf32> to vector<16xi32>
    %shift_right_arithmetic3A_1356 = arith.constant 23 : i32
    %shift_right_arithmetic3A_1357 = vector.broadcast %shift_right_arithmetic3A_1356 : i32 to vector<16xi32>
    %shift_right_arithmetic3A_1358 = arith.shrsi %bitcast3A_1355, %shift_right_arithmetic3A_1357 : vector<16xi32>
    %sub3A_1359 = arith.constant 127 : i32
    %sub3A_1360 = vector.broadcast %sub3A_1359 : i32 to vector<16xi32>
    %sub3A_1361 = arith.subi %shift_right_arithmetic3A_1358, %sub3A_1360 : vector<16xi32>
    %and3A_1362 = arith.constant 8388607 : i32
    %and3A_1363 = vector.broadcast %and3A_1362 : i32 to vector<16xi32>
    %and3A_1364 = arith.andi %bitcast3A_1355, %and3A_1363 : vector<16xi32>
    %or3A_1365 = arith.constant 1065353216 : i32
    %or3A_1366 = vector.broadcast %or3A_1365 : i32 to vector<16xi32>
    %or3A_1367 = arith.ori %and3A_1364, %or3A_1366 : vector<16xi32>
    %bitcast3A_1368 = vector.bitcast %or3A_1367 : vector<16xi32> to vector<16xf32>
    %broadcast_in_dim3A_1369 = arith.constant 3.044900e-02 : f32
    %broadcast_in_dim3A_1370 = vector.broadcast %broadcast_in_dim3A_1369 : f32 to vector<16xf32>
    %mul3A_1371 = arith.mulf %broadcast_in_dim3A_1370, %bitcast3A_1368 : vector<16xf32>
    %add3A_1372 = arith.constant -0.283826858 : f32
    %add3A_1373 = vector.broadcast %add3A_1372 : f32 to vector<16xf32>
    %add3A_1374 = arith.addf %mul3A_1371, %add3A_1373 : vector<16xf32>
    %mul3A_1375 = arith.mulf %add3A_1374, %bitcast3A_1368 : vector<16xf32>
    %add3A_1376 = arith.constant 1.116090e+00 : f32
    %add3A_1377 = vector.broadcast %add3A_1376 : f32 to vector<16xf32>
    %add3A_1378 = arith.addf %mul3A_1375, %add3A_1377 : vector<16xf32>
    %mul3A_1379 = arith.mulf %add3A_1378, %bitcast3A_1368 : vector<16xf32>
    %add3A_1380 = arith.constant -2.44002986 : f32
    %add3A_1381 = vector.broadcast %add3A_1380 : f32 to vector<16xf32>
    %add3A_1382 = arith.addf %mul3A_1379, %add3A_1381 : vector<16xf32>
    %mul3A_1383 = arith.mulf %add3A_1382, %bitcast3A_1368 : vector<16xf32>
    %add3A_1384 = arith.constant 3.5140872 : f32
    %add3A_1385 = vector.broadcast %add3A_1384 : f32 to vector<16xf32>
    %add3A_1386 = arith.addf %mul3A_1383, %add3A_1385 : vector<16xf32>
    %mul3A_1387 = arith.mulf %add3A_1386, %bitcast3A_1368 : vector<16xf32>
    %add3A_1388 = arith.constant -1.93675971 : f32
    %add3A_1389 = vector.broadcast %add3A_1388 : f32 to vector<16xf32>
    %add3A_1390 = arith.addf %mul3A_1387, %add3A_1389 : vector<16xf32>
    %convert_element_type3A_1391 = arith.sitofp %sub3A_1361 : vector<16xi32> to vector<16xf32>
    %mul3A_1392 = arith.constant 0.693147182 : f32
    %mul3A_1393 = vector.broadcast %mul3A_1392 : f32 to vector<16xf32>
    %mul3A_1394 = arith.mulf %convert_element_type3A_1391, %mul3A_1393 : vector<16xf32>
    %add3A_1395 = arith.addf %mul3A_1394, %add3A_1390 : vector<16xf32>
    %swap3A_1396 = arith.constant 5 : i32
    %swap3A_1397 = arith.index_cast %swap3A_1396 : i32 to index
    %swap3A_1398 = arith.constant 16 : index
    %swap3A_1399 = tpu.vector_load %arg12[%swap3A_1397, %swap3A_1398] {strides = array<i32>} : memref<17x32xf32, #tpu.memory_space<vmem>>, vector<16xf32>,
    tpu.vector_store %arg12[%swap3A_1397, %swap3A_1398], %add3A_1395 {strides = array<i32>} : memref<17x32xf32, #tpu.memory_space<vmem>>, vector<16xf32>,
    %bitcast3A_1400 = vector.bitcast %add3A_1109 : vector<16xf32> to vector<16xi32>
    %shift_right_arithmetic3A_1401 = arith.constant 23 : i32
    %shift_right_arithmetic3A_1402 = vector.broadcast %shift_right_arithmetic3A_1401 : i32 to vector<16xi32>
    %shift_right_arithmetic3A_1403 = arith.shrsi %bitcast3A_1400, %shift_right_arithmetic3A_1402 : vector<16xi32>
    %sub3A_1404 = arith.constant 127 : i32
    %sub3A_1405 = vector.broadcast %sub3A_1404 : i32 to vector<16xi32>
    %sub3A_1406 = arith.subi %shift_right_arithmetic3A_1403, %sub3A_1405 : vector<16xi32>
    %and3A_1407 = arith.constant 8388607 : i32
    %and3A_1408 = vector.broadcast %and3A_1407 : i32 to vector<16xi32>
    %and3A_1409 = arith.andi %bitcast3A_1400, %and3A_1408 : vector<16xi32>
    %or3A_1410 = arith.constant 1065353216 : i32
    %or3A_1411 = vector.broadcast %or3A_1410 : i32 to vector<16xi32>
    %or3A_1412 = arith.ori %and3A_1409, %or3A_1411 : vector<16xi32>
    %bitcast3A_1413 = vector.bitcast %or3A_1412 : vector<16xi32> to vector<16xf32>
    %broadcast_in_dim3A_1414 = arith.constant 3.044900e-02 : f32
    %broadcast_in_dim3A_1415 = vector.broadcast %broadcast_in_dim3A_1414 : f32 to vector<16xf32>
    %mul3A_1416 = arith.mulf %broadcast_in_dim3A_1415, %bitcast3A_1413 : vector<16xf32>
    %add3A_1417 = arith.constant -0.283826858 : f32
    %add3A_1418 = vector.broadcast %add3A_1417 : f32 to vector<16xf32>
    %add3A_1419 = arith.addf %mul3A_1416, %add3A_1418 : vector<16xf32>
    %mul3A_1420 = arith.mulf %add3A_1419, %bitcast3A_1413 : vector<16xf32>
    %add3A_1421 = arith.constant 1.116090e+00 : f32
    %add3A_1422 = vector.broadcast %add3A_1421 : f32 to vector<16xf32>
    %add3A_1423 = arith.addf %mul3A_1420, %add3A_1422 : vector<16xf32>
    %mul3A_1424 = arith.mulf %add3A_1423, %bitcast3A_1413 : vector<16xf32>
    %add3A_1425 = arith.constant -2.44002986 : f32
    %add3A_1426 = vector.broadcast %add3A_1425 : f32 to vector<16xf32>
    %add3A_1427 = arith.addf %mul3A_1424, %add3A_1426 : vector<16xf32>
    %mul3A_1428 = arith.mulf %add3A_1427, %bitcast3A_1413 : vector<16xf32>
    %add3A_1429 = arith.constant 3.5140872 : f32
    %add3A_1430 = vector.broadcast %add3A_1429 : f32 to vector<16xf32>
    %add3A_1431 = arith.addf %mul3A_1428, %add3A_1430 : vector<16xf32>
    %mul3A_1432 = arith.mulf %add3A_1431, %bitcast3A_1413 : vector<16xf32>
    %add3A_1433 = arith.constant -1.93675971 : f32
    %add3A_1434 = vector.broadcast %add3A_1433 : f32 to vector<16xf32>
    %add3A_1435 = arith.addf %mul3A_1432, %add3A_1434 : vector<16xf32>
    %convert_element_type3A_1436 = arith.sitofp %sub3A_1406 : vector<16xi32> to vector<16xf32>
    %mul3A_1437 = arith.constant 0.693147182 : f32
    %mul3A_1438 = vector.broadcast %mul3A_1437 : f32 to vector<16xf32>
    %mul3A_1439 = arith.mulf %convert_element_type3A_1436, %mul3A_1438 : vector<16xf32>
    %add3A_1440 = arith.addf %mul3A_1439, %add3A_1435 : vector<16xf32>
    %swap3A_1441 = arith.constant 6 : i32
    %swap3A_1442 = arith.index_cast %swap3A_1441 : i32 to index
    %swap3A_1443 = arith.constant 16 : index
    %swap3A_1444 = tpu.vector_load %arg12[%swap3A_1442, %swap3A_1443] {strides = array<i32>} : memref<17x32xf32, #tpu.memory_space<vmem>>, vector<16xf32>,
    tpu.vector_store %arg12[%swap3A_1442, %swap3A_1443], %add3A_1440 {strides = array<i32>} : memref<17x32xf32, #tpu.memory_space<vmem>>, vector<16xf32>,
    %bitcast3A_1445 = vector.bitcast %add3A_1119 : vector<16xf32> to vector<16xi32>
    %shift_right_arithmetic3A_1446 = arith.constant 23 : i32
    %shift_right_arithmetic3A_1447 = vector.broadcast %shift_right_arithmetic3A_1446 : i32 to vector<16xi32>
    %shift_right_arithmetic3A_1448 = arith.shrsi %bitcast3A_1445, %shift_right_arithmetic3A_1447 : vector<16xi32>
    %sub3A_1449 = arith.constant 127 : i32
    %sub3A_1450 = vector.broadcast %sub3A_1449 : i32 to vector<16xi32>
    %sub3A_1451 = arith.subi %shift_right_arithmetic3A_1448, %sub3A_1450 : vector<16xi32>
    %and3A_1452 = arith.constant 8388607 : i32
    %and3A_1453 = vector.broadcast %and3A_1452 : i32 to vector<16xi32>
    %and3A_1454 = arith.andi %bitcast3A_1445, %and3A_1453 : vector<16xi32>
    %or3A_1455 = arith.constant 1065353216 : i32
    %or3A_1456 = vector.broadcast %or3A_1455 : i32 to vector<16xi32>
    %or3A_1457 = arith.ori %and3A_1454, %or3A_1456 : vector<16xi32>
    %bitcast3A_1458 = vector.bitcast %or3A_1457 : vector<16xi32> to vector<16xf32>
    %broadcast_in_dim3A_1459 = arith.constant 3.044900e-02 : f32
    %broadcast_in_dim3A_1460 = vector.broadcast %broadcast_in_dim3A_1459 : f32 to vector<16xf32>
    %mul3A_1461 = arith.mulf %broadcast_in_dim3A_1460, %bitcast3A_1458 : vector<16xf32>
    %add3A_1462 = arith.constant -0.283826858 : f32
    %add3A_1463 = vector.broadcast %add3A_1462 : f32 to vector<16xf32>
    %add3A_1464 = arith.addf %mul3A_1461, %add3A_1463 : vector<16xf32>
    %mul3A_1465 = arith.mulf %add3A_1464, %bitcast3A_1458 : vector<16xf32>
    %add3A_1466 = arith.constant 1.116090e+00 : f32
    %add3A_1467 = vector.broadcast %add3A_1466 : f32 to vector<16xf32>
    %add3A_1468 = arith.addf %mul3A_1465, %add3A_1467 : vector<16xf32>
    %mul3A_1469 = arith.mulf %add3A_1468, %bitcast3A_1458 : vector<16xf32>
    %add3A_1470 = arith.constant -2.44002986 : f32
    %add3A_1471 = vector.broadcast %add3A_1470 : f32 to vector<16xf32>
    %add3A_1472 = arith.addf %mul3A_1469, %add3A_1471 : vector<16xf32>
    %mul3A_1473 = arith.mulf %add3A_1472, %bitcast3A_1458 : vector<16xf32>
    %add3A_1474 = arith.constant 3.5140872 : f32
    %add3A_1475 = vector.broadcast %add3A_1474 : f32 to vector<16xf32>
    %add3A_1476 = arith.addf %mul3A_1473, %add3A_1475 : vector<16xf32>
    %mul3A_1477 = arith.mulf %add3A_1476, %bitcast3A_1458 : vector<16xf32>
    %add3A_1478 = arith.constant -1.93675971 : f32
    %add3A_1479 = vector.broadcast %add3A_1478 : f32 to vector<16xf32>
    %add3A_1480 = arith.addf %mul3A_1477, %add3A_1479 : vector<16xf32>
    %convert_element_type3A_1481 = arith.sitofp %sub3A_1451 : vector<16xi32> to vector<16xf32>
    %mul3A_1482 = arith.constant 0.693147182 : f32
    %mul3A_1483 = vector.broadcast %mul3A_1482 : f32 to vector<16xf32>
    %mul3A_1484 = arith.mulf %convert_element_type3A_1481, %mul3A_1483 : vector<16xf32>
    %add3A_1485 = arith.addf %mul3A_1484, %add3A_1480 : vector<16xf32>
    %swap3A_1486 = arith.constant 7 : i32
    %swap3A_1487 = arith.index_cast %swap3A_1486 : i32 to index
    %swap3A_1488 = arith.constant 16 : index
    %swap3A_1489 = tpu.vector_load %arg12[%swap3A_1487, %swap3A_1488] {strides = array<i32>} : memref<17x32xf32, #tpu.memory_space<vmem>>, vector<16xf32>,
    tpu.vector_store %arg12[%swap3A_1487, %swap3A_1488], %add3A_1485 {strides = array<i32>} : memref<17x32xf32, #tpu.memory_space<vmem>>, vector<16xf32>,
    %bitcast3A_1490 = vector.bitcast %add3A_1129 : vector<16xf32> to vector<16xi32>
    %shift_right_arithmetic3A_1491 = arith.constant 23 : i32
    %shift_right_arithmetic3A_1492 = vector.broadcast %shift_right_arithmetic3A_1491 : i32 to vector<16xi32>
    %shift_right_arithmetic3A_1493 = arith.shrsi %bitcast3A_1490, %shift_right_arithmetic3A_1492 : vector<16xi32>
    %sub3A_1494 = arith.constant 127 : i32
    %sub3A_1495 = vector.broadcast %sub3A_1494 : i32 to vector<16xi32>
    %sub3A_1496 = arith.subi %shift_right_arithmetic3A_1493, %sub3A_1495 : vector<16xi32>
    %and3A_1497 = arith.constant 8388607 : i32
    %and3A_1498 = vector.broadcast %and3A_1497 : i32 to vector<16xi32>
    %and3A_1499 = arith.andi %bitcast3A_1490, %and3A_1498 : vector<16xi32>
    %or3A_1500 = arith.constant 1065353216 : i32
    %or3A_1501 = vector.broadcast %or3A_1500 : i32 to vector<16xi32>
    %or3A_1502 = arith.ori %and3A_1499, %or3A_1501 : vector<16xi32>
    %bitcast3A_1503 = vector.bitcast %or3A_1502 : vector<16xi32> to vector<16xf32>
    %broadcast_in_dim3A_1504 = arith.constant 3.044900e-02 : f32
    %broadcast_in_dim3A_1505 = vector.broadcast %broadcast_in_dim3A_1504 : f32 to vector<16xf32>
    %mul3A_1506 = arith.mulf %broadcast_in_dim3A_1505, %bitcast3A_1503 : vector<16xf32>
    %add3A_1507 = arith.constant -0.283826858 : f32
    %add3A_1508 = vector.broadcast %add3A_1507 : f32 to vector<16xf32>
    %add3A_1509 = arith.addf %mul3A_1506, %add3A_1508 : vector<16xf32>
    %mul3A_1510 = arith.mulf %add3A_1509, %bitcast3A_1503 : vector<16xf32>
    %add3A_1511 = arith.constant 1.116090e+00 : f32
    %add3A_1512 = vector.broadcast %add3A_1511 : f32 to vector<16xf32>
    %add3A_1513 = arith.addf %mul3A_1510, %add3A_1512 : vector<16xf32>
    %mul3A_1514 = arith.mulf %add3A_1513, %bitcast3A_1503 : vector<16xf32>
    %add3A_1515 = arith.constant -2.44002986 : f32
    %add3A_1516 = vector.broadcast %add3A_1515 : f32 to vector<16xf32>
    %add3A_1517 = arith.addf %mul3A_1514, %add3A_1516 : vector<16xf32>
    %mul3A_1518 = arith.mulf %add3A_1517, %bitcast3A_1503 : vector<16xf32>
    %add3A_1519 = arith.constant 3.5140872 : f32
    %add3A_1520 = vector.broadcast %add3A_1519 : f32 to vector<16xf32>
    %add3A_1521 = arith.addf %mul3A_1518, %add3A_1520 : vector<16xf32>
    %mul3A_1522 = arith.mulf %add3A_1521, %bitcast3A_1503 : vector<16xf32>
    %add3A_1523 = arith.constant -1.93675971 : f32
    %add3A_1524 = vector.broadcast %add3A_1523 : f32 to vector<16xf32>
    %add3A_1525 = arith.addf %mul3A_1522, %add3A_1524 : vector<16xf32>
    %convert_element_type3A_1526 = arith.sitofp %sub3A_1496 : vector<16xi32> to vector<16xf32>
    %mul3A_1527 = arith.constant 0.693147182 : f32
    %mul3A_1528 = vector.broadcast %mul3A_1527 : f32 to vector<16xf32>
    %mul3A_1529 = arith.mulf %convert_element_type3A_1526, %mul3A_1528 : vector<16xf32>
    %add3A_1530 = arith.addf %mul3A_1529, %add3A_1525 : vector<16xf32>
    %swap3A_1531 = arith.constant 8 : i32
    %swap3A_1532 = arith.index_cast %swap3A_1531 : i32 to index
    %swap3A_1533 = arith.constant 16 : index
    %swap3A_1534 = tpu.vector_load %arg12[%swap3A_1532, %swap3A_1533] {strides = array<i32>} : memref<17x32xf32, #tpu.memory_space<vmem>>, vector<16xf32>,
    tpu.vector_store %arg12[%swap3A_1532, %swap3A_1533], %add3A_1530 {strides = array<i32>} : memref<17x32xf32, #tpu.memory_space<vmem>>, vector<16xf32>,
    %sub3A_1535 = arith.subf %add3A_1129, %exp3A_969 : vector<16xf32>
    %bitcast3A_1536 = vector.bitcast %sub3A_1535 : vector<16xf32> to vector<16xi32>
    %shift_right_arithmetic3A_1537 = arith.constant 23 : i32
    %shift_right_arithmetic3A_1538 = vector.broadcast %shift_right_arithmetic3A_1537 : i32 to vector<16xi32>
    %shift_right_arithmetic3A_1539 = arith.shrsi %bitcast3A_1536, %shift_right_arithmetic3A_1538 : vector<16xi32>
    %sub3A_1540 = arith.constant 127 : i32
    %sub3A_1541 = vector.broadcast %sub3A_1540 : i32 to vector<16xi32>
    %sub3A_1542 = arith.subi %shift_right_arithmetic3A_1539, %sub3A_1541 : vector<16xi32>
    %and3A_1543 = arith.constant 8388607 : i32
    %and3A_1544 = vector.broadcast %and3A_1543 : i32 to vector<16xi32>
    %and3A_1545 = arith.andi %bitcast3A_1536, %and3A_1544 : vector<16xi32>
    %or3A_1546 = arith.constant 1065353216 : i32
    %or3A_1547 = vector.broadcast %or3A_1546 : i32 to vector<16xi32>
    %or3A_1548 = arith.ori %and3A_1545, %or3A_1547 : vector<16xi32>
    %bitcast3A_1549 = vector.bitcast %or3A_1548 : vector<16xi32> to vector<16xf32>
    %broadcast_in_dim3A_1550 = arith.constant 3.044900e-02 : f32
    %broadcast_in_dim3A_1551 = vector.broadcast %broadcast_in_dim3A_1550 : f32 to vector<16xf32>
    %mul3A_1552 = arith.mulf %broadcast_in_dim3A_1551, %bitcast3A_1549 : vector<16xf32>
    %add3A_1553 = arith.constant -0.283826858 : f32
    %add3A_1554 = vector.broadcast %add3A_1553 : f32 to vector<16xf32>
    %add3A_1555 = arith.addf %mul3A_1552, %add3A_1554 : vector<16xf32>
    %mul3A_1556 = arith.mulf %add3A_1555, %bitcast3A_1549 : vector<16xf32>
    %add3A_1557 = arith.constant 1.116090e+00 : f32
    %add3A_1558 = vector.broadcast %add3A_1557 : f32 to vector<16xf32>
    %add3A_1559 = arith.addf %mul3A_1556, %add3A_1558 : vector<16xf32>
    %mul3A_1560 = arith.mulf %add3A_1559, %bitcast3A_1549 : vector<16xf32>
    %add3A_1561 = arith.constant -2.44002986 : f32
    %add3A_1562 = vector.broadcast %add3A_1561 : f32 to vector<16xf32>
    %add3A_1563 = arith.addf %mul3A_1560, %add3A_1562 : vector<16xf32>
    %mul3A_1564 = arith.mulf %add3A_1563, %bitcast3A_1549 : vector<16xf32>
    %add3A_1565 = arith.constant 3.5140872 : f32
    %add3A_1566 = vector.broadcast %add3A_1565 : f32 to vector<16xf32>
    %add3A_1567 = arith.addf %mul3A_1564, %add3A_1566 : vector<16xf32>
    %mul3A_1568 = arith.mulf %add3A_1567, %bitcast3A_1549 : vector<16xf32>
    %add3A_1569 = arith.constant -1.93675971 : f32
    %add3A_1570 = vector.broadcast %add3A_1569 : f32 to vector<16xf32>
    %add3A_1571 = arith.addf %mul3A_1568, %add3A_1570 : vector<16xf32>
    %convert_element_type3A_1572 = arith.sitofp %sub3A_1542 : vector<16xi32> to vector<16xf32>
    %mul3A_1573 = arith.constant 0.693147182 : f32
    %mul3A_1574 = vector.broadcast %mul3A_1573 : f32 to vector<16xf32>
    %mul3A_1575 = arith.mulf %convert_element_type3A_1572, %mul3A_1574 : vector<16xf32>
    %add3A_1576 = arith.addf %mul3A_1575, %add3A_1571 : vector<16xf32>
    %swap3A_1577 = arith.constant 9 : i32
    %swap3A_1578 = arith.index_cast %swap3A_1577 : i32 to index
    %swap3A_1579 = arith.constant 16 : index
    %swap3A_1580 = tpu.vector_load %arg12[%swap3A_1578, %swap3A_1579] {strides = array<i32>} : memref<17x32xf32, #tpu.memory_space<vmem>>, vector<16xf32>,
    tpu.vector_store %arg12[%swap3A_1578, %swap3A_1579], %add3A_1576 {strides = array<i32>} : memref<17x32xf32, #tpu.memory_space<vmem>>, vector<16xf32>,
    %sub3A_1581 = arith.subf %add3A_1129, %add3A_979 : vector<16xf32>
    %bitcast3A_1582 = vector.bitcast %sub3A_1581 : vector<16xf32> to vector<16xi32>
    %shift_right_arithmetic3A_1583 = arith.constant 23 : i32
    %shift_right_arithmetic3A_1584 = vector.broadcast %shift_right_arithmetic3A_1583 : i32 to vector<16xi32>
    %shift_right_arithmetic3A_1585 = arith.shrsi %bitcast3A_1582, %shift_right_arithmetic3A_1584 : vector<16xi32>
    %sub3A_1586 = arith.constant 127 : i32
    %sub3A_1587 = vector.broadcast %sub3A_1586 : i32 to vector<16xi32>
    %sub3A_1588 = arith.subi %shift_right_arithmetic3A_1585, %sub3A_1587 : vector<16xi32>
    %and3A_1589 = arith.constant 8388607 : i32
    %and3A_1590 = vector.broadcast %and3A_1589 : i32 to vector<16xi32>
    %and3A_1591 = arith.andi %bitcast3A_1582, %and3A_1590 : vector<16xi32>
    %or3A_1592 = arith.constant 1065353216 : i32
    %or3A_1593 = vector.broadcast %or3A_1592 : i32 to vector<16xi32>
    %or3A_1594 = arith.ori %and3A_1591, %or3A_1593 : vector<16xi32>
    %bitcast3A_1595 = vector.bitcast %or3A_1594 : vector<16xi32> to vector<16xf32>
    %broadcast_in_dim3A_1596 = arith.constant 3.044900e-02 : f32
    %broadcast_in_dim3A_1597 = vector.broadcast %broadcast_in_dim3A_1596 : f32 to vector<16xf32>
    %mul3A_1598 = arith.mulf %broadcast_in_dim3A_1597, %bitcast3A_1595 : vector<16xf32>
    %add3A_1599 = arith.constant -0.283826858 : f32
    %add3A_1600 = vector.broadcast %add3A_1599 : f32 to vector<16xf32>
    %add3A_1601 = arith.addf %mul3A_1598, %add3A_1600 : vector<16xf32>
    %mul3A_1602 = arith.mulf %add3A_1601, %bitcast3A_1595 : vector<16xf32>
    %add3A_1603 = arith.constant 1.116090e+00 : f32
    %add3A_1604 = vector.broadcast %add3A_1603 : f32 to vector<16xf32>
    %add3A_1605 = arith.addf %mul3A_1602, %add3A_1604 : vector<16xf32>
    %mul3A_1606 = arith.mulf %add3A_1605, %bitcast3A_1595 : vector<16xf32>
    %add3A_1607 = arith.constant -2.44002986 : f32
    %add3A_1608 = vector.broadcast %add3A_1607 : f32 to vector<16xf32>
    %add3A_1609 = arith.addf %mul3A_1606, %add3A_1608 : vector<16xf32>
    %mul3A_1610 = arith.mulf %add3A_1609, %bitcast3A_1595 : vector<16xf32>
    %add3A_1611 = arith.constant 3.5140872 : f32
    %add3A_1612 = vector.broadcast %add3A_1611 : f32 to vector<16xf32>
    %add3A_1613 = arith.addf %mul3A_1610, %add3A_1612 : vector<16xf32>
    %mul3A_1614 = arith.mulf %add3A_1613, %bitcast3A_1595 : vector<16xf32>
    %add3A_1615 = arith.constant -1.93675971 : f32
    %add3A_1616 = vector.broadcast %add3A_1615 : f32 to vector<16xf32>
    %add3A_1617 = arith.addf %mul3A_1614, %add3A_1616 : vector<16xf32>
    %convert_element_type3A_1618 = arith.sitofp %sub3A_1588 : vector<16xi32> to vector<16xf32>
    %mul3A_1619 = arith.constant 0.693147182 : f32
    %mul3A_1620 = vector.broadcast %mul3A_1619 : f32 to vector<16xf32>
    %mul3A_1621 = arith.mulf %convert_element_type3A_1618, %mul3A_1620 : vector<16xf32>
    %add3A_1622 = arith.addf %mul3A_1621, %add3A_1617 : vector<16xf32>
    %swap3A_1623 = arith.constant 10 : i32
    %swap3A_1624 = arith.index_cast %swap3A_1623 : i32 to index
    %swap3A_1625 = arith.constant 16 : index
    %swap3A_1626 = tpu.vector_load %arg12[%swap3A_1624, %swap3A_1625] {strides = array<i32>} : memref<17x32xf32, #tpu.memory_space<vmem>>, vector<16xf32>,
    tpu.vector_store %arg12[%swap3A_1624, %swap3A_1625], %add3A_1622 {strides = array<i32>} : memref<17x32xf32, #tpu.memory_space<vmem>>, vector<16xf32>,
    %sub3A_1627 = arith.subf %add3A_1129, %add3A_989 : vector<16xf32>
    %bitcast3A_1628 = vector.bitcast %sub3A_1627 : vector<16xf32> to vector<16xi32>
    %shift_right_arithmetic3A_1629 = arith.constant 23 : i32
    %shift_right_arithmetic3A_1630 = vector.broadcast %shift_right_arithmetic3A_1629 : i32 to vector<16xi32>
    %shift_right_arithmetic3A_1631 = arith.shrsi %bitcast3A_1628, %shift_right_arithmetic3A_1630 : vector<16xi32>
    %sub3A_1632 = arith.constant 127 : i32
    %sub3A_1633 = vector.broadcast %sub3A_1632 : i32 to vector<16xi32>
    %sub3A_1634 = arith.subi %shift_right_arithmetic3A_1631, %sub3A_1633 : vector<16xi32>
    %and3A_1635 = arith.constant 8388607 : i32
    %and3A_1636 = vector.broadcast %and3A_1635 : i32 to vector<16xi32>
    %and3A_1637 = arith.andi %bitcast3A_1628, %and3A_1636 : vector<16xi32>
    %or3A_1638 = arith.constant 1065353216 : i32
    %or3A_1639 = vector.broadcast %or3A_1638 : i32 to vector<16xi32>
    %or3A_1640 = arith.ori %and3A_1637, %or3A_1639 : vector<16xi32>
    %bitcast3A_1641 = vector.bitcast %or3A_1640 : vector<16xi32> to vector<16xf32>
    %broadcast_in_dim3A_1642 = arith.constant 3.044900e-02 : f32
    %broadcast_in_dim3A_1643 = vector.broadcast %broadcast_in_dim3A_1642 : f32 to vector<16xf32>
    %mul3A_1644 = arith.mulf %broadcast_in_dim3A_1643, %bitcast3A_1641 : vector<16xf32>
    %add3A_1645 = arith.constant -0.283826858 : f32
    %add3A_1646 = vector.broadcast %add3A_1645 : f32 to vector<16xf32>
    %add3A_1647 = arith.addf %mul3A_1644, %add3A_1646 : vector<16xf32>
    %mul3A_1648 = arith.mulf %add3A_1647, %bitcast3A_1641 : vector<16xf32>
    %add3A_1649 = arith.constant 1.116090e+00 : f32
    %add3A_1650 = vector.broadcast %add3A_1649 : f32 to vector<16xf32>
    %add3A_1651 = arith.addf %mul3A_1648, %add3A_1650 : vector<16xf32>
    %mul3A_1652 = arith.mulf %add3A_1651, %bitcast3A_1641 : vector<16xf32>
    %add3A_1653 = arith.constant -2.44002986 : f32
    %add3A_1654 = vector.broadcast %add3A_1653 : f32 to vector<16xf32>
    %add3A_1655 = arith.addf %mul3A_1652, %add3A_1654 : vector<16xf32>
    %mul3A_1656 = arith.mulf %add3A_1655, %bitcast3A_1641 : vector<16xf32>
    %add3A_1657 = arith.constant 3.5140872 : f32
    %add3A_1658 = vector.broadcast %add3A_1657 : f32 to vector<16xf32>
    %add3A_1659 = arith.addf %mul3A_1656, %add3A_1658 : vector<16xf32>
    %mul3A_1660 = arith.mulf %add3A_1659, %bitcast3A_1641 : vector<16xf32>
    %add3A_1661 = arith.constant -1.93675971 : f32
    %add3A_1662 = vector.broadcast %add3A_1661 : f32 to vector<16xf32>
    %add3A_1663 = arith.addf %mul3A_1660, %add3A_1662 : vector<16xf32>
    %convert_element_type3A_1664 = arith.sitofp %sub3A_1634 : vector<16xi32> to vector<16xf32>
    %mul3A_1665 = arith.constant 0.693147182 : f32
    %mul3A_1666 = vector.broadcast %mul3A_1665 : f32 to vector<16xf32>
    %mul3A_1667 = arith.mulf %convert_element_type3A_1664, %mul3A_1666 : vector<16xf32>
    %add3A_1668 = arith.addf %mul3A_1667, %add3A_1663 : vector<16xf32>
    %swap3A_1669 = arith.constant 11 : i32
    %swap3A_1670 = arith.index_cast %swap3A_1669 : i32 to index
    %swap3A_1671 = arith.constant 16 : index
    %swap3A_1672 = tpu.vector_load %arg12[%swap3A_1670, %swap3A_1671] {strides = array<i32>} : memref<17x32xf32, #tpu.memory_space<vmem>>, vector<16xf32>,
    tpu.vector_store %arg12[%swap3A_1670, %swap3A_1671], %add3A_1668 {strides = array<i32>} : memref<17x32xf32, #tpu.memory_space<vmem>>, vector<16xf32>,
    %sub3A_1673 = arith.subf %add3A_1129, %add3A_999 : vector<16xf32>
    %bitcast3A_1674 = vector.bitcast %sub3A_1673 : vector<16xf32> to vector<16xi32>
    %shift_right_arithmetic3A_1675 = arith.constant 23 : i32
    %shift_right_arithmetic3A_1676 = vector.broadcast %shift_right_arithmetic3A_1675 : i32 to vector<16xi32>
    %shift_right_arithmetic3A_1677 = arith.shrsi %bitcast3A_1674, %shift_right_arithmetic3A_1676 : vector<16xi32>
    %sub3A_1678 = arith.constant 127 : i32
    %sub3A_1679 = vector.broadcast %sub3A_1678 : i32 to vector<16xi32>
    %sub3A_1680 = arith.subi %shift_right_arithmetic3A_1677, %sub3A_1679 : vector<16xi32>
    %and3A_1681 = arith.constant 8388607 : i32
    %and3A_1682 = vector.broadcast %and3A_1681 : i32 to vector<16xi32>
    %and3A_1683 = arith.andi %bitcast3A_1674, %and3A_1682 : vector<16xi32>
    %or3A_1684 = arith.constant 1065353216 : i32
    %or3A_1685 = vector.broadcast %or3A_1684 : i32 to vector<16xi32>
    %or3A_1686 = arith.ori %and3A_1683, %or3A_1685 : vector<16xi32>
    %bitcast3A_1687 = vector.bitcast %or3A_1686 : vector<16xi32> to vector<16xf32>
    %broadcast_in_dim3A_1688 = arith.constant 3.044900e-02 : f32
    %broadcast_in_dim3A_1689 = vector.broadcast %broadcast_in_dim3A_1688 : f32 to vector<16xf32>
    %mul3A_1690 = arith.mulf %broadcast_in_dim3A_1689, %bitcast3A_1687 : vector<16xf32>
    %add3A_1691 = arith.constant -0.283826858 : f32
    %add3A_1692 = vector.broadcast %add3A_1691 : f32 to vector<16xf32>
    %add3A_1693 = arith.addf %mul3A_1690, %add3A_1692 : vector<16xf32>
    %mul3A_1694 = arith.mulf %add3A_1693, %bitcast3A_1687 : vector<16xf32>
    %add3A_1695 = arith.constant 1.116090e+00 : f32
    %add3A_1696 = vector.broadcast %add3A_1695 : f32 to vector<16xf32>
    %add3A_1697 = arith.addf %mul3A_1694, %add3A_1696 : vector<16xf32>
    %mul3A_1698 = arith.mulf %add3A_1697, %bitcast3A_1687 : vector<16xf32>
    %add3A_1699 = arith.constant -2.44002986 : f32
    %add3A_1700 = vector.broadcast %add3A_1699 : f32 to vector<16xf32>
    %add3A_1701 = arith.addf %mul3A_1698, %add3A_1700 : vector<16xf32>
    %mul3A_1702 = arith.mulf %add3A_1701, %bitcast3A_1687 : vector<16xf32>
    %add3A_1703 = arith.constant 3.5140872 : f32
    %add3A_1704 = vector.broadcast %add3A_1703 : f32 to vector<16xf32>
    %add3A_1705 = arith.addf %mul3A_1702, %add3A_1704 : vector<16xf32>
    %mul3A_1706 = arith.mulf %add3A_1705, %bitcast3A_1687 : vector<16xf32>
    %add3A_1707 = arith.constant -1.93675971 : f32
    %add3A_1708 = vector.broadcast %add3A_1707 : f32 to vector<16xf32>
    %add3A_1709 = arith.addf %mul3A_1706, %add3A_1708 : vector<16xf32>
    %convert_element_type3A_1710 = arith.sitofp %sub3A_1680 : vector<16xi32> to vector<16xf32>
    %mul3A_1711 = arith.constant 0.693147182 : f32
    %mul3A_1712 = vector.broadcast %mul3A_1711 : f32 to vector<16xf32>
    %mul3A_1713 = arith.mulf %convert_element_type3A_1710, %mul3A_1712 : vector<16xf32>
    %add3A_1714 = arith.addf %mul3A_1713, %add3A_1709 : vector<16xf32>
    %swap3A_1715 = arith.constant 12 : i32
    %swap3A_1716 = arith.index_cast %swap3A_1715 : i32 to index
    %swap3A_1717 = arith.constant 16 : index
    %swap3A_1718 = tpu.vector_load %arg12[%swap3A_1716, %swap3A_1717] {strides = array<i32>} : memref<17x32xf32, #tpu.memory_space<vmem>>, vector<16xf32>,
    tpu.vector_store %arg12[%swap3A_1716, %swap3A_1717], %add3A_1714 {strides = array<i32>} : memref<17x32xf32, #tpu.memory_space<vmem>>, vector<16xf32>,
    %sub3A_1719 = arith.subf %add3A_1129, %add3A_1009 : vector<16xf32>
    %bitcast3A_1720 = vector.bitcast %sub3A_1719 : vector<16xf32> to vector<16xi32>
    %shift_right_arithmetic3A_1721 = arith.constant 23 : i32
    %shift_right_arithmetic3A_1722 = vector.broadcast %shift_right_arithmetic3A_1721 : i32 to vector<16xi32>
    %shift_right_arithmetic3A_1723 = arith.shrsi %bitcast3A_1720, %shift_right_arithmetic3A_1722 : vector<16xi32>
    %sub3A_1724 = arith.constant 127 : i32
    %sub3A_1725 = vector.broadcast %sub3A_1724 : i32 to vector<16xi32>
    %sub3A_1726 = arith.subi %shift_right_arithmetic3A_1723, %sub3A_1725 : vector<16xi32>
    %and3A_1727 = arith.constant 8388607 : i32
    %and3A_1728 = vector.broadcast %and3A_1727 : i32 to vector<16xi32>
    %and3A_1729 = arith.andi %bitcast3A_1720, %and3A_1728 : vector<16xi32>
    %or3A_1730 = arith.constant 1065353216 : i32
    %or3A_1731 = vector.broadcast %or3A_1730 : i32 to vector<16xi32>
    %or3A_1732 = arith.ori %and3A_1729, %or3A_1731 : vector<16xi32>
    %bitcast3A_1733 = vector.bitcast %or3A_1732 : vector<16xi32> to vector<16xf32>
    %broadcast_in_dim3A_1734 = arith.constant 3.044900e-02 : f32
    %broadcast_in_dim3A_1735 = vector.broadcast %broadcast_in_dim3A_1734 : f32 to vector<16xf32>
    %mul3A_1736 = arith.mulf %broadcast_in_dim3A_1735, %bitcast3A_1733 : vector<16xf32>
    %add3A_1737 = arith.constant -0.283826858 : f32
    %add3A_1738 = vector.broadcast %add3A_1737 : f32 to vector<16xf32>
    %add3A_1739 = arith.addf %mul3A_1736, %add3A_1738 : vector<16xf32>
    %mul3A_1740 = arith.mulf %add3A_1739, %bitcast3A_1733 : vector<16xf32>
    %add3A_1741 = arith.constant 1.116090e+00 : f32
    %add3A_1742 = vector.broadcast %add3A_1741 : f32 to vector<16xf32>
    %add3A_1743 = arith.addf %mul3A_1740, %add3A_1742 : vector<16xf32>
    %mul3A_1744 = arith.mulf %add3A_1743, %bitcast3A_1733 : vector<16xf32>
    %add3A_1745 = arith.constant -2.44002986 : f32
    %add3A_1746 = vector.broadcast %add3A_1745 : f32 to vector<16xf32>
    %add3A_1747 = arith.addf %mul3A_1744, %add3A_1746 : vector<16xf32>
    %mul3A_1748 = arith.mulf %add3A_1747, %bitcast3A_1733 : vector<16xf32>
    %add3A_1749 = arith.constant 3.5140872 : f32
    %add3A_1750 = vector.broadcast %add3A_1749 : f32 to vector<16xf32>
    %add3A_1751 = arith.addf %mul3A_1748, %add3A_1750 : vector<16xf32>
    %mul3A_1752 = arith.mulf %add3A_1751, %bitcast3A_1733 : vector<16xf32>
    %add3A_1753 = arith.constant -1.93675971 : f32
    %add3A_1754 = vector.broadcast %add3A_1753 : f32 to vector<16xf32>
    %add3A_1755 = arith.addf %mul3A_1752, %add3A_1754 : vector<16xf32>
    %convert_element_type3A_1756 = arith.sitofp %sub3A_1726 : vector<16xi32> to vector<16xf32>
    %mul3A_1757 = arith.constant 0.693147182 : f32
    %mul3A_1758 = vector.broadcast %mul3A_1757 : f32 to vector<16xf32>
    %mul3A_1759 = arith.mulf %convert_element_type3A_1756, %mul3A_1758 : vector<16xf32>
    %add3A_1760 = arith.addf %mul3A_1759, %add3A_1755 : vector<16xf32>
    %swap3A_1761 = arith.constant 13 : i32
    %swap3A_1762 = arith.index_cast %swap3A_1761 : i32 to index
    %swap3A_1763 = arith.constant 16 : index
    %swap3A_1764 = tpu.vector_load %arg12[%swap3A_1762, %swap3A_1763] {strides = array<i32>} : memref<17x32xf32, #tpu.memory_space<vmem>>, vector<16xf32>,
    tpu.vector_store %arg12[%swap3A_1762, %swap3A_1763], %add3A_1760 {strides = array<i32>} : memref<17x32xf32, #tpu.memory_space<vmem>>, vector<16xf32>,
    %sub3A_1765 = arith.subf %add3A_1129, %add3A_1019 : vector<16xf32>
    %bitcast3A_1766 = vector.bitcast %sub3A_1765 : vector<16xf32> to vector<16xi32>
    %shift_right_arithmetic3A_1767 = arith.constant 23 : i32
    %shift_right_arithmetic3A_1768 = vector.broadcast %shift_right_arithmetic3A_1767 : i32 to vector<16xi32>
    %shift_right_arithmetic3A_1769 = arith.shrsi %bitcast3A_1766, %shift_right_arithmetic3A_1768 : vector<16xi32>
    %sub3A_1770 = arith.constant 127 : i32
    %sub3A_1771 = vector.broadcast %sub3A_1770 : i32 to vector<16xi32>
    %sub3A_1772 = arith.subi %shift_right_arithmetic3A_1769, %sub3A_1771 : vector<16xi32>
    %and3A_1773 = arith.constant 8388607 : i32
    %and3A_1774 = vector.broadcast %and3A_1773 : i32 to vector<16xi32>
    %and3A_1775 = arith.andi %bitcast3A_1766, %and3A_1774 : vector<16xi32>
    %or3A_1776 = arith.constant 1065353216 : i32
    %or3A_1777 = vector.broadcast %or3A_1776 : i32 to vector<16xi32>
    %or3A_1778 = arith.ori %and3A_1775, %or3A_1777 : vector<16xi32>
    %bitcast3A_1779 = vector.bitcast %or3A_1778 : vector<16xi32> to vector<16xf32>
    %broadcast_in_dim3A_1780 = arith.constant 3.044900e-02 : f32
    %broadcast_in_dim3A_1781 = vector.broadcast %broadcast_in_dim3A_1780 : f32 to vector<16xf32>
    %mul3A_1782 = arith.mulf %broadcast_in_dim3A_1781, %bitcast3A_1779 : vector<16xf32>
    %add3A_1783 = arith.constant -0.283826858 : f32
    %add3A_1784 = vector.broadcast %add3A_1783 : f32 to vector<16xf32>
    %add3A_1785 = arith.addf %mul3A_1782, %add3A_1784 : vector<16xf32>
    %mul3A_1786 = arith.mulf %add3A_1785, %bitcast3A_1779 : vector<16xf32>
    %add3A_1787 = arith.constant 1.116090e+00 : f32
    %add3A_1788 = vector.broadcast %add3A_1787 : f32 to vector<16xf32>
    %add3A_1789 = arith.addf %mul3A_1786, %add3A_1788 : vector<16xf32>
    %mul3A_1790 = arith.mulf %add3A_1789, %bitcast3A_1779 : vector<16xf32>
    %add3A_1791 = arith.constant -2.44002986 : f32
    %add3A_1792 = vector.broadcast %add3A_1791 : f32 to vector<16xf32>
    %add3A_1793 = arith.addf %mul3A_1790, %add3A_1792 : vector<16xf32>
    %mul3A_1794 = arith.mulf %add3A_1793, %bitcast3A_1779 : vector<16xf32>
    %add3A_1795 = arith.constant 3.5140872 : f32
    %add3A_1796 = vector.broadcast %add3A_1795 : f32 to vector<16xf32>
    %add3A_1797 = arith.addf %mul3A_1794, %add3A_1796 : vector<16xf32>
    %mul3A_1798 = arith.mulf %add3A_1797, %bitcast3A_1779 : vector<16xf32>
    %add3A_1799 = arith.constant -1.93675971 : f32
    %add3A_1800 = vector.broadcast %add3A_1799 : f32 to vector<16xf32>
    %add3A_1801 = arith.addf %mul3A_1798, %add3A_1800 : vector<16xf32>
    %convert_element_type3A_1802 = arith.sitofp %sub3A_1772 : vector<16xi32> to vector<16xf32>
    %mul3A_1803 = arith.constant 0.693147182 : f32
    %mul3A_1804 = vector.broadcast %mul3A_1803 : f32 to vector<16xf32>
    %mul3A_1805 = arith.mulf %convert_element_type3A_1802, %mul3A_1804 : vector<16xf32>
    %add3A_1806 = arith.addf %mul3A_1805, %add3A_1801 : vector<16xf32>
    %swap3A_1807 = arith.constant 14 : i32
    %swap3A_1808 = arith.index_cast %swap3A_1807 : i32 to index
    %swap3A_1809 = arith.constant 16 : index
    %swap3A_1810 = tpu.vector_load %arg12[%swap3A_1808, %swap3A_1809] {strides = array<i32>} : memref<17x32xf32, #tpu.memory_space<vmem>>, vector<16xf32>,
    tpu.vector_store %arg12[%swap3A_1808, %swap3A_1809], %add3A_1806 {strides = array<i32>} : memref<17x32xf32, #tpu.memory_space<vmem>>, vector<16xf32>,
    %sub3A_1811 = arith.subf %add3A_1129, %add3A_1029 : vector<16xf32>
    %bitcast3A_1812 = vector.bitcast %sub3A_1811 : vector<16xf32> to vector<16xi32>
    %shift_right_arithmetic3A_1813 = arith.constant 23 : i32
    %shift_right_arithmetic3A_1814 = vector.broadcast %shift_right_arithmetic3A_1813 : i32 to vector<16xi32>
    %shift_right_arithmetic3A_1815 = arith.shrsi %bitcast3A_1812, %shift_right_arithmetic3A_1814 : vector<16xi32>
    %sub3A_1816 = arith.constant 127 : i32
    %sub3A_1817 = vector.broadcast %sub3A_1816 : i32 to vector<16xi32>
    %sub3A_1818 = arith.subi %shift_right_arithmetic3A_1815, %sub3A_1817 : vector<16xi32>
    %and3A_1819 = arith.constant 8388607 : i32
    %and3A_1820 = vector.broadcast %and3A_1819 : i32 to vector<16xi32>
    %and3A_1821 = arith.andi %bitcast3A_1812, %and3A_1820 : vector<16xi32>
    %or3A_1822 = arith.constant 1065353216 : i32
    %or3A_1823 = vector.broadcast %or3A_1822 : i32 to vector<16xi32>
    %or3A_1824 = arith.ori %and3A_1821, %or3A_1823 : vector<16xi32>
    %bitcast3A_1825 = vector.bitcast %or3A_1824 : vector<16xi32> to vector<16xf32>
    %broadcast_in_dim3A_1826 = arith.constant 3.044900e-02 : f32
    %broadcast_in_dim3A_1827 = vector.broadcast %broadcast_in_dim3A_1826 : f32 to vector<16xf32>
    %mul3A_1828 = arith.mulf %broadcast_in_dim3A_1827, %bitcast3A_1825 : vector<16xf32>
    %add3A_1829 = arith.constant -0.283826858 : f32
    %add3A_1830 = vector.broadcast %add3A_1829 : f32 to vector<16xf32>
    %add3A_1831 = arith.addf %mul3A_1828, %add3A_1830 : vector<16xf32>
    %mul3A_1832 = arith.mulf %add3A_1831, %bitcast3A_1825 : vector<16xf32>
    %add3A_1833 = arith.constant 1.116090e+00 : f32
    %add3A_1834 = vector.broadcast %add3A_1833 : f32 to vector<16xf32>
    %add3A_1835 = arith.addf %mul3A_1832, %add3A_1834 : vector<16xf32>
    %mul3A_1836 = arith.mulf %add3A_1835, %bitcast3A_1825 : vector<16xf32>
    %add3A_1837 = arith.constant -2.44002986 : f32
    %add3A_1838 = vector.broadcast %add3A_1837 : f32 to vector<16xf32>
    %add3A_1839 = arith.addf %mul3A_1836, %add3A_1838 : vector<16xf32>
    %mul3A_1840 = arith.mulf %add3A_1839, %bitcast3A_1825 : vector<16xf32>
    %add3A_1841 = arith.constant 3.5140872 : f32
    %add3A_1842 = vector.broadcast %add3A_1841 : f32 to vector<16xf32>
    %add3A_1843 = arith.addf %mul3A_1840, %add3A_1842 : vector<16xf32>
    %mul3A_1844 = arith.mulf %add3A_1843, %bitcast3A_1825 : vector<16xf32>
    %add3A_1845 = arith.constant -1.93675971 : f32
    %add3A_1846 = vector.broadcast %add3A_1845 : f32 to vector<16xf32>
    %add3A_1847 = arith.addf %mul3A_1844, %add3A_1846 : vector<16xf32>
    %convert_element_type3A_1848 = arith.sitofp %sub3A_1818 : vector<16xi32> to vector<16xf32>
    %mul3A_1849 = arith.constant 0.693147182 : f32
    %mul3A_1850 = vector.broadcast %mul3A_1849 : f32 to vector<16xf32>
    %mul3A_1851 = arith.mulf %convert_element_type3A_1848, %mul3A_1850 : vector<16xf32>
    %add3A_1852 = arith.addf %mul3A_1851, %add3A_1847 : vector<16xf32>
    %swap3A_1853 = arith.constant 15 : i32
    %swap3A_1854 = arith.index_cast %swap3A_1853 : i32 to index
    %swap3A_1855 = arith.constant 16 : index
    %swap3A_1856 = tpu.vector_load %arg12[%swap3A_1854, %swap3A_1855] {strides = array<i32>} : memref<17x32xf32, #tpu.memory_space<vmem>>, vector<16xf32>,
    tpu.vector_store %arg12[%swap3A_1854, %swap3A_1855], %add3A_1852 {strides = array<i32>} : memref<17x32xf32, #tpu.memory_space<vmem>>, vector<16xf32>,
    %sub3A_1857 = arith.subf %add3A_1129, %add3A_1039 : vector<16xf32>
    %bitcast3A_1858 = vector.bitcast %sub3A_1857 : vector<16xf32> to vector<16xi32>
    %shift_right_arithmetic3A_1859 = arith.constant 23 : i32
    %shift_right_arithmetic3A_1860 = vector.broadcast %shift_right_arithmetic3A_1859 : i32 to vector<16xi32>
    %shift_right_arithmetic3A_1861 = arith.shrsi %bitcast3A_1858, %shift_right_arithmetic3A_1860 : vector<16xi32>
    %sub3A_1862 = arith.constant 127 : i32
    %sub3A_1863 = vector.broadcast %sub3A_1862 : i32 to vector<16xi32>
    %sub3A_1864 = arith.subi %shift_right_arithmetic3A_1861, %sub3A_1863 : vector<16xi32>
    %and3A_1865 = arith.constant 8388607 : i32
    %and3A_1866 = vector.broadcast %and3A_1865 : i32 to vector<16xi32>
    %and3A_1867 = arith.andi %bitcast3A_1858, %and3A_1866 : vector<16xi32>
    %or3A_1868 = arith.constant 1065353216 : i32
    %or3A_1869 = vector.broadcast %or3A_1868 : i32 to vector<16xi32>
    %or3A_1870 = arith.ori %and3A_1867, %or3A_1869 : vector<16xi32>
    %bitcast3A_1871 = vector.bitcast %or3A_1870 : vector<16xi32> to vector<16xf32>
    %broadcast_in_dim3A_1872 = arith.constant 3.044900e-02 : f32
    %broadcast_in_dim3A_1873 = vector.broadcast %broadcast_in_dim3A_1872 : f32 to vector<16xf32>
    %mul3A_1874 = arith.mulf %broadcast_in_dim3A_1873, %bitcast3A_1871 : vector<16xf32>
    %add3A_1875 = arith.constant -0.283826858 : f32
    %add3A_1876 = vector.broadcast %add3A_1875 : f32 to vector<16xf32>
    %add3A_1877 = arith.addf %mul3A_1874, %add3A_1876 : vector<16xf32>
    %mul3A_1878 = arith.mulf %add3A_1877, %bitcast3A_1871 : vector<16xf32>
    %add3A_1879 = arith.constant 1.116090e+00 : f32
    %add3A_1880 = vector.broadcast %add3A_1879 : f32 to vector<16xf32>
    %add3A_1881 = arith.addf %mul3A_1878, %add3A_1880 : vector<16xf32>
    %mul3A_1882 = arith.mulf %add3A_1881, %bitcast3A_1871 : vector<16xf32>
    %add3A_1883 = arith.constant -2.44002986 : f32
    %add3A_1884 = vector.broadcast %add3A_1883 : f32 to vector<16xf32>
    %add3A_1885 = arith.addf %mul3A_1882, %add3A_1884 : vector<16xf32>
    %mul3A_1886 = arith.mulf %add3A_1885, %bitcast3A_1871 : vector<16xf32>
    %add3A_1887 = arith.constant 3.5140872 : f32
    %add3A_1888 = vector.broadcast %add3A_1887 : f32 to vector<16xf32>
    %add3A_1889 = arith.addf %mul3A_1886, %add3A_1888 : vector<16xf32>
    %mul3A_1890 = arith.mulf %add3A_1889, %bitcast3A_1871 : vector<16xf32>
    %add3A_1891 = arith.constant -1.93675971 : f32
    %add3A_1892 = vector.broadcast %add3A_1891 : f32 to vector<16xf32>
    %add3A_1893 = arith.addf %mul3A_1890, %add3A_1892 : vector<16xf32>
    %convert_element_type3A_1894 = arith.sitofp %sub3A_1864 : vector<16xi32> to vector<16xf32>
    %mul3A_1895 = arith.constant 0.693147182 : f32
    %mul3A_1896 = vector.broadcast %mul3A_1895 : f32 to vector<16xf32>
    %mul3A_1897 = arith.mulf %convert_element_type3A_1894, %mul3A_1896 : vector<16xf32>
    %add3A_1898 = arith.addf %mul3A_1897, %add3A_1893 : vector<16xf32>
    %swap3A_1899 = arith.constant 16 : i32
    %swap3A_1900 = arith.index_cast %swap3A_1899 : i32 to index
    %swap3A_1901 = arith.constant 16 : index
    %swap3A_1902 = tpu.vector_load %arg12[%swap3A_1900, %swap3A_1901] {strides = array<i32>} : memref<17x32xf32, #tpu.memory_space<vmem>>, vector<16xf32>,
    tpu.vector_store %arg12[%swap3A_1900, %swap3A_1901], %add3A_1898 {strides = array<i32>} : memref<17x32xf32, #tpu.memory_space<vmem>>, vector<16xf32>,
    %dma_wait3A_1903 = arith.constant 0 : i32
    %dma_wait3A_1904 = tpu.memref_slice %arg2[%mul3A_2, %dma_wait3A_1903] : memref<1024x32xi32, #tpu.memory_space<hbm>> -> memref<32x32xi32, #tpu.memory_space<hbm>>
    %dma_wait3A_1905 = arith.constant 0 : i32
    %dma_wait3A_1906 = tpu.memref_slice %arg2[%mul3A_2, %dma_wait3A_1905] : memref<1024x32xi32, #tpu.memory_space<hbm>> -> memref<32x32xi32, #tpu.memory_space<hbm>>
    tpu.wait_dma2 semaphore(%arg14 : memref<!tpu.dma_semaphore, #tpu.memory_space<semaphore_mem>>) src(%dma_wait3A_1906 : memref<32x32xi32, #tpu.memory_space<hbm>>) dst(%arg7 : memref<32x32xi32, #tpu.memory_space<vmem>>)
    %dma_wait3A_1907 = arith.constant 0 : i32
    %dma_wait3A_1908 = tpu.memref_slice %arg3[%mul3A_2, %dma_wait3A_1907] : memref<1024x32xi32, #tpu.memory_space<hbm>> -> memref<32x32xi32, #tpu.memory_space<hbm>>
    %dma_wait3A_1909 = arith.constant 0 : i32
    %dma_wait3A_1910 = tpu.memref_slice %arg3[%mul3A_2, %dma_wait3A_1909] : memref<1024x32xi32, #tpu.memory_space<hbm>> -> memref<32x32xi32, #tpu.memory_space<hbm>>
    tpu.wait_dma2 semaphore(%arg15 : memref<!tpu.dma_semaphore, #tpu.memory_space<semaphore_mem>>) src(%dma_wait3A_1910 : memref<32x32xi32, #tpu.memory_space<hbm>>) dst(%arg8 : memref<32x32xi32, #tpu.memory_space<vmem>>)
    %add3A_1911 = arith.constant 0 : i32
    %add3A_1912 = vector.broadcast %add3A_1911 : i32 to vector<16xi32>
    %add3A_1913 = arith.addi %iota3A, %add3A_1912 : vector<16xi32>
    %add3A_1914 = arith.constant 16 : i32
    %add3A_1915 = vector.broadcast %add3A_1914 : i32 to vector<16xi32>
    %add3A_1916 = arith.addi %iota3A, %add3A_1915 : vector<16xi32>
    %broadcast_in_dim3A_1917 = arith.constant 0.000000e+00 : f32
    %broadcast_in_dim3A_1918 = vector.broadcast %broadcast_in_dim3A_1917 : f32 to vector<16xf32>
    %broadcast_in_dim3A_1919 = arith.constant 0.000000e+00 : f32
    %broadcast_in_dim3A_1920 = vector.broadcast %broadcast_in_dim3A_1919 : f32 to vector<16xf32>
    %scan3A = arith.constant 0 : i32
    %scan3A_1921 = arith.constant 32 : i32
    %scan3A_1922 = arith.addi %scan3A, %scan3A_1921 : i32
    %scan3A_1923 = arith.constant 1 : i32
    %scan3A_1924:2 = scf.for %scan3A_1930 = %scan3A to %scan3A_1922 step %scan3A_1923 iter_args(%scan3A_1931 = %broadcast_in_dim3A_1918, %scan3A_1932 = %broadcast_in_dim3A_1920) -> (vector<16xf32>, vector<16xf32>)  : i32 {
      %broadcast_in_dim3A_1933 = vector.broadcast %scan3A_1930 : i32 to vector<16xi32>
      %gather3A_1934 = tpu.vector_load_idx %arg7[%add3A_1913, %broadcast_in_dim3A_1933] : memref<32x32xi32, #tpu.memory_space<vmem>>[vector<16xi32>, vector<16xi32>], vector<16xi32>,
      %gather3A_1935 = tpu.vector_load_idx %arg8[%add3A_1913, %broadcast_in_dim3A_1933] : memref<32x32xi32, #tpu.memory_space<vmem>>[vector<16xi32>, vector<16xi32>], vector<16xi32>,
      %sub3A_1936 = arith.subi %gather3A_1935, %gather3A_1934 : vector<16xi32>
      %add3A_1937 = arith.constant 8 : i32
      %add3A_1938 = vector.broadcast %add3A_1937 : i32 to vector<16xi32>
      %add3A_1939 = arith.addi %sub3A_1936, %add3A_1938 : vector<16xi32>
      %jit3A = arith.constant 0 : i32
      %jit3A_1940 = arith.constant 16 : i32
      %max3A = vector.broadcast %jit3A : i32 to vector<16xi32>
      %max3A_1941 = arith.maxsi %max3A, %add3A_1939 : vector<16xi32>
      %min3A = vector.broadcast %jit3A_1940 : i32 to vector<16xi32>
      %min3A_1942 = arith.minsi %min3A, %max3A_1941 : vector<16xi32>
      %sub3A_1943 = arith.constant 8 : i32
      %sub3A_1944 = vector.broadcast %sub3A_1943 : i32 to vector<16xi32>
      %sub3A_1945 = arith.subi %sub3A_1944, %gather3A_1934 : vector<16xi32>
      %max3A_1946 = arith.constant 0 : i32
      %max3A_1947 = vector.broadcast %max3A_1946 : i32 to vector<16xi32>
      %max3A_1948 = arith.maxsi %max3A_1947, %sub3A_1945 : vector<16xi32>
      %add3A_1949 = arith.constant 8 : i32
      %add3A_1950 = vector.broadcast %add3A_1949 : i32 to vector<16xi32>
      %add3A_1951 = arith.addi %add3A_1950, %max3A_1948 : vector<16xi32>
      %sub3A_1952 = arith.constant 247 : i32
      %sub3A_1953 = vector.broadcast %sub3A_1952 : i32 to vector<16xi32>
      %sub3A_1954 = arith.subi %gather3A_1934, %sub3A_1953 : vector<16xi32>
      %max3A_1955 = arith.constant 0 : i32
      %max3A_1956 = vector.broadcast %max3A_1955 : i32 to vector<16xi32>
      %max3A_1957 = arith.maxsi %max3A_1956, %sub3A_1954 : vector<16xi32>
      %sub3A_1958 = arith.subi %add3A_1951, %max3A_1957 : vector<16xi32>
      %jit3A_1959 = arith.constant 0 : i32
      %jit3A_1960 = arith.constant 16 : i32
      %max3A_1961 = vector.broadcast %jit3A_1959 : i32 to vector<16xi32>
      %max3A_1962 = arith.maxsi %max3A_1961, %sub3A_1958 : vector<16xi32>
      %min3A_1963 = vector.broadcast %jit3A_1960 : i32 to vector<16xi32>
      %min3A_1964 = arith.minsi %min3A_1963, %max3A_1962 : vector<16xi32>
      %gather3A_1965 = tpu.vector_load_idx %arg11[%min3A_1942, %broadcast_in_dim3A_1933] : memref<17x32xf32, #tpu.memory_space<vmem>>[vector<16xi32>, vector<16xi32>], vector<16xf32>,
      %gather3A_1966 = tpu.vector_load_idx %arg12[%min3A_1964, %broadcast_in_dim3A_1933] : memref<17x32xf32, #tpu.memory_space<vmem>>[vector<16xi32>, vector<16xi32>], vector<16xf32>,
      %sub3A_1967 = arith.subf %gather3A_1965, %gather3A_1966 : vector<16xf32>
      %add3A_1968 = arith.addf %scan3A_1931, %sub3A_1967 : vector<16xf32>
      %gather3A_1969 = tpu.vector_load_idx %arg7[%add3A_1916, %broadcast_in_dim3A_1933] : memref<32x32xi32, #tpu.memory_space<vmem>>[vector<16xi32>, vector<16xi32>], vector<16xi32>,
      %gather3A_1970 = tpu.vector_load_idx %arg8[%add3A_1916, %broadcast_in_dim3A_1933] : memref<32x32xi32, #tpu.memory_space<vmem>>[vector<16xi32>, vector<16xi32>], vector<16xi32>,
      %sub3A_1971 = arith.subi %gather3A_1970, %gather3A_1969 : vector<16xi32>
      %add3A_1972 = arith.constant 8 : i32
      %add3A_1973 = vector.broadcast %add3A_1972 : i32 to vector<16xi32>
      %add3A_1974 = arith.addi %sub3A_1971, %add3A_1973 : vector<16xi32>
      %jit3A_1975 = arith.constant 0 : i32
      %jit3A_1976 = arith.constant 16 : i32
      %max3A_1977 = vector.broadcast %jit3A_1975 : i32 to vector<16xi32>
      %max3A_1978 = arith.maxsi %max3A_1977, %add3A_1974 : vector<16xi32>
      %min3A_1979 = vector.broadcast %jit3A_1976 : i32 to vector<16xi32>
      %min3A_1980 = arith.minsi %min3A_1979, %max3A_1978 : vector<16xi32>
      %sub3A_1981 = arith.constant 8 : i32
      %sub3A_1982 = vector.broadcast %sub3A_1981 : i32 to vector<16xi32>
      %sub3A_1983 = arith.subi %sub3A_1982, %gather3A_1969 : vector<16xi32>
      %max3A_1984 = arith.constant 0 : i32
      %max3A_1985 = vector.broadcast %max3A_1984 : i32 to vector<16xi32>
      %max3A_1986 = arith.maxsi %max3A_1985, %sub3A_1983 : vector<16xi32>
      %add3A_1987 = arith.constant 8 : i32
      %add3A_1988 = vector.broadcast %add3A_1987 : i32 to vector<16xi32>
      %add3A_1989 = arith.addi %add3A_1988, %max3A_1986 : vector<16xi32>
      %sub3A_1990 = arith.constant 247 : i32
      %sub3A_1991 = vector.broadcast %sub3A_1990 : i32 to vector<16xi32>
      %sub3A_1992 = arith.subi %gather3A_1969, %sub3A_1991 : vector<16xi32>
      %max3A_1993 = arith.constant 0 : i32
      %max3A_1994 = vector.broadcast %max3A_1993 : i32 to vector<16xi32>
      %max3A_1995 = arith.maxsi %max3A_1994, %sub3A_1992 : vector<16xi32>
      %sub3A_1996 = arith.subi %add3A_1989, %max3A_1995 : vector<16xi32>
      %jit3A_1997 = arith.constant 0 : i32
      %jit3A_1998 = arith.constant 16 : i32
      %max3A_1999 = vector.broadcast %jit3A_1997 : i32 to vector<16xi32>
      %max3A_2000 = arith.maxsi %max3A_1999, %sub3A_1996 : vector<16xi32>
      %min3A_2001 = vector.broadcast %jit3A_1998 : i32 to vector<16xi32>
      %min3A_2002 = arith.minsi %min3A_2001, %max3A_2000 : vector<16xi32>
      %gather3A_2003 = tpu.vector_load_idx %arg11[%min3A_1980, %broadcast_in_dim3A_1933] : memref<17x32xf32, #tpu.memory_space<vmem>>[vector<16xi32>, vector<16xi32>], vector<16xf32>,
      %gather3A_2004 = tpu.vector_load_idx %arg12[%min3A_2002, %broadcast_in_dim3A_1933] : memref<17x32xf32, #tpu.memory_space<vmem>>[vector<16xi32>, vector<16xi32>], vector<16xf32>,
      %sub3A_2005 = arith.subf %gather3A_2003, %gather3A_2004 : vector<16xf32>
      %add3A_2006 = arith.addf %scan3A_1932, %sub3A_2005 : vector<16xf32>
      scf.yield %add3A_1968, %add3A_2006 : vector<16xf32>, vector<16xf32>
    }
    %scan3A_1925 = arith.constant 32 : i32
    %swap3A_1926 = arith.constant 0 : index
    %swap3A_1927 = tpu.vector_load %arg13[%swap3A_1926] {strides = array<i32>} : memref<32xf32, #tpu.memory_space<vmem>>, vector<16xf32>,
    tpu.vector_store %arg13[%swap3A_1926], %scan3A_1924#0 {strides = array<i32>} : memref<32xf32, #tpu.memory_space<vmem>>, vector<16xf32>,
    %swap3A_1928 = arith.constant 16 : index
    %swap3A_1929 = tpu.vector_load %arg13[%swap3A_1928] {strides = array<i32>} : memref<32xf32, #tpu.memory_space<vmem>>, vector<16xf32>,
    tpu.vector_store %arg13[%swap3A_1928], %scan3A_1924#1 {strides = array<i32>} : memref<32xf32, #tpu.memory_space<vmem>>, vector<16xf32>,
    "tpu.region"() ({
      %run_scoped3A = tpu.sem_alloc : memref<!tpu.dma_semaphore, #tpu.memory_space<semaphore_mem>>
      %dma_start3A_1930 = tpu.memref_slice %arg6[%mul3A_2] : memref<1024xf32, #tpu.memory_space<hbm>> -> memref<32xf32, #tpu.memory_space<hbm>>
      %dma_start3A_1931 = tpu.memref_slice %arg6[%mul3A_2] : memref<1024xf32, #tpu.memory_space<hbm>> -> memref<32xf32, #tpu.memory_space<hbm>>
      tpu.enqueue_dma source(%arg13 : memref<32xf32, #tpu.memory_space<vmem>>) target(%dma_start3A_1931 : memref<32xf32, #tpu.memory_space<hbm>>) target_semaphore(%run_scoped3A : memref<!tpu.dma_semaphore, #tpu.memory_space<semaphore_mem>>)
      %dma_wait3A_1932 = tpu.memref_slice %arg6[%mul3A_2] : memref<1024xf32, #tpu.memory_space<hbm>> -> memref<32xf32, #tpu.memory_space<hbm>>
      %dma_wait3A_1933 = tpu.memref_slice %arg6[%mul3A_2] : memref<1024xf32, #tpu.memory_space<hbm>> -> memref<32xf32, #tpu.memory_space<hbm>>
      tpu.wait_dma2 semaphore(%run_scoped3A : memref<!tpu.dma_semaphore, #tpu.memory_space<semaphore_mem>>) src(%arg13 : memref<32xf32, #tpu.memory_space<vmem>>) dst(%dma_wait3A_1933 : memref<32xf32, #tpu.memory_space<hbm>>)
      tpu.yield
    }) : () -> ()
    return
  }
}

</mosaic_0001>

<sc_bundles>
// kernel: kernel.3.cloned.1.call-start
scs
__scs_entry_jumppad:
0x0: {  	(pc) =	sbr.rel $0x88, $3  }
0x1: {  	(tag) =	ssettag $0x0;
	lr =	simm.s32 $0x1  }
0x2: {  	[smem:$0x3F9D] =	sst lr;
	_ =	strace $0xD0000000  }
0x3: {  	_ = 	snop  }
0x4: {  	_ = 	snop  }
0x5: {  	_ = 	snop  }
0x6: {  	_ = 	snop  }
0x7: {  	_ = 	snop  }
__scs_overlays_trampoline_lowered:
0x8: {  	[smem:$0x3FAC] =	sst s0  }
0x9: {  	[smem:$0x3FAD] =	sst s1  }
0xa: {  	[smem:$0x3FAE] =	sst s2  }
0xb: {  	[smem:$0x3FAF] =	sst s3  }
0xc: {  	[smem:$0x3FB0] =	sst s4  }
0xd: {  	[smem:$0x3FB1] =	sst s5  }
0xe: {  	[smem:$0x3FB2] =	sst s6  }
0xf: {  	[smem:$0x3FB3] =	sst s7  }
0x10: {  	[smem:$0x3FB4] =	sst s8  }
0x11: {  	[smem:$0x3FB5] =	sst s9;
	s0 =	simm.s32 @!p0 $0x0  }
0x12: {  	s1 =	sld [smem:$0x3F9B];
	s0 =	simm.s32 @p0 $0x1  }
0x13: {  	[smem:$0x3FB6] =	sst s0;
	s0 =	simm.s32 @!p1 $0x0  }
0x14: {  	s2 =	sld [smem:$0x3F9A];
	s0 =	simm.s32 @p1 $0x1  }
0x15: {  	[smem:$0x3FB7] =	sst s0;
	s0 =	simm.s32 @!p2 $0x0  }
0x16: {  	s3 =	sld [smem:$0x3FDB];
	s0 =	simm.s32 @p2 $0x1  }
0x17: {  	s4 =	simm.s32 $0x1BF5;
	[smem:$0x3FB9] =	sst s0  }
0x18: {  	s0 =	sld [smem:$0x3F9C];
	_ =	swait.ge [sflag:s4], $0x0  }
0x19: {  	s7 =	sld [smem:$0x3F9D]  }
0x1a: {  	s8 =	sadd.s32 $0xFFFFE003, lr  }
0x1b: {  	s9 =	sadd.s32 $0xFFFFFEF7, lr;
	s5 =	simm.s32 $0xFFFFFFFF;
	p2 =	slt.u32 s8, $0xFFFFF086  }
0x1c: {  	p1 =	slt.u32 s9, $0xF7A;
	s5 =	simm.s32 @!p2 $0x0  }
0x1d: {  	s5 =	simm.s32 @p1 $0x1;
	p0 =	seq.s32 s7, s2  }
0x1e: {  	s7 =	smul.u32 @!p0 $0xF7A, s2;
	p2 =	seq.s32 @!p0 s5, $0x0  }
0x1f: {  	s9 =	smul.u32 $0xF7A, s1;
	s8 =	simm.s32 @!p0 $0x1BF5;
	p2 =	por !p2, p0  }
0x20: {  	[sflag:s8] =	ssyncset.s32 @!p0 $0xFFFFF086;
	s6 =	sadd.s32 @!p0 s3, s7;
	s7 =	simm.s32 @!p0 $0x108  }
0x21: {  	s3 =	sadd.s32 s3, s9;
	s6 =	sadd.s32 @!p0 $0x88, s6;
	s7 =	simm.s32 @p2 $0x1082  }
0x22: {  	[simem:s7], [sflag:s8] =	dma.local @!p0 [hbm:s6], $0xF7A  }
0x23: {  	s9 =	sor.u32 $0xD0000000, s2;
	s6 =	simm.s32 $0x108;
	_ =	swait.ge @!p0 [sflag:s8], $0x0  }
0x24: {  	s3 =	sadd.s32 $0x88, s3;
	s6 =	simm.s32 @!p1 $0x1082;
	[sflag:s4] =	ssyncset.s32 $0xFFFFF086  }
0x25: {  	[simem:s6], [sflag:s4] =	dma.local [hbm:s3], $0xF7A  }
0x26: {  	[smem:$0x3F9D] =	sst s1;
	(tag) =	ssettag s2;
	_ =	strace s9  }
0x27: {  	s1 =	sld [smem:$0x3FAD]  }
0x28: {  	s2 =	sld [smem:$0x3FAE]  }
0x29: {  	s4 =	sld [smem:$0x3FB0]  }
0x2a: {  	p0 =	seq.s32 s5, $0x0;
	s5 =	sld [smem:$0x3FB1]  }
0x2b: {  	s6 =	sld [smem:$0x3FB2]  }
0x2c: {  	s7 =	sld [smem:$0x3FB3]  }
0x2d: {  	s3 =	simm.s32 $0x108;
	s8 =	sld [smem:$0x3FB4]  }
0x2e: {  	s3 =	simm.s32 @!p0 $0x1082;
	s9 =	sld [smem:$0x3FB5]  }
0x2f: {  	lr =	sadd.s32 s0, s3;
	s0 =	sld [smem:$0x3FAC]  }
0x30: {  	s3 =	sld [smem:$0x3FAF]  }
0x31: {  	[smem:$0x3FB8] =	sst s10  }
0x32: {  	s10 =	sld [smem:$0x3FB6];
	_ =	sdelay $0x3  }
0x33: {  	p0 =	seq.s32 s10, $0x1;
	s10 =	sld [smem:$0x3FB8];
	_ =	sdelay $0x3  }
0x34: {  	[smem:$0x3FB8] =	sst s10  }
0x35: {  	s10 =	sld [smem:$0x3FB7];
	_ =	sdelay $0x3  }
0x36: {  	p1 =	seq.s32 s10, $0x1;
	s10 =	sld [smem:$0x3FB8];
	_ =	sdelay $0x3  }
0x37: {  	[smem:$0x3FB8] =	sst s10  }
0x38: {  	s10 =	sld [smem:$0x3FB9]  }
0x39: {  	_ = 	snop;
	(pc) =	sbr.ind lr, $3  }
0x3a: {  	_ = 	snop  }
0x3b: {  	_ = 	snop  }
0x3c: {  	p2 =	seq.s32 s10, $0x1;
	s10 =	sld [smem:$0x3FB8]  }
0x3d: {  	_ =	shalt  }
0x3e: {  	_ =	shalt  }
0x3f: {  	_ =	shalt  }
0x40: {  	_ =	shalt  }
0x41: {  	_ =	shalt  }
0x42: {  	_ =	shalt  }
0x43: {  	_ =	shalt  }
0x44: {  	_ =	shalt  }
0x45: {  	_ =	shalt  }
0x46: {  	_ =	shalt  }
0x47: {  	_ =	shalt  }
0x48: {  	_ =	shalt  }
0x49: {  	_ =	shalt  }
0x4a: {  	_ =	shalt  }
0x4b: {  	_ =	shalt  }
0x4c: {  	_ =	shalt  }
0x4d: {  	_ =	shalt  }
0x4e: {  	_ =	shalt  }
0x4f: {  	_ =	shalt  }
0x50: {  	_ =	shalt  }
0x51: {  	_ =	shalt  }
0x52: {  	_ =	shalt  }
0x53: {  	_ =	shalt  }
0x54: {  	_ =	shalt  }
0x55: {  	_ =	shalt  }
0x56: {  	_ =	shalt  }
0x57: {  	_ =	shalt  }
0x58: {  	_ =	shalt  }
0x59: {  	_ =	shalt  }
0x5a: {  	_ =	shalt  }
0x5b: {  	_ =	shalt  }
0x5c: {  	_ =	shalt  }
0x5d: {  	_ =	shalt  }
0x5e: {  	_ =	shalt  }
0x5f: {  	_ =	shalt  }
0x60: {  	_ =	shalt  }
0x61: {  	_ =	shalt  }
0x62: {  	_ =	shalt  }
0x63: {  	_ =	shalt  }
0x64: {  	_ =	shalt  }
0x65: {  	_ =	shalt  }
0x66: {  	_ =	shalt  }
0x67: {  	_ =	shalt  }
0x68: {  	_ =	shalt  }
0x69: {  	_ =	shalt  }
0x6a: {  	_ =	shalt  }
0x6b: {  	_ =	shalt  }
0x6c: {  	_ =	shalt  }
0x6d: {  	_ =	shalt  }
0x6e: {  	_ =	shalt  }
0x6f: {  	_ =	shalt  }
0x70: {  	_ =	shalt  }
0x71: {  	_ =	shalt  }
0x72: {  	_ =	shalt  }
0x73: {  	_ =	shalt  }
0x74: {  	_ =	shalt  }
0x75: {  	_ =	shalt  }
0x76: {  	_ =	shalt  }
0x77: {  	_ =	shalt  }
0x78: {  	_ =	shalt  }
0x79: {  	_ =	shalt  }
0x7a: {  	_ =	shalt  }
0x7b: {  	_ =	shalt  }
0x7c: {  	_ =	shalt  }
0x7d: {  	_ =	shalt  }
0x7e: {  	_ =	shalt  }
0x7f: {  	_ =	shalt  }
0x80: {  	_ =	shalt  }
0x81: {  	_ =	shalt  }
0x82: {  	_ =	shalt  }
0x83: {  	_ =	shalt  }
0x84: {  	_ =	shalt  }
0x85: {  	_ =	shalt  }
0x86: {  	_ =	shalt  }
0x87: {  	_ =	shalt  }
.Lfunc_end0:
.L_simem_size_0:
called_computation_lowered:
.L_overlay_start_0:
0x88: {  	s2 =	sld [smem:$0x3FD9]  }
0x89: {  	s3 =	sld [smem:$0x3FFE];
	_ =	sdelay $0x1  }
0x8a: {  	s1 =	srdreg.scid  }
0x8b: {  	s0 =	sand.u32 $0x1, s1  }
0x8c: {  	s17 =	sshll.u32 s0, $0xA;
	s2 =	sadd.s32 s3, s2  }
0x8d: {  	s2 =	sadd.s32 s2, s17  }
0x8e: {  	[smem:$0x3FC4] =	sst s2  }
0x8f: {  	_ = 	snop  }
0x90: {  	s2 =	sld [smem:$0x3FC9]  }
0x91: {  	s18 =	sld [smem:$0x3FC8]  }
0x92: {  	s4 =	sld [smem:$0x3FD0];
	(tm) =	ssettm $0x1  }
0x93: {  	s5 =	sld [smem:$0x3FFB];
	_ =	sdelay $0x3  }
0x94: {  	_ =	strace s5  }
0x95: {  	s5 =	sld [smem:$0x3FFC];
	_ =	sdelay $0x3  }
0x96: {  	_ =	strace s5  }
0x97: {  	s5 =	sld [smem:$0x3FFD];
	_ =	sdelay $0x3  }
0x98: {  	_ =	strace s5  }
0x99: {  	_ =	strace $0x8FFFFFFF  }
0x9a: {  	s19 =	sld [smem:$0x3FDB];
	_ =	sdelay $0x1  }
0x9b: {  	s6 =	simm.s32 $_scs_section_size  }
0x9c: {  	s7 =	simm.s32 $_size__tile_overlayer_lowered;
	s8 =	simm.s32 $_tile_overlayer_lowered  }
0x9d: {  	s22 =	simm.s32 $0x1BFF;
	s21 =	sshll.u32 s8, $0x1;
	s5 =	sadd.s32 s6, s19  }
0x9e: {  	s9 =	simm.s32 $0x0;
	s20 =	sshll.u32 s7, $0x1;
	s7 =	sadd.s32 s21, s5  }
0x9f: {  	[timem:s9], [sflag:s22] =	dma.local [hbm:s7], s20  }
0xa0: {  	_ =	swait.ge [sflag:s22], s20  }
0xa1: {  	s6 =	ssub.s32 $0x0, s20;
	[sflag:s22] =	ssyncset.done $0x0  }
0xa2: {  	[sflag:s22] =	ssyncadd.s32 s6;
	_ =	sdelay $0x1  }
0xa3: {  	s23 =	simm.s32 $0x1B8B  }
0xa4: {  	_ =	swait.ge [sflag:s23], $0x1  }
0xa5: {  	[sflag:s23] =	ssyncset.done $0x0  }
0xa6: {  	s25 =	simm.s32 $0x1B8E;
	s24 =	sld [smem:$0x3FFE];
	[sflag:s23] =	ssyncadd.s32 $0xFFFFFFFF  }
0xa7: {  	s26 =	simm.s32 $execute0_lowered;
	[smem:$0x3FD2] =	sst s25  }
0xa8: {  	s7 =	sshll.u32 s26, $0x1;
	_ =	strace $0x80000046;
	[dreg:$0x1] =	wrdreg $0xFFFFFFFF  }
0xa9: {  	s28 =	simm.s32 $_size_execute0_lowered;
	s5 =	sadd.s32 s5, s7;
	[dreg:$0x0] =	wrdreg $0x0  }
0xaa: {  	s7 =	sshll.u32 s28, $0x1;
	[dreg:$0x2] =	wrdreg s5  }
0xab: {  	[dreg:$0x3] =	wrdreg s7  }
0xac: {  	[dreg:$0x4] =	wrdreg $0xC0  }
0xad: {  	_ =	task [dreg:s9], $0x5FFFF  }
0xae: {  	[dreg:$0x1] =	wrdreg $0xFFFFFFFF  }
0xaf: {  	[dreg:$0x0] =	wrdreg $0x60  }
0xb0: {  	[dreg:$0x2] =	wrdreg s24  }
0xb1: {  	[dreg:$0x3] =	wrdreg s18  }
0xb2: {  	[dreg:$0x4] =	wrdreg s2  }
0xb3: {  	[dreg:$0x5] =	wrdreg s4  }
0xb4: {  	[dreg:$0x6] =	wrdreg $0x9  }
0xb5: {  	_ =	task.clear_ibuf [dreg:s9], $0x7FFFF;
	_ =	strace $0x90000046  }
0xb6: {  	s29 =	simm.s32 $0x9;
	_ =	strace $0x80000048  }
0xb7: {  	_ =	swait.ge [sflag:s29], $0x1  }
0xb8: {  	[sflag:s29] =	ssyncadd.s32 $0xFFFFFFFF  }
0xb9: {  	_ =	strace $0x90000048  }
0xba: {  	_ =	sfence  }
0xbb: {  	s30 =	sld [smem:$0x0];
	_ =	sdelay $0x2  }
0xbc: {  	s31 =	sshll.u32 s1, $0xD;
	s1 =	sshrl.u32 s1, $0x2  }
0xbd: {  	s3 =	sand.u32 $0x4000, s31;
	s1 =	sadd.s32 s1, s30  }
0xbe: {  	s0 =	sor.u32 s3, s0;
	s1 =	sshll.u32 s1, $0x11  }
0xbf: {  	s0 =	sor.u32 s1, s0  }
0xc0: {  	s0 =	sadd.s32 $0x8F2B, s0  }
0xc1: {  	[sflag:s0] =	ssyncadd.remote.s32 $0x1  }
0xc2: {  	_ =	sfence.sel $0xFFFF  }
0xc3: {  	[dreg:$0x0] =	wrdreg $0xFFFFFFFF;
	(pc) =	sbr.abs _section_cstart, $3  }
0xc4: {  	[dreg:$0x1] =	wrdreg $0xFFFFFFFF  }
0xc5: {  	_ =	task.clear_ibuf [dreg:s9], $0x2FFFF;
	_ =	strace $0x9FFFFFFF  }
0xc6: {  	(tm) =	ssettm $0x7FFFFFFF  }
0xc7: {  	_ =	shalt  }
tec
execute0_lowered:
.L_overlay_start_1:
0x0: {  	(tag) =	ssettag $0x1  }
0x1: {  	s5 =	rddreg [dreg:$0x0]  }
0x2: {  	s1 =	rddreg [dreg:$0x1]  }
0x3: {  	s2 =	srdreg.scid;
	s3 =	rddreg [dreg:$0x2]  }
0x4: {  	s0 =	stileid.u32;
	s7 =	rddreg [dreg:$0x3]  }
0x5: {  	s4 =	simm.s32 $0x0;
	s11 =	simm.s32 $0x2080;
	s12 =	simm.s32 $0x3  }
0x6: {  	s13 =	simm.s32 $0x4;
	s14 =	simm.s32 $0x1;
	s15 =	simm.s32 $0x2  }
0x7: {  	s16 =	simm.s32 $0x2100;
	s17 =	simm.s32 $0x2D00;
	s18 =	simm.s32 $0x3900  }
0x8: {  	s19 =	simm.s32 $0x5;
	s20 =	simm.s32 $0x0;
	s6 =	sand.u32 $0x1, s2  }
0x9: {  	s8 =	sshll.u32 s0, $0x6;
	s2 =	rddreg [dreg:$0x4];
	s9 =	sshll.u32 s6, $0x5  }
0xa: {  	[smem:$0x7FF] =	sst s4;
	s6 =	ssub.s32 $0x2, s6;
	s8 =	sor.u32 s9, s8  }
0xb: {  	_ =	strace $0x80000047;
	s31 =	sshrl.u32 s6, $0x1;
	s9 =	sshll.u32 s8, $0x4  }
0xc: {  	v0 =	vlaneseq.u32;
	s10 =	ssub.s32 s6, s31;
	s8 =	sshrl.u32 s8, $0x3;
	s9 =	sadd.s32 s9, s5  }
0xd: {  	v0 =	vadd.s32 $0x1, v0;
	s7 =	sadd.s32 s7, s8;
	s8 =	smax.u32 s10, $0x1;
	s10 =	simm.s32 $0x2000  }
0xe: {  	[tilespmem:$0x1FFF0] =	vst v0;
	s5 =	sadd.s32 $0x600, s9;
	s6 =	sadd.s32 $0x4600, s9;
	s9 =	simm.s32 $0x1000  }
.LBB2_1:
0xf: {  	[tilespmem:s4], [sflag:$0x1] =	stream.linear.gather [hbm4b:s5+s4], $0x1000, $0x38;
	[tilespmem:$0x3980] =	vst v63  }
0x10: {  	_ = 	snop  }
0x11: {  	[tilespmem:s9], [sflag:$0x2] =	stream.linear.gather [hbm4b:s6+s4], $0x1000, $0x38;
	[tilespmem:$0x3980] =	vst v63  }
0x12: {  	_ = 	snop  }
0x13: {  	[tilespmem:s10], [sflag:$0x3] =	stream.linear.gather [hbm4b:s1+s4], $0x80, $0x38;
	[tilespmem:$0x3980] =	vst v63  }
0x14: {  	_ = 	snop  }
0x15: {  	[tilespmem:s11], [sflag:$0x4] =	stream.linear.gather [hbm4b:s3+s4], $0x20, $0x38;
	[tilespmem:$0x3980] =	vst v63  }
0x16: {  	_ =	swait.ge [sflag:s12], $0x80  }
0x17: {  	v0 =	vlaneseq.u32;
	[sflag:s12] =	ssyncset.done $0x0  }
0x18: {  	[sflag:s12] =	ssyncadd.s32 $0xFFFFFF80  }
0x19: {  	_ =	swait.ge [sflag:s13], $0x20  }
0x1a: {  	[sflag:s13] =	ssyncset.done $0x0  }
0x1b: {  	[sflag:s13] =	ssyncadd.s32 $0xFFFFFFE0  }
0x1c: {  	v2 =	vld.idx.msk [tilespmem:v0+s11+$0x0], $0xffff  }
0x1d: {  	v0 =	vld [tilespmem:$0x1FFF0];
	_ =	sdelay $0x7  }
0x1e: {  	v3 =	vld.idx.msk [tilespmem:v0+s11+$0x0], $0xffff;
	_ =	sdelay $0x4  }
0x1f: {  	v2 =	vsub.f32 v3, v2  }
0x20: {  	v18 =	vld [tilespmem:$0x2000]  }
0x21: {  	v29 =	vmul.f32 $5.000000000e-01, v2;
	_ =	sdelay $0x1  }
0x22: {  	v32 =	vmul.f32 $-8.000000000e+00, v29  }
0x23: {  	v31 =	vmul.f32 $-7.000000000e+00, v29  }
0x24: {  	v11 =	vmul.f32 v32, v18  }
0x25: {  	v37 =	vmul.f32 $-6.000000000e+00, v29;
	v0 =	vmul.f32 v31, v18  }
0x26: {  	v35 =	vmul.f32 $-5.000000000e+00, v29;
	v2 =	vmul.f32 $1.442695020e+00, v11  }
0x27: {  	[tilespmem:$0x1FF40] =	vst v0;
	v4 =	vmul.f32 $1.442695020e+00, v0;
	v0 =	vmul.f32 v37, v18  }
0x28: {  	v40 =	vmul.f32 $-4.000000000e+00, v29;
	v36 =	vmul.f32 $-3.000000000e+00, v29  }
0x29: {  	(erf) = vpow2.f32 v2;
	v2 =	vmul.f32 $1.442695020e+00, v0  }
0x2a: {  	[tilespmem:$0x1FF50] =	vst v0;
	v0 =	vmul.f32 v35, v18;
	(erf) = vpow2.f32 v4  }
0x2b: {  	v1 =	vmul.f32 v40, v18;
	(erf) = vpow2.f32 v2  }
0x2c: {  	[tilespmem:$0x1FF60] =	vst v0;
	v4 =	vmul.f32 $1.442695020e+00, v0;
	v0 =	vmul.f32 v36, v18  }
0x2d: {  	v38 =	vmul.f32 $-2.000000000e+00, v29;
	v7 =	vmul.f32 $1.442695020e+00, v1  }
0x2e: {  	(erf) = vpow2.f32 v4;
	v8 =	vmul.f32 $1.442695020e+00, v0  }
0x2f: {  	[tilespmem:$0x1FF80] =	vst v0;
	v0 =	vmul.f32 v38, v18;
	(erf) = vpow2.f32 v7  }
0x30: {  	v45 =	vxor.u32 $0x80000000, v29;
	v43 =	vmul.f32 $0.0e+00, v29;
	(erf) = vpow2.f32 v8  }
0x31: {  	[tilespmem:$0x1FF90] =	vst v0;
	v8 =	vmul.f32 $1.442695020e+00, v0;
	v0 =	vmul.f32 v45, v18  }
0x32: {  	v24 =	vpop (erf)  }
0x33: {  	[tilespmem:$0x1FF70] =	vst v1;
	v1 =	vmul.f32 v43, v18;
	v12 =	vmul.f32 $1.442695020e+00, v0;
	v10 =	vpop (erf)  }
0x34: {  	(erf) = vpow2.f32 v8;
	v49 =	vadd.f32 v10, v24  }
0x35: {  	v13 =	vpop (erf);
	(erf) = vpow2.f32 v12;
	v12 =	vmul.f32 $1.442695020e+00, v1  }
0x36: {  	v26 =	vadd.f32 v49, v13  }
0x37: {  	[tilespmem:$0x1FFA0] =	vst v0;
	v0 =	vmul.f32 v29, v18;
	v13 =	vpop (erf)  }
0x38: {  	v44 =	vadd.f32 v29, v29;
	v28 =	vadd.f32 v26, v13  }
0x39: {  	v14 =	vmul.f32 $1.442695020e+00, v0;
	(erf) = vpow2.f32 v12;
	v12 =	vpop (erf)  }
0x3a: {  	v34 =	vmul.f32 $3.000000000e+00, v29;
	[tilespmem:$0x1FFC0] =	vst v0;
	v0 =	vmul.f32 v44, v18;
	v48 =	vadd.f32 v28, v12  }
0x3b: {  	(erf) = vpow2.f32 v14;
	v13 =	vpop (erf)  }
0x3c: {  	[tilespmem:$0x1FFD0] =	vst v0;
	v14 =	vmul.f32 $1.442695020e+00, v0;
	v0 =	vmul.f32 v34, v18;
	v47 =	vadd.f32 v48, v13  }
0x3d: {  	v15 =	vpop (erf)  }
0x3e: {  	v33 =	vadd.f32 v47, v15;
	v15 =	vmul.f32 $1.442695020e+00, v0  }
0x3f: {  	v39 =	vmul.f32 $4.000000000e+00, v29;
	v41 =	vmul.f32 $5.000000000e+00, v29  }
0x40: {  	v42 =	vmul.f32 $6.000000000e+00, v29;
	v30 =	vmul.f32 $7.000000000e+00, v29;
	v16 =	vpop (erf)  }
0x41: {  	(erf) = vpow2.f32 v14;
	v14 =	vmul.f32 v39, v18;
	v46 =	vadd.f32 v33, v16  }
0x42: {  	(erf) = vpow2.f32 v15;
	v16 =	vmul.f32 v41, v18;
	v15 =	vpop (erf)  }
0x43: {  	v17 =	vmul.f32 $1.442695020e+00, v14;
	v19 =	vadd.f32 v46, v15;
	v15 =	vmul.f32 v42, v18  }
0x44: {  	v27 =	vmul.f32 $8.000000000e+00, v29;
	v21 =	vmul.f32 $1.442695020e+00, v16  }
0x45: {  	(erf) = vpow2.f32 v17;
	v22 =	vmul.f32 $1.442695020e+00, v15  }
0x46: {  	v17 =	vmul.f32 v30, v18;
	(erf) = vpow2.f32 v21;
	v21 =	vand.u32 $0x7FFFFF, v19  }
0x47: {  	v20 =	vpop (erf);
	v18 =	vmul.f32 v27, v18;
	v21 =	vor.u32 $0x3F800000, v21;
	(erf) = vpow2.f32 v22  }
0x48: {  	v22 =	vmul.f32 $1.442695020e+00, v17;
	v25 =	vmul.f32 $3.044899930e-02, v21  }
0x49: {  	v20 =	vadd.f32 v19, v20  }
0x4a: {  	(erf) = vpow2.f32 v22;
	v22 =	vmul.f32 $1.442695020e+00, v18;
	v25 =	vadd.f32 $-2.838268580e-01, v25  }
0x4b: {  	v23 =	vpop (erf);
	v19 =	vshra.s32 v19, $0x17;
	v62 =	vand.u32 $0x7FFFFF, v20  }
0x4c: {  	v63 =	vor.u32 $0x3F800000, v62;
	v50 =	vpop (erf);
	(erf) = vpow2.f32 v22;
	v22 =	vmul.f32 v21, v25  }
0x4d: {  	v19 =	vadd.s32 $0xFFFFFF81, v19;
	v52 =	vmul.f32 $3.044899930e-02, v63  }
0x4e: {  	v23 =	vadd.f32 v20, v23;
	v20 =	vshra.s32 v20, $0x17;
	v22 =	vadd.f32 $1.116090060e+00, v22  }
0x4f: {  	v19 =	vcvt.s32.f32 v19;
	v20 =	vadd.s32 $0xFFFFFF81, v20;
	v52 =	vadd.f32 $-2.838268580e-01, v52  }
0x50: {  	v59 =	vand.u32 $0x7FFFFF, v23;
	v51 =	vadd.f32 v23, v50;
	v22 =	vmul.f32 v21, v22  }
0x51: {  	v19 =	vmul.f32 $6.931471820e-01, v19;
	v57 =	vpop (erf);
	v56 =	vor.u32 $0x3F800000, v59;
	v52 =	vmul.f32 v63, v52  }
0x52: {  	v50 =	vmul.f32 $3.044899930e-02, v56;
	v53 =	vadd.f32 v51, v57;
	v22 =	vadd.f32 $-2.440029860e+00, v22  }
0x53: {  	v20 =	vcvt.s32.f32 v20;
	v23 =	vshra.s32 v23, $0x17;
	v58 =	vpop (erf);
	v52 =	vadd.f32 $1.116090060e+00, v52  }
0x54: {  	v54 =	vadd.f32 v53, v58;
	v58 =	vadd.f32 $-2.838268580e-01, v50;
	v22 =	vmul.f32 v21, v22  }
0x55: {  	v20 =	vmul.f32 $6.931471820e-01, v20;
	v23 =	vadd.s32 $0xFFFFFF81, v23;
	v52 =	vmul.f32 v63, v52  }
0x56: {  	v59 =	vand.u32 $0x7FFFFF, v51;
	v58 =	vmul.f32 v56, v58;
	v22 =	vadd.f32 $3.514087200e+00, v22  }
0x57: {  	v23 =	vcvt.s32.f32 v23;
	v51 =	vshra.s32 v51, $0x17;
	v52 =	vadd.f32 $-2.440029860e+00, v52  }
0x58: {  	v21 =	vmul.f32 v21, v22;
	v22 =	vadd.f32 $1.116090060e+00, v58;
	v58 =	vor.u32 $0x3F800000, v59  }
0x59: {  	v51 =	vadd.s32 $0xFFFFFF81, v51;
	v62 =	vand.u32 $0x7FFFFF, v53;
	v59 =	vmul.f32 $3.044899930e-02, v58  }
0x5a: {  	v23 =	vmul.f32 $6.931471820e-01, v23;
	v53 =	vshra.s32 v53, $0x17;
	v55 =	vpop (erf);
	v52 =	vmul.f32 v63, v52  }
0x5b: {  	v55 =	vadd.f32 v54, v55;
	v22 =	vmul.f32 v56, v22;
	v59 =	vadd.f32 $-2.838268580e-01, v59  }
0x5c: {  	v53 =	vadd.s32 $0xFFFFFF81, v53;
	v52 =	vadd.f32 $3.514087200e+00, v52;
	v21 =	vadd.f32 $-1.936759710e+00, v21  }
0x5d: {  	v57 =	vpop (erf);
	v22 =	vadd.f32 $-2.440029860e+00, v22;
	v61 =	vmul.f32 v58, v59;
	v59 =	vor.u32 $0x3F800000, v62  }
0x5e: {  	v57 =	vadd.f32 v55, v57;
	v25 =	vmul.f32 v63, v52;
	v63 =	vmul.f32 $3.044899930e-02, v59  }
0x5f: {  	v60 =	vpop (erf);
	v19 =	vadd.f32 v21, v19;
	v22 =	vmul.f32 v56, v22;
	v21 =	vadd.f32 $1.116090060e+00, v61  }
0x60: {  	v53 =	vcvt.s32.f32 v53;
	v50 =	vadd.f32 v57, v60;
	v52 =	vadd.f32 $-2.838268580e-01, v63  }
0x61: {  	v60 =	vand.u32 $0x7FFFFF, v54;
	v22 =	vadd.f32 $3.514087200e+00, v22;
	v21 =	vmul.f32 v58, v21  }
0x62: {  	v54 =	vshra.s32 v54, $0x17;
	v25 =	vadd.f32 $-1.936759710e+00, v25;
	v52 =	vmul.f32 v59, v52  }
0x63: {  	v22 =	vmul.f32 v56, v22;
	v56 =	vor.u32 $0x3F800000, v60;
	v21 =	vadd.f32 $-2.440029860e+00, v21  }
0x64: {  	v54 =	vadd.s32 $0xFFFFFF81, v54;
	v61 =	vmul.f32 $3.044899930e-02, v56;
	v52 =	vadd.f32 $1.116090060e+00, v52  }
0x65: {  	v20 =	vadd.f32 v25, v20;
	v60 =	vand.u32 $0x7FFFFF, v55;
	v21 =	vmul.f32 v58, v21  }
0x66: {  	v60 =	vor.u32 $0x3F800000, v60;
	v25 =	vadd.f32 $-2.838268580e-01, v61;
	v52 =	vmul.f32 v59, v52  }
0x67: {  	v22 =	vadd.f32 $-1.936759710e+00, v22;
	v61 =	vmul.f32 $3.044899930e-02, v60;
	v21 =	vadd.f32 $3.514087200e+00, v21  }
0x68: {  	v49 =	vsub.f32 v50, v49;
	v25 =	vmul.f32 v56, v25;
	v52 =	vadd.f32 $-2.440029860e+00, v52  }
0x69: {  	v62 =	vadd.f32 $-2.838268580e-01, v61;
	v58 =	vmul.f32 v58, v21;
	v21 =	vadd.f32 v22, v23  }
0x6a: {  	v22 =	vcvt.s32.f32 v51;
	v23 =	vadd.f32 $1.116090060e+00, v25;
	v51 =	vmul.f32 v59, v52  }
0x6b: {  	v63 =	vand.u32 $0x7FFFFF, v57;
	v52 =	vmul.f32 v60, v62;
	v25 =	vadd.f32 $-1.936759710e+00, v58  }
0x6c: {  	v23 =	vmul.f32 v56, v23;
	v58 =	vor.u32 $0x3F800000, v63;
	v51 =	vadd.f32 $3.514087200e+00, v51  }
0x6d: {  	v22 =	vmul.f32 $6.931471820e-01, v22;
	v61 =	vmul.f32 $3.044899930e-02, v58;
	v52 =	vadd.f32 $1.116090060e+00, v52  }
0x6e: {  	v47 =	vsub.f32 v50, v47;
	v23 =	vadd.f32 $-2.440029860e+00, v23;
	v51 =	vmul.f32 v59, v51  }
0x6f: {  	v22 =	vadd.f32 v25, v22;
	v61 =	vadd.f32 $-2.838268580e-01, v61;
	v62 =	vmul.f32 v60, v52  }
0x70: {  	v52 =	vmul.f32 $6.931471820e-01, v53;
	v23 =	vmul.f32 v56, v23;
	v25 =	vadd.f32 $-1.936759710e+00, v51  }
0x71: {  	v63 =	vmul.f32 v58, v61;
	v51 =	vadd.f32 $-2.440029860e+00, v62;
	v61 =	vand.u32 $0x7FFFFF, v50  }
0x72: {  	v62 =	vshra.s32 v55, $0x17;
	v55 =	vsub.f32 v50, v24;
	v23 =	vadd.f32 $3.514087200e+00, v23  }
0x73: {  	v59 =	vor.u32 $0x3F800000, v61;
	v53 =	vadd.f32 $1.116090060e+00, v63;
	v51 =	vmul.f32 v60, v51  }
0x74: {  	v61 =	vmul.f32 $3.044899930e-02, v59;
	v56 =	vmul.f32 v56, v23;
	v23 =	vadd.f32 v25, v52  }
0x75: {  	v25 =	vcvt.s32.f32 v54;
	v52 =	vmul.f32 v58, v53;
	v51 =	vadd.f32 $3.514087200e+00, v51  }
0x76: {  	v63 =	vadd.f32 $-2.838268580e-01, v61;
	v53 =	vadd.s32 $0xFFFFFF81, v62;
	v61 =	vand.u32 $0x7FFFFF, v55  }
0x77: {  	v62 =	vshra.s32 v57, $0x17;
	v25 =	vmul.f32 $6.931471820e-01, v25;
	v53 =	vcvt.s32.f32 v53  }
0x78: {  	v52 =	vadd.f32 $-2.440029860e+00, v52;
	v51 =	vmul.f32 v60, v51;
	v54 =	vmul.f32 v59, v63  }
0x79: {  	v60 =	vadd.f32 $-1.936759710e+00, v56;
	v56 =	vor.u32 $0x3F800000, v61;
	v61 =	vshra.s32 v50, $0x17  }
0x7a: {  	v53 =	vmul.f32 $6.931471820e-01, v53;
	v52 =	vmul.f32 v58, v52;
	v54 =	vadd.f32 $1.116090060e+00, v54  }
0x7b: {  	v51 =	vadd.f32 $-1.936759710e+00, v51;
	v25 =	vadd.f32 v60, v25;
	v60 =	vmul.f32 $3.044899930e-02, v56  }
0x7c: {  	v57 =	vadd.s32 $0xFFFFFF81, v61;
	v52 =	vadd.f32 $3.514087200e+00, v52;
	v54 =	vmul.f32 v59, v54  }
0x7d: {  	v24 =	vadd.f32 v51, v53;
	v51 =	vadd.s32 $0xFFFFFF81, v62;
	v60 =	vadd.f32 $-2.838268580e-01, v60  }
0x7e: {  	v61 =	vsub.f32 v50, v26;
	v51 =	vcvt.s32.f32 v51;
	v63 =	vadd.f32 $-2.440029860e+00, v54  }
0x7f: {  	v62 =	vand.u32 $0x7FFFFF, v49;
	v52 =	vmul.f32 v58, v52;
	v54 =	vmul.f32 v56, v60  }
0x80: {  	v58 =	vor.u32 $0x3F800000, v62;
	v51 =	vmul.f32 $6.931471820e-01, v51;
	v53 =	vmul.f32 v59, v63  }
0x81: {  	v60 =	vmul.f32 $3.044899930e-02, v58;
	v52 =	vadd.f32 $-1.936759710e+00, v52;
	v54 =	vadd.f32 $1.116090060e+00, v54  }
0x82: {  	v57 =	vcvt.s32.f32 v57;
	v62 =	vand.u32 $0x7FFFFF, v61;
	v53 =	vadd.f32 $3.514087200e+00, v53  }
0x83: {  	v60 =	vadd.f32 $-2.838268580e-01, v60;
	v26 =	vadd.f32 v52, v51;
	v63 =	vmul.f32 v56, v54  }
0x84: {  	v52 =	vmul.f32 v59, v53;
	v53 =	vmul.f32 $6.931471820e-01, v57;
	v57 =	vor.u32 $0x3F800000, v62  }
0x85: {  	v51 =	vsub.f32 v50, v28;
	v63 =	vadd.f32 $-2.440029860e+00, v63;
	v54 =	vmul.f32 $3.044899930e-02, v57  }
0x86: {  	v55 =	vshra.s32 v55, $0x17;
	v28 =	vadd.f32 $-1.936759710e+00, v52;
	v52 =	vmul.f32 v58, v60  }
0x87: {  	v59 =	vmul.f32 v56, v63;
	v60 =	vand.u32 $0x7FFFFF, v51;
	v54 =	vadd.f32 $-2.838268580e-01, v54  }
0x88: {  	v62 =	vor.u32 $0x3F800000, v60;
	v60 =	vadd.s32 $0xFFFFFF81, v55;
	v52 =	vadd.f32 $1.116090060e+00, v52  }
0x89: {  	v55 =	vsub.f32 v50, v48;
	v63 =	vmul.f32 $3.044899930e-02, v62;
	v54 =	vmul.f32 v57, v54  }
0x8a: {  	v28 =	vadd.f32 v28, v53;
	v59 =	vadd.f32 $3.514087200e+00, v59;
	v52 =	vmul.f32 v58, v52  }
0x8b: {  	v53 =	vcvt.s32.f32 v60;
	v60 =	vadd.f32 $-2.838268580e-01, v63;
	v54 =	vadd.f32 $1.116090060e+00, v54  }
0x8c: {  	v49 =	vshra.s32 v49, $0x17;
	v48 =	vmul.f32 v56, v59;
	v52 =	vadd.f32 $-2.440029860e+00, v52  }
0x8d: {  	v56 =	vmul.f32 v62, v60;
	v60 =	vand.u32 $0x7FFFFF, v55;
	v54 =	vmul.f32 v57, v54  }
0x8e: {  	v49 =	vadd.s32 $0xFFFFFF81, v49;
	v63 =	vor.u32 $0x3F800000, v60;
	v60 =	vld [tilespmem:$0x2010];
	v52 =	vmul.f32 v58, v52  }
0x8f: {  	v56 =	vadd.f32 $1.116090060e+00, v56;
	v59 =	vmul.f32 $3.044899930e-02, v63;
	v54 =	vadd.f32 $-2.440029860e+00, v54  }
0x90: {  	v49 =	vcvt.s32.f32 v49;
	v53 =	vmul.f32 $6.931471820e-01, v53;
	v52 =	vadd.f32 $3.514087200e+00, v52  }
0x91: {  	v56 =	vmul.f32 v62, v56;
	v59 =	vadd.f32 $-2.838268580e-01, v59;
	v54 =	vmul.f32 v57, v54  }
0x92: {  	v4 =	vsub.f32 v50, v33;
	v52 =	vmul.f32 v58, v52;
	v58 =	vmul.f32 $6.931471820e-01, v49  }
0x93: {  	v49 =	vadd.f32 $-2.440029860e+00, v56;
	v56 =	vmul.f32 v63, v59;
	v59 =	vshra.s32 v61, $0x17  }
0x94: {  	v61 =	vand.u32 $0x7FFFFF, v47;
	v33 =	vmul.f32 v60, v32;
	v32 =	vmul.f32 v60, v31  }
0x95: {  	v31 =	vmul.f32 v60, v37;
	v38 =	vmul.f32 v60, v38;
	v54 =	vadd.f32 $3.514087200e+00, v54  }
0x96: {  	v59 =	vadd.s32 $0xFFFFFF81, v59;
	v49 =	vmul.f32 v62, v49;
	v56 =	vadd.f32 $1.116090060e+00, v56  }
0x97: {  	[tilespmem:$0x1FFE0] =	vst v0;
	v0 =	vor.u32 $0x3F800000, v61;
	v54 =	vmul.f32 v57, v54;
	v57 =	vcvt.s32.f32 v59  }
0x98: {  	v59 =	vmul.f32 $3.044899930e-02, v0;
	v49 =	vadd.f32 $3.514087200e+00, v49;
	v56 =	vmul.f32 v63, v56  }
0x99: {  	v5 =	vsub.f32 v50, v46;
	v43 =	vmul.f32 v60, v43;
	v46 =	vmul.f32 $1.442695020e+00, v33  }
0x9a: {  	v62 =	vmul.f32 v62, v49;
	v49 =	vadd.f32 $-2.440029860e+00, v56;
	v56 =	vadd.f32 $-2.838268580e-01, v59  }
0x9b: {  	v48 =	vadd.f32 $-1.936759710e+00, v48;
	(erf) = vpow2.f32 v46;
	v46 =	vmul.f32 $1.442695020e+00, v31  }
0x9c: {  	v59 =	vand.u32 $0x7FFFFF, v4;
	v37 =	vmul.f32 v0, v56;
	v56 =	vmul.f32 $1.442695020e+00, v32  }
0x9d: {  	v61 =	vmul.f32 $6.931471820e-01, v57;
	v50 =	vor.u32 $0x3F800000, v59;
	v59 =	vand.u32 $0x7FFFFF, v5  }
0x9e: {  	v57 =	vor.u32 $0x3F800000, v59;
	(erf) = vpow2.f32 v56;
	v56 =	vmul.f32 $3.044899930e-02, v50  }
0x9f: {  	[tilespmem:$0x1FFB0] =	vst v1;
	v1 =	vmul.f32 v63, v49;
	v59 =	vadd.f32 $1.116090060e+00, v37;
	v37 =	vmul.f32 v60, v35  }
0xa0: {  	v35 =	vmul.f32 v60, v40;
	(erf) = vpow2.f32 v46;
	v49 =	vadd.f32 $-2.838268580e-01, v56  }
0xa1: {  	v40 =	vadd.f32 $-1.936759710e+00, v52;
	v46 =	vmul.f32 $3.044899930e-02, v57;
	v56 =	vmul.f32 v0, v59  }
0xa2: {  	v59 =	vmul.f32 $1.442695020e+00, v37;
	v52 =	vmul.f32 v50, v49;
	v49 =	vadd.f32 v48, v53  }
0xa3: {  	v53 =	vmul.f32 $1.442695020e+00, v35;
	v48 =	vadd.f32 v40, v58;
	v40 =	vmul.f32 v60, v36  }
0xa4: {  	v46 =	vadd.f32 $-2.838268580e-01, v46;
	(erf) = vpow2.f32 v59;
	v52 =	vadd.f32 $1.116090060e+00, v52  }
0xa5: {  	(erf) = vpow2.f32 v53;
	v53 =	vadd.f32 $-1.936759710e+00, v54;
	v54 =	vmul.f32 $1.442695020e+00, v40  }
0xa6: {  	v36 =	vmul.f32 v45, v60;
	v46 =	vmul.f32 v57, v46  }
0xa7: {  	v45 =	vmul.f32 v50, v52;
	(erf) = vpow2.f32 v54;
	v54 =	vadd.f32 $-2.440029860e+00, v56  }
0xa8: {  	v58 =	vmul.f32 $1.442695020e+00, v38;
	v46 =	vadd.f32 $1.116090060e+00, v46;
	v52 =	vadd.f32 v53, v61;
	v61 =	vpop (erf)  }
0xa9: {  	v1 =	vadd.f32 $3.514087200e+00, v1;
	v56 =	vpop (erf);
	v54 =	vmul.f32 v0, v54;
	v45 =	vadd.f32 $-2.440029860e+00, v45  }
0xaa: {  	v46 =	vmul.f32 v57, v46;
	(erf) = vpow2.f32 v58;
	v58 =	vadd.f32 v56, v61  }
0xab: {  	v53 =	vmul.f32 $1.442695020e+00, v36;
	v59 =	vpop (erf);
	v56 =	vadd.f32 $3.514087200e+00, v54;
	v45 =	vmul.f32 v50, v45  }
0xac: {  	v2 =	vmul.f32 v63, v1;
	v46 =	vadd.f32 $-2.440029860e+00, v46;
	v59 =	vadd.f32 v58, v59  }
0xad: {  	(erf) = vpow2.f32 v53;
	v53 =	vmul.f32 $1.442695020e+00, v43;
	v63 =	vpop (erf);
	v45 =	vadd.f32 $3.514087200e+00, v45  }
0xae: {  	v46 =	vmul.f32 v57, v46;
	v54 =	vadd.f32 v59, v63  }
0xaf: {  	v51 =	vshra.s32 v51, $0x17;
	(erf) = vpow2.f32 v53;
	v1 =	vmul.f32 v0, v56;
	v56 =	vpop (erf)  }
0xb0: {  	v29 =	vmul.f32 v60, v29;
	v46 =	vadd.f32 $3.514087200e+00, v46;
	v53 =	vadd.f32 v54, v56  }
0xb1: {  	v51 =	vadd.s32 $0xFFFFFF81, v51;
	v44 =	vmul.f32 v60, v44;
	v63 =	vmul.f32 v50, v45;
	v45 =	vpop (erf)  }
0xb2: {  	v56 =	vmul.f32 v57, v46;
	v57 =	vcvt.s32.f32 v51;
	v51 =	vadd.f32 v53, v45  }
0xb3: {  	v55 =	vshra.s32 v55, $0x17;
	v45 =	vadd.f32 $-1.936759710e+00, v62;
	v62 =	vpop (erf)  }
0xb4: {  	v50 =	vmul.f32 $1.442695020e+00, v29;
	v46 =	vadd.f32 v51, v62;
	v62 =	vmul.f32 $1.442695020e+00, v44  }
0xb5: {  	v47 =	vshra.s32 v47, $0x17  }
0xb6: {  	(erf) = vpow2.f32 v50;
	v50 =	vadd.s32 $0xFFFFFF81, v55;
	v57 =	vmul.f32 $6.931471820e-01, v57;
	v55 =	vpop (erf)  }
0xb7: {  	v47 =	vadd.s32 $0xFFFFFF81, v47;
	v0 =	vcvt.s32.f32 v50;
	v50 =	vadd.f32 v46, v55  }
0xb8: {  	v55 =	vadd.f32 v45, v57;
	(erf) = vpow2.f32 v62;
	v45 =	vcvt.s32.f32 v47;
	v62 =	vpop (erf)  }
0xb9: {  	v3 =	vadd.f32 $-1.936759710e+00, v2;
	v57 =	vadd.f32 v50, v62  }
0xba: {  	v2 =	vmul.f32 $6.931471820e-01, v0;
	v62 =	vadd.f32 $-1.936759710e+00, v1;
	v1 =	vmul.f32 $6.931471820e-01, v45  }
0xbb: {  	v45 =	vmul.f32 v60, v39;
	v39 =	vmul.f32 v60, v41;
	v41 =	vand.u32 $0x7FFFFF, v57  }
0xbc: {  	v47 =	vmul.f32 v60, v34;
	v34 =	vmul.f32 v60, v42;
	v42 =	vor.u32 $0x3F800000, v41  }
0xbd: {  	v41 =	vadd.f32 v3, v2;
	v3 =	vmul.f32 $3.044899930e-02, v42  }
0xbe: {  	v0 =	vmul.f32 $1.442695020e+00, v47  }
0xbf: {  	v2 =	vmul.f32 $1.442695020e+00, v45  }
0xc0: {  	(erf) = vpow2.f32 v0;
	v12 =	vadd.f32 v62, v1;
	v0 =	vmul.f32 $1.442695020e+00, v39  }
0xc1: {  	v62 =	vmul.f32 $1.442695020e+00, v34;
	(erf) = vpow2.f32 v2;
	v2 =	vadd.f32 $-2.838268580e-01, v3;
	v3 =	vpop (erf)  }
0xc2: {  	(erf) = vpow2.f32 v0;
	v0 =	vshra.s32 v4, $0x17;
	v3 =	vadd.f32 v57, v3  }
0xc3: {  	v0 =	vadd.s32 $0xFFFFFF81, v0  }
0xc4: {  	(erf) = vpow2.f32 v62;
	v0 =	vcvt.s32.f32 v0;
	v62 =	vand.u32 $0x7FFFFF, v3  }
0xc5: {  	v5 =	vshra.s32 v5, $0x17;
	v62 =	vor.u32 $0x3F800000, v62  }
0xc6: {  	v5 =	vadd.s32 $0xFFFFFF81, v5;
	v4 =	vmul.f32 $6.931471820e-01, v0;
	v0 =	vmul.f32 $3.044899930e-02, v62  }
0xc7: {  	v5 =	vcvt.s32.f32 v5  }
0xc8: {  	v30 =	vmul.f32 v60, v30;
	v1 =	vadd.f32 $-2.838268580e-01, v0  }
0xc9: {  	v5 =	vmul.f32 $6.931471820e-01, v5;
	v56 =	vadd.f32 $-1.936759710e+00, v56  }
0xca: {  	v6 =	vmul.f32 $1.442695020e+00, v30;
	v1 =	vmul.f32 v62, v1  }
0xcb: {  	v8 =	vadd.f32 $-1.936759710e+00, v63;
	v56 =	vadd.f32 v56, v5;
	v2 =	vmul.f32 v42, v2;
	v63 =	vpop (erf)  }
0xcc: {  	v63 =	vadd.f32 v3, v63;
	v1 =	vadd.f32 $1.116090060e+00, v1  }
0xcd: {  	(erf) = vpow2.f32 v6;
	v2 =	vadd.f32 $1.116090060e+00, v2;
	v5 =	vpop (erf);
	v9 =	vadd.f32 v8, v4  }
0xce: {  	v8 =	vadd.f32 v63, v5;
	v0 =	vand.u32 $0x7FFFFF, v63;
	v1 =	vmul.f32 v62, v1  }
0xcf: {  	v6 =	vshra.s32 v57, $0x17;
	v2 =	vmul.f32 v42, v2;
	v57 =	vpop (erf);
	v0 =	vor.u32 $0x3F800000, v0  }
0xd0: {  	v57 =	vadd.f32 v8, v57;
	v4 =	vmul.f32 $3.044899930e-02, v0;
	v1 =	vadd.f32 $-2.440029860e+00, v1  }
0xd1: {  	v27 =	vmul.f32 v60, v27;
	v3 =	vshra.s32 v3, $0x17;
	v2 =	vadd.f32 $-2.440029860e+00, v2  }
0xd2: {  	v60 =	vand.u32 $0x7FFFFF, v57;
	v4 =	vadd.f32 $-2.838268580e-01, v4;
	v1 =	vmul.f32 v62, v1  }
0xd3: {  	v5 =	vadd.s32 $0xFFFFFF81, v3;
	v2 =	vmul.f32 v42, v2;
	v60 =	vor.u32 $0x3F800000, v60  }
0xd4: {  	v4 =	vmul.f32 v0, v4;
	v3 =	vadd.f32 $3.514087200e+00, v1;
	v1 =	vmul.f32 $3.044899930e-02, v60  }
0xd5: {  	v2 =	vadd.f32 $3.514087200e+00, v2  }
0xd6: {  	v6 =	vadd.s32 $0xFFFFFF81, v6;
	v4 =	vadd.f32 $1.116090060e+00, v4;
	v1 =	vadd.f32 $-2.838268580e-01, v1  }
0xd7: {  	v6 =	vcvt.s32.f32 v6;
	v2 =	vmul.f32 v42, v2  }
0xd8: {  	v4 =	vmul.f32 v0, v4  }
0xd9: {  	v6 =	vmul.f32 $6.931471820e-01, v6;
	v5 =	vcvt.s32.f32 v5;
	v10 =	vadd.f32 $-1.936759710e+00, v2  }
0xda: {  	v4 =	vadd.f32 $-2.440029860e+00, v4;
	v3 =	vmul.f32 v62, v3;
	v62 =	vmul.f32 v60, v1;
	v1 =	vpop (erf)  }
0xdb: {  	v13 =	vadd.f32 v10, v6;
	v6 =	vmul.f32 $1.442695020e+00, v27;
	v7 =	vadd.f32 v57, v1  }
0xdc: {  	v5 =	vmul.f32 $6.931471820e-01, v5;
	v4 =	vmul.f32 v0, v4;
	v3 =	vadd.f32 $-1.936759710e+00, v3  }
0xdd: {  	(erf) = vpow2.f32 v6;
	v6 =	vand.u32 $0x7FFFFF, v7  }
0xde: {  	v4 =	vadd.f32 $3.514087200e+00, v4;
	v10 =	vadd.f32 v3, v5;
	v6 =	vor.u32 $0x3F800000, v6  }
0xdf: {  	v3 =	vadd.f32 $1.116090060e+00, v62;
	v5 =	vshra.s32 v63, $0x17;
	v62 =	vmul.f32 $3.044899930e-02, v6  }
0xe0: {  	v5 =	vadd.s32 $0xFFFFFF81, v5  }
0xe1: {  	v1 =	vmul.f32 v0, v4;
	v5 =	vcvt.s32.f32 v5;
	v62 =	vadd.f32 $-2.838268580e-01, v62;
	_ =	sdelay $0x1  }
0xe2: {  	v1 =	vadd.f32 $-1.936759710e+00, v1;
	v5 =	vmul.f32 $6.931471820e-01, v5;
	v62 =	vmul.f32 v6, v62;
	_ =	sdelay $0x1  }
0xe3: {  	v1 =	vadd.f32 v1, v5;
	v5 =	vadd.f32 $1.116090060e+00, v62;
	_ =	sdelay $0x1  }
0xe4: {  	v5 =	vmul.f32 v6, v5  }
0xe5: {  	v62 =	vld [tilespmem:$0x1FF50]  }
0xe6: {  	v5 =	vadd.f32 $-2.440029860e+00, v5;
	_ =	sdelay $0x1  }
0xe7: {  	v42 =	vand.u32 $0x7FFFFF, v8;
	v5 =	vmul.f32 v6, v5  }
0xe8: {  	v42 =	vor.u32 $0x3F800000, v42  }
0xe9: {  	v2 =	vmul.f32 $3.044899930e-02, v42;
	[tilespmem:$0x2200] =	vst v62;
	v62 =	vadd.f32 $3.514087200e+00, v5;
	_ =	sdelay $0x1  }
0xea: {  	v2 =	vadd.f32 $-2.838268580e-01, v2;
	v6 =	vmul.f32 v6, v62;
	v62 =	vld [tilespmem:$0x1FF80];
	_ =	sdelay $0x1  }
0xeb: {  	v2 =	vmul.f32 v42, v2;
	_ =	sdelay $0x1  }
0xec: {  	v2 =	vadd.f32 $1.116090060e+00, v2  }
0xed: {  	v4 =	vpop (erf);
	v3 =	vmul.f32 v60, v3;
	[tilespmem:$0x2380] =	vst v62;
	v62 =	vld [tilespmem:$0x1FF90]  }
0xee: {  	v2 =	vmul.f32 v42, v2;
	v4 =	vadd.f32 v7, v4  }
0xef: {  	v3 =	vadd.f32 $-2.440029860e+00, v3  }
0xf0: {  	v2 =	vadd.f32 $-2.440029860e+00, v2;
	v63 =	vand.u32 $0x7FFFFF, v4  }
0xf1: {  	v63 =	vor.u32 $0x3F800000, v63;
	v3 =	vmul.f32 v60, v3  }
0xf2: {  	v2 =	vmul.f32 v42, v2;
	v0 =	vmul.f32 $3.044899930e-02, v63;
	[tilespmem:$0x2400] =	vst v62;
	v62 =	vld [tilespmem:$0x1FFA0]  }
0xf3: {  	v3 =	vadd.f32 $3.514087200e+00, v3  }
0xf4: {  	v8 =	vshra.s32 v8, $0x17;
	v2 =	vadd.f32 $3.514087200e+00, v2;
	v0 =	vadd.f32 $-2.838268580e-01, v0  }
0xf5: {  	v8 =	vadd.s32 $0xFFFFFF81, v8;
	v3 =	vmul.f32 v60, v3;
	v60 =	vpop (erf)  }
0xf6: {  	v2 =	vmul.f32 v42, v2;
	v0 =	vmul.f32 v63, v0;
	v42 =	vadd.f32 v4, v60;
	v5 =	vld [tilespmem:$0x1FF60]  }
0xf7: {  	v8 =	vcvt.s32.f32 v8;
	v60 =	vpop (erf);
	[tilespmem:$0x2480] =	vst v62;
	v62 =	vld [tilespmem:$0x1FFB0]  }
0xf8: {  	[tilespmem:$0x2100] =	vst v11;
	v57 =	vshra.s32 v57, $0x17;
	v0 =	vadd.f32 $1.116090060e+00, v0;
	v11 =	vadd.f32 v42, v60;
	v60 =	vld [tilespmem:$0x1FF40]  }
0xf9: {  	v8 =	vmul.f32 $6.931471820e-01, v8;
	v57 =	vadd.s32 $0xFFFFFF81, v57;
	v2 =	vadd.f32 $-1.936759710e+00, v2  }
0xfa: {  	v57 =	vcvt.s32.f32 v57;
	v7 =	vshra.s32 v7, $0x17;
	v0 =	vmul.f32 v63, v0  }
0xfb: {  	v7 =	vadd.s32 $0xFFFFFF81, v7;
	[tilespmem:$0x2280] =	vst v5;
	v5 =	vadd.f32 v2, v8;
	v8 =	vld [tilespmem:$0x1FF70]  }
0xfc: {  	v57 =	vmul.f32 $6.931471820e-01, v57;
	v0 =	vadd.f32 $-2.440029860e+00, v0;
	[tilespmem:$0x2500] =	vst v62;
	v62 =	vld [tilespmem:$0x1FFC0]  }
0xfd: {  	v7 =	vcvt.s32.f32 v7;
	v4 =	vshra.s32 v4, $0x17;
	[tilespmem:$0x2180] =	vst v60;
	v60 =	vand.u32 $0x7FFFFF, v42  }
0xfe: {  	v3 =	vadd.f32 $-1.936759710e+00, v3;
	v0 =	vmul.f32 v63, v0;
	v60 =	vor.u32 $0x3F800000, v60  }
0xff: {  	[tilespmem:$0x2800] =	vst v15;
	v7 =	vmul.f32 $6.931471820e-01, v7;
	v4 =	vadd.s32 $0xFFFFFF81, v4;
	v2 =	vmul.f32 $3.044899930e-02, v60  }
0x100: {  	v3 =	vadd.f32 v3, v57;
	v0 =	vadd.f32 $3.514087200e+00, v0;
	[tilespmem:$0x2300] =	vst v8;
	v8 =	vand.u32 $0x7FFFFF, v11  }
0x101: {  	v15 =	vsub.f32 v11, v58;
	v2 =	vadd.f32 $-2.838268580e-01, v2;
	v8 =	vor.u32 $0x3F800000, v8;
	[tilespmem:$0x2580] =	vst v62;
	v62 =	vld [tilespmem:$0x1FFD0]  }
0x102: {  	[tilespmem:$0x2880] =	vst v17;
	v17 =	vsub.f32 v11, v59;
	v0 =	vmul.f32 v63, v0;
	v63 =	vld [tilespmem:$0x1FFE0];
	v57 =	vmul.f32 $3.044899930e-02, v8  }
0x103: {  	[tilespmem:$0x2780] =	vst v16;
	v4 =	vcvt.s32.f32 v4;
	v61 =	vsub.f32 v11, v61;
	v2 =	vmul.f32 v60, v2  }
0x104: {  	[tilespmem:$0x2D00] =	vst v19;
	v16 =	vand.u32 $0x7FFFFF, v15;
	v19 =	vand.u32 $0x7FFFFF, v17;
	v57 =	vadd.f32 $-2.838268580e-01, v57  }
0x105: {  	[tilespmem:$0x2700] =	vst v14;
	v16 =	vor.u32 $0x3F800000, v16;
	v19 =	vor.u32 $0x3F800000, v19;
	v2 =	vadd.f32 $1.116090060e+00, v2  }
0x106: {  	v6 =	vadd.f32 $-1.936759710e+00, v6;
	v57 =	vmul.f32 v8, v57;
	[tilespmem:$0x2600] =	vst v62;
	v62 =	vand.u32 $0x7FFFFF, v61  }
0x107: {  	v0 =	vadd.f32 $-1.936759710e+00, v0;
	[tilespmem:$0x2680] =	vst v63;
	v2 =	vmul.f32 v60, v2;
	v62 =	vor.u32 $0x3F800000, v62  }
0x108: {  	v63 =	vmul.f32 $6.931471820e-01, v4;
	v57 =	vadd.f32 $1.116090060e+00, v57;
	v4 =	vmul.f32 $3.044899930e-02, v62  }
0x109: {  	[tilespmem:$0x2900] =	vst v18;
	v18 =	vmul.f32 $3.044899930e-02, v16;
	v14 =	vadd.f32 v6, v7;
	v6 =	vadd.f32 $-2.440029860e+00, v2  }
0x10a: {  	v2 =	vadd.f32 v0, v63;
	v0 =	vmul.f32 v8, v57;
	v4 =	vadd.f32 $-2.838268580e-01, v4  }
0x10b: {  	[tilespmem:$0x2D80] =	vst v20;
	v20 =	vmul.f32 $3.044899930e-02, v19  }
0x10c: {  	v18 =	vadd.f32 $-2.838268580e-01, v18;
	v0 =	vadd.f32 $-2.440029860e+00, v0;
	v4 =	vmul.f32 v62, v4  }
0x10d: {  	v20 =	vadd.f32 $-2.838268580e-01, v20  }
0x10e: {  	v18 =	vmul.f32 v16, v18;
	v0 =	vmul.f32 v8, v0;
	v4 =	vadd.f32 $1.116090060e+00, v4  }
0x10f: {  	[tilespmem:$0x2E00] =	vst v21;
	v15 =	vshra.s32 v15, $0x17;
	v20 =	vmul.f32 v19, v20;
	v6 =	vmul.f32 v60, v6  }
0x110: {  	[tilespmem:$0x2E80] =	vst v22;
	v7 =	vshra.s32 v42, $0x17;
	v0 =	vadd.f32 $3.514087200e+00, v0;
	v4 =	vmul.f32 v62, v4  }
0x111: {  	[tilespmem:$0x2F00] =	vst v23;
	v18 =	vadd.f32 $1.116090060e+00, v18;
	v7 =	vadd.s32 $0xFFFFFF81, v7;
	v6 =	vadd.f32 $3.514087200e+00, v6  }
0x112: {  	[tilespmem:$0x2F80] =	vst v25;
	v0 =	vmul.f32 v8, v0;
	v8 =	vshra.s32 v11, $0x17;
	v4 =	vadd.f32 $-2.440029860e+00, v4  }
0x113: {  	[tilespmem:$0x3000] =	vst v24;
	v7 =	vcvt.s32.f32 v7;
	v6 =	vmul.f32 v60, v6;
	v8 =	vadd.s32 $0xFFFFFF81, v8  }
0x114: {  	[tilespmem:$0x3080] =	vst v26;
	v20 =	vadd.f32 $1.116090060e+00, v20;
	v8 =	vcvt.s32.f32 v8;
	v4 =	vmul.f32 v62, v4  }
0x115: {  	[tilespmem:$0x3100] =	vst v28;
	v18 =	vmul.f32 v16, v18;
	v7 =	vmul.f32 $6.931471820e-01, v7;
	v6 =	vadd.f32 $-1.936759710e+00, v6  }
0x116: {  	v0 =	vadd.f32 $-1.936759710e+00, v0;
	v8 =	vmul.f32 $6.931471820e-01, v8;
	v4 =	vadd.f32 $3.514087200e+00, v4  }
0x117: {  	[tilespmem:$0x2110] =	vst v33;
	v20 =	vmul.f32 v19, v20;
	v18 =	vadd.f32 $-2.440029860e+00, v18;
	v6 =	vadd.f32 v6, v7  }
0x118: {  	[tilespmem:$0x2190] =	vst v32;
	v7 =	vadd.f32 v0, v8;
	v0 =	vmul.f32 v62, v4;
	v4 =	vsub.f32 v11, v54  }
0x119: {  	[tilespmem:$0x3480] =	vst v9;
	v17 =	vshra.s32 v17, $0x17;
	v9 =	vadd.s32 $0xFFFFFF81, v15;
	v18 =	vmul.f32 v16, v18  }
0x11a: {  	[tilespmem:$0x2210] =	vst v31;
	v17 =	vadd.s32 $0xFFFFFF81, v17;
	v20 =	vadd.f32 $-2.440029860e+00, v20;
	v21 =	vand.u32 $0x7FFFFF, v4  }
0x11b: {  	[tilespmem:$0x3400] =	vst v12;
	v12 =	vadd.f32 $3.514087200e+00, v18;
	v8 =	vshra.s32 v61, $0x17;
	v21 =	vor.u32 $0x3F800000, v21  }
0x11c: {  	[tilespmem:$0x2410] =	vst v38;
	v18 =	vmul.f32 v19, v20;
	v8 =	vadd.s32 $0xFFFFFF81, v8;
	v22 =	vmul.f32 $3.044899930e-02, v21  }
0x11d: {  	[tilespmem:$0x2510] =	vst v43;
	v9 =	vcvt.s32.f32 v9;
	v20 =	vsub.f32 v11, v53;
	v8 =	vcvt.s32.f32 v8  }
0x11e: {  	[tilespmem:$0x2590] =	vst v29;
	v12 =	vmul.f32 v16, v12;
	v16 =	vadd.f32 $3.514087200e+00, v18;
	v15 =	vadd.f32 $-2.838268580e-01, v22  }
0x11f: {  	v18 =	vand.u32 $0x7FFFFF, v20;
	v8 =	vmul.f32 $6.931471820e-01, v8;
	v0 =	vadd.f32 $-1.936759710e+00, v0  }
0x120: {  	[tilespmem:$0x2610] =	vst v44;
	v17 =	vcvt.s32.f32 v17;
	v18 =	vor.u32 $0x3F800000, v18;
	v15 =	vmul.f32 v21, v15  }
0x121: {  	[tilespmem:$0x2890] =	vst v30;
	v0 =	vadd.f32 v0, v8;
	v8 =	vmul.f32 v19, v16;
	v16 =	vmul.f32 $3.044899930e-02, v18  }
0x122: {  	v9 =	vmul.f32 $6.931471820e-01, v9;
	v12 =	vadd.f32 $-1.936759710e+00, v12;
	v15 =	vadd.f32 $1.116090060e+00, v15  }
0x123: {  	[tilespmem:$0x2910] =	vst v27;
	v20 =	vshra.s32 v20, $0x17;
	v19 =	vsub.f32 v11, v51;
	v16 =	vadd.f32 $-2.838268580e-01, v16  }
0x124: {  	[tilespmem:$0x2290] =	vst v37;
	v9 =	vadd.f32 v12, v9;
	v22 =	vsub.f32 v11, v46;
	v15 =	vmul.f32 v21, v15  }
0x125: {  	[tilespmem:$0x2310] =	vst v35;
	v12 =	vmul.f32 v18, v16;
	v16 =	vmul.f32 $6.931471820e-01, v17;
	v17 =	vand.u32 $0x7FFFFF, v19  }
0x126: {  	[tilespmem:$0x3180] =	vst v49;
	v11 =	vsub.f32 v11, v50;
	v17 =	vor.u32 $0x3F800000, v17;
	v15 =	vadd.f32 $-2.440029860e+00, v15  }
0x127: {  	[tilespmem:$0x3200] =	vst v48;
	v20 =	vadd.s32 $0xFFFFFF81, v20;
	v12 =	vadd.f32 $1.116090060e+00, v12;
	v23 =	vmul.f32 $3.044899930e-02, v17  }
0x128: {  	[tilespmem:$0x2390] =	vst v40;
	v59 =	vand.u32 $0x7FFFFF, v22;
	v60 =	vand.u32 $0x7FFFFF, v11;
	v15 =	vmul.f32 v21, v15  }
0x129: {  	[tilespmem:$0x2490] =	vst v36;
	v24 =	vor.u32 $0x3F800000, v59;
	v12 =	vmul.f32 v18, v12;
	v23 =	vadd.f32 $-2.838268580e-01, v23  }
0x12a: {  	[tilespmem:$0x3280] =	vst v52;
	v25 =	vor.u32 $0x3F800000, v60;
	v61 =	vmul.f32 $3.044899930e-02, v24;
	v15 =	vadd.f32 $3.514087200e+00, v15  }
0x12b: {  	[tilespmem:$0x3500] =	vst v56;
	v62 =	vmul.f32 $3.044899930e-02, v25;
	v12 =	vadd.f32 $-2.440029860e+00, v12;
	v23 =	vmul.f32 v17, v23  }
0x12c: {  	[tilespmem:$0x2D90] =	vst v10;
	v10 =	vcvt.s32.f32 v20;
	v15 =	vmul.f32 v21, v15;
	v21 =	vadd.f32 $-2.838268580e-01, v61  }
0x12d: {  	[tilespmem:$0x3300] =	vst v55;
	v63 =	vadd.f32 $-2.838268580e-01, v62;
	v12 =	vmul.f32 v18, v12;
	v23 =	vadd.f32 $1.116090060e+00, v23  }
0x12e: {  	[tilespmem:$0x2E90] =	vst v5;
	v5 =	vmul.f32 $6.931471820e-01, v10;
	v4 =	vshra.s32 v4, $0x17;
	v21 =	vmul.f32 v24, v21  }
0x12f: {  	[tilespmem:$0x2690] =	vst v47;
	v26 =	vmul.f32 v25, v63;
	v12 =	vadd.f32 $3.514087200e+00, v12;
	v23 =	vmul.f32 v17, v23  }
0x130: {  	[tilespmem:$0x2810] =	vst v34;
	v4 =	vadd.s32 $0xFFFFFF81, v4;
	v8 =	vadd.f32 $-1.936759710e+00, v8;
	v21 =	vadd.f32 $1.116090060e+00, v21  }
0x131: {  	[tilespmem:$0x2D10] =	vst v13;
	v12 =	vmul.f32 v18, v12;
	v13 =	vadd.f32 $-2.440029860e+00, v23;
	v18 =	vadd.f32 $1.116090060e+00, v26  }
0x132: {  	[tilespmem:$0x2710] =	vst v45;
	v4 =	vcvt.s32.f32 v4;
	v8 =	vadd.f32 v8, v16;
	v16 =	vmul.f32 v24, v21  }
0x133: {  	[tilespmem:$0x2E10] =	vst v1;
	v1 =	vadd.f32 $-1.936759710e+00, v15;
	v13 =	vmul.f32 v17, v13;
	v15 =	vmul.f32 v25, v18  }
0x134: {  	[tilespmem:$0x2790] =	vst v39;
	v4 =	vmul.f32 $6.931471820e-01, v4;
	v10 =	vshra.s32 v19, $0x17;
	v16 =	vadd.f32 $-2.440029860e+00, v16  }
0x135: {  	[tilespmem:$0x2F10] =	vst v3;
	v3 =	vadd.s32 $0xFFFFFF81, v10;
	v10 =	vadd.f32 $3.514087200e+00, v13;
	v13 =	vadd.f32 $-2.440029860e+00, v15  }
0x136: {  	[tilespmem:$0x3010] =	vst v2;
	v3 =	vcvt.s32.f32 v3;
	v1 =	vadd.f32 v1, v4;
	v4 =	vmul.f32 v24, v16  }
0x137: {  	[tilespmem:$0x3090] =	vst v6;
	v6 =	vshra.s32 v22, $0x17;
	v2 =	vadd.f32 $-1.936759710e+00, v12;
	v12 =	vmul.f32 v25, v13  }
0x138: {  	[tilespmem:$0x3110] =	vst v7;
	v7 =	vshra.s32 v11, $0x17;
	v6 =	vadd.s32 $0xFFFFFF81, v6;
	v4 =	vadd.f32 $3.514087200e+00, v4  }
0x139: {  	[tilespmem:$0x3380] =	vst v41;
	v3 =	vmul.f32 $6.931471820e-01, v3;
	v10 =	vmul.f32 v17, v10;
	v11 =	vadd.f32 $3.514087200e+00, v12  }
0x13a: {  	[tilespmem:$0x3190] =	vst v0;
	v2 =	vadd.f32 v2, v5;
	v0 =	vmul.f32 v24, v4;
	v4 =	vcvt.s32.f32 v6  }
0x13b: {  	[tilespmem:$0x3210] =	vst v9;
	v9 =	vmul.f32 v25, v11;
	v6 =	vadd.s32 $0xFFFFFF81, v7;
	v7 =	vadd.f32 $-1.936759710e+00, v10  }
0x13c: {  	[tilespmem:$0x2F90] =	vst v14;
	v6 =	vcvt.s32.f32 v6;
	v0 =	vadd.f32 $-1.936759710e+00, v0;
	v4 =	vmul.f32 $6.931471820e-01, v4  }
0x13d: {  	[tilespmem:$0x3310] =	vst v1;
	v1 =	vadd.f32 v7, v3  }
0x13e: {  	[tilespmem:$0x3390] =	vst v2;
	v3 =	vadd.f32 $-1.936759710e+00, v9;
	v5 =	vmul.f32 $6.931471820e-01, v6;
	v0 =	vadd.f32 v0, v4  }
0x13f: {  	[tilespmem:$0x3410] =	vst v1  }
0x140: {  	v2 =	vmov s4;
	v1 =	vadd.f32 v3, v5;
	[tilespmem:$0x3490] =	vst v0;
	v0 =	vlaneseq.u32  }
0x141: {  	[tilespmem:$0x3290] =	vst v8;
	v3 =	vmul.u32 $0x80, v0;
	v0 =	vand.u32 $0x7F, v2  }
0x142: {  	[tilespmem:$0x3510] =	vst v1;
	v0 =	vbroadcast v0, $0x0  }
0x143: {  	_ =	swait.ge [sflag:s14], $0x1000;
	v4 =	vor.u32 $0x800, v3  }
0x144: {  	[sflag:s14] =	ssyncset.done $0x0;
	v1 =	vor.u32 v4, v0  }
0x145: {  	[sflag:s14] =	ssyncadd.s32 $0xFFFFF000  }
0x146: {  	_ =	swait.ge [sflag:s15], $0x1000  }
0x147: {  	[sflag:s15] =	ssyncset.done $0x0  }
0x148: {  	[sflag:s15] =	ssyncadd.s32 $0xFFFFF000  }
0x149: {  	v2 =	vld.idx.msk [tilespmem:v1+s4+$0x0], $0xffff;
	_ =	sdelay $0x1  }
0x14a: {  	v5 =	vor.u32 v3, v0;
	v1 =	vld.idx.msk [tilespmem:v1+s9+$0x0], $0xffff;
	_ =	sdelay $0x1  }
0x14b: {  	s21 =	simm.s32 $0x1  }
0x14c: {  	v6 =	vmov s21;
	v7 =	vsub.s32 $0x8, v2;
	v8 =	vadd.s32 $0xFFFFFF09, v2  }
0x14d: {  	v6 =	vand.u32 $0x7F, v6;
	vm0 =	vgt.s32 v7, $0x0;
	vm1 =	vgt.s32 v8, $0x0  }
0x14e: {  	v1 =	vsub.s32 v1, v2;
	v2 =	vld.idx.msk [tilespmem:v5+s4+$0x0], $0xffff;
	v7 =	vnsel vm0, $0x0, v7;
	v8 =	vnsel vm1, $0x0, v8  }
0x14f: {  	v5 =	vld.idx.msk [tilespmem:v5+s9+$0x0], $0xffff;
	v1 =	vadd.s32 $0x8, v1;
	v7 =	vsub.s32 v7, v8;
	v8 =	vbroadcast v6, $0x0  }
0x150: {  	vm4 =	vgt.s32 v1, $0x0  }
0x151: {  	v1 =	vnsel vm4, $0x0, v1;
	v6 =	vadd.s32 $0x8, v7;
	v7 =	vor.u32 v4, v8  }
0x152: {  	v1 =	vmin.u32 v1, $0x10;
	vm5 =	vgt.s32 v6, $0x0  }
0x153: {  	v1 =	vshll.u32 v1, $0x7;
	v9 =	vsub.s32 $0x8, v2;
	v6 =	vnsel vm5, $0x0, v6  }
0x154: {  	v10 =	vadd.s32 $0xFFFFFF09, v2;
	v2 =	vsub.s32 v5, v2;
	v6 =	vmin.u32 v6, $0x10  }
0x155: {  	v1 =	vor.u32 v0, v1;
	vm6 =	vgt.s32 v9, $0x0;
	v6 =	vshll.u32 v6, $0x7  }
0x156: {  	s29 =	simm.s32 $0x2;
	vm7 =	vgt.s32 v10, $0x0;
	v5 =	vnsel vm6, $0x0, v9;
	v6 =	vor.u32 v0, v6;
	v9 =	vld.idx.msk [tilespmem:v7+s4+$0x0], $0xffff  }
0x157: {  	v12 =	vmov s29;
	v2 =	vadd.s32 $0x8, v2;
	v10 =	vnsel vm7, $0x0, v10  }
0x158: {  	v12 =	vand.u32 $0x7F, v12;
	vm8 =	vgt.s32 v2, $0x0;
	v5 =	vsub.s32 v5, v10;
	v7 =	vld.idx.msk [tilespmem:v7+s9+$0x0], $0xffff  }
0x159: {  	v11 =	vor.u32 v3, v8;
	v10 =	vnsel vm8, $0x0, v2;
	v5 =	vadd.s32 $0x8, v5  }
0x15a: {  	v2 =	vimm.f32 $0.0e+00;
	v10 =	vmin.u32 v10, $0x10;
	vm9 =	vgt.s32 v5, $0x0;
	v1 =	vld.idx.msk [tilespmem:v1+s16+$0x0], $0xffff  }
0x15b: {  	v10 =	vshll.u32 v10, $0x7;
	v6 =	vld.idx.msk [tilespmem:v6+s17+$0x0], $0xffff;
	v13 =	vsub.s32 $0x8, v9;
	v14 =	vadd.s32 $0xFFFFFF09, v9  }
0x15c: {  	v5 =	vnsel vm9, $0x0, v5;
	vm10 =	vgt.s32 v13, $0x0;
	vm11 =	vgt.s32 v14, $0x0  }
0x15d: {  	v7 =	vsub.s32 v7, v9;
	v9 =	vnsel vm10, $0x0, v13;
	v13 =	vnsel vm11, $0x0, v14  }
0x15e: {  	v5 =	vmin.u32 v5, $0x10;
	v14 =	vadd.s32 $0x8, v7;
	v9 =	vsub.s32 v9, v13  }
0x15f: {  	v7 =	vbroadcast v12, $0x0;
	v13 =	vld.idx.msk [tilespmem:v11+s4+$0x0], $0xffff;
	vm12 =	vgt.s32 v14, $0x0;
	v9 =	vadd.s32 $0x8, v9  }
0x160: {  	v11 =	vld.idx.msk [tilespmem:v11+s9+$0x0], $0xffff;
	v1 =	vsub.f32 v1, v6;
	v6 =	vnsel vm12, $0x0, v14;
	vm13 =	vgt.s32 v9, $0x0  }
0x161: {  	v12 =	vor.u32 v4, v7;
	v6 =	vmin.u32 v6, $0x10;
	v9 =	vnsel vm13, $0x0, v9  }
0x162: {  	v5 =	vshll.u32 v5, $0x7;
	v6 =	vshll.u32 v6, $0x7;
	v9 =	vmin.u32 v9, $0x10  }
0x163: {  	v14 =	vor.u32 v3, v7;
	v6 =	vor.u32 v8, v6;
	v9 =	vshll.u32 v9, $0x7  }
0x164: {  	v15 =	vsub.s32 $0x8, v13;
	v16 =	vadd.s32 $0xFFFFFF09, v13;
	v9 =	vor.u32 v8, v9  }
0x165: {  	v11 =	vsub.s32 v11, v13;
	vm14 =	vgt.s32 v15, $0x0;
	vm15 =	vgt.s32 v16, $0x0  }
0x166: {  	v11 =	vadd.s32 $0x8, v11;
	v13 =	vnsel vm14, $0x0, v15;
	v15 =	vld.idx.msk [tilespmem:v12+s4+$0x0], $0xffff;
	v16 =	vnsel vm15, $0x0, v16  }
0x167: {  	v1 =	vadd.f32 v1, v2;
	v12 =	vld.idx.msk [tilespmem:v12+s9+$0x0], $0xffff;
	vm4 =	vgt.s32 v11, $0x0;
	v13 =	vsub.s32 v13, v16  }
0x168: {  	v16 =	vor.u32 v0, v5;
	v5 =	vnsel vm4, $0x0, v11;
	v11 =	vadd.s32 $0x8, v13;
	v6 =	vld.idx.msk [tilespmem:v6+s16+$0x0], $0xffff  }
0x169: {  	s30 =	simm.s32 $0x3;
	v0 =	vor.u32 v0, v10;
	v5 =	vmin.u32 v5, $0x10;
	vm5 =	vgt.s32 v11, $0x0;
	v9 =	vld.idx.msk [tilespmem:v9+s17+$0x0], $0xffff  }
0x16a: {  	v10 =	vnsel vm5, $0x0, v11;
	v11 =	vshll.u32 v5, $0x7;
	v5 =	vmov s30  }
0x16b: {  	v10 =	vmin.u32 v10, $0x10;
	v13 =	vsub.s32 $0x8, v15;
	v17 =	vadd.s32 $0xFFFFFF09, v15  }
0x16c: {  	v5 =	vand.u32 $0x7F, v5;
	vm6 =	vgt.s32 v13, $0x0;
	vm7 =	vgt.s32 v17, $0x0  }
0x16d: {  	v12 =	vsub.s32 v12, v15;
	v13 =	vnsel vm6, $0x0, v13;
	v15 =	vnsel vm7, $0x0, v17  }
0x16e: {  	v12 =	vadd.s32 $0x8, v12;
	v13 =	vsub.s32 v13, v15;
	v9 =	vsub.f32 v6, v9  }
0x16f: {  	v17 =	vld.idx.msk [tilespmem:v14+s4+$0x0], $0xffff;
	vm8 =	vgt.s32 v12, $0x0;
	v6 =	vbroadcast v5, $0x0;
	v13 =	vadd.s32 $0x8, v13  }
0x170: {  	v14 =	vld.idx.msk [tilespmem:v14+s9+$0x0], $0xffff;
	v12 =	vnsel vm8, $0x0, v12;
	vm9 =	vgt.s32 v13, $0x0;
	v5 =	vadd.f32 v9, v1  }
0x171: {  	v1 =	vor.u32 v4, v6;
	v9 =	vmin.u32 v12, $0x10;
	v12 =	vnsel vm9, $0x0, v13  }
0x172: {  	v11 =	vor.u32 v8, v11;
	v12 =	vmin.u32 v12, $0x10;
	v9 =	vshll.u32 v9, $0x7  }
0x173: {  	v0 =	vld.idx.msk [tilespmem:v0+s16+$0x0], $0xffff;
	v15 =	vor.u32 v3, v6;
	v9 =	vor.u32 v7, v9;
	v12 =	vshll.u32 v12, $0x7  }
0x174: {  	v13 =	vld.idx.msk [tilespmem:v16+s17+$0x0], $0xffff;
	v16 =	vsub.s32 $0x8, v17;
	v18 =	vadd.s32 $0xFFFFFF09, v17;
	v12 =	vor.u32 v7, v12  }
0x175: {  	v14 =	vsub.s32 v14, v17;
	vm10 =	vgt.s32 v16, $0x0;
	vm11 =	vgt.s32 v18, $0x0  }
0x176: {  	v14 =	vadd.s32 $0x8, v14;
	v16 =	vnsel vm10, $0x0, v16;
	v18 =	vnsel vm11, $0x0, v18;
	v17 =	vld.idx.msk [tilespmem:v1+s4+$0x0], $0xffff  }
0x177: {  	v10 =	vshll.u32 v10, $0x7;
	vm12 =	vgt.s32 v14, $0x0;
	v16 =	vsub.s32 v16, v18;
	v1 =	vld.idx.msk [tilespmem:v1+s9+$0x0], $0xffff  }
0x178: {  	v19 =	vor.u32 v8, v10;
	v14 =	vnsel vm12, $0x0, v14;
	v16 =	vadd.s32 $0x8, v16;
	v10 =	vld.idx.msk [tilespmem:v9+s16+$0x0], $0xffff  }
0x179: {  	s31 =	simm.s32 $0x4;
	v8 =	vsub.f32 v0, v13;
	vm13 =	vgt.s32 v16, $0x0;
	v9 =	vmin.u32 v14, $0x10;
	v12 =	vld.idx.msk [tilespmem:v12+s17+$0x0], $0xffff  }
0x17a: {  	v14 =	vld.idx.msk [tilespmem:v15+s4+$0x0], $0xffff;
	v0 =	vnsel vm13, $0x0, v16;
	v13 =	vshll.u32 v9, $0x7;
	v9 =	vmov s31  }
0x17b: {  	v16 =	vld.idx.msk [tilespmem:v15+s9+$0x0], $0xffff;
	v15 =	vmin.u32 v0, $0x10;
	v0 =	vsub.s32 $0x8, v17;
	v20 =	vadd.s32 $0xFFFFFF09, v17  }
0x17c: {  	v11 =	vld.idx.msk [tilespmem:v11+s16+$0x0], $0xffff;
	v18 =	vand.u32 $0x7F, v9;
	vm14 =	vgt.s32 v0, $0x0;
	vm15 =	vgt.s32 v20, $0x0  }
0x17d: {  	s21 =	simm.s32 $0x5;
	v9 =	vld.idx.msk [tilespmem:v19+s17+$0x0], $0xffff;
	v17 =	vsub.s32 v1, v17;
	v19 =	vnsel vm14, $0x0, v0;
	v20 =	vnsel vm15, $0x0, v20  }
.LBB2_2:
0x17e: {  	p0 =	sne.s32 s21, $0x1F;
	v0 =	vadd.s32 $0x8, v17;
	v1 =	vsub.s32 v19, v20;
	v10 =	vsub.f32 v10, v12  }
0x17f: {  	v12 =	vbroadcast v18, $0x0;
	vm0 =	vgt.s32 v0, $0x0;
	v1 =	vadd.s32 $0x8, v1  }
0x180: {  	v0 =	vnsel vm0, $0x0, v0;
	vm0 =	vgt.s32 v1, $0x0;
	v5 =	vadd.f32 v10, v5  }
0x181: {  	v10 =	vor.u32 v4, v12;
	v0 =	vmin.u32 v0, $0x10;
	v1 =	vnsel vm0, $0x0, v1  }
0x182: {  	v17 =	vor.u32 v3, v12;
	v1 =	vmin.u32 v1, $0x10;
	v0 =	vshll.u32 v0, $0x7  }
0x183: {  	v18 =	vsub.s32 $0x8, v14;
	v0 =	vor.u32 v6, v0;
	v1 =	vshll.u32 v1, $0x7  }
0x184: {  	v19 =	vadd.s32 $0xFFFFFF09, v14;
	vm0 =	vgt.s32 v18, $0x0;
	v1 =	vor.u32 v6, v1  }
0x185: {  	v14 =	vsub.s32 v16, v14;
	v16 =	vnsel vm0, $0x0, v18;
	vm0 =	vgt.s32 v19, $0x0  }
0x186: {  	v15 =	vshll.u32 v15, $0x7;
	v14 =	vadd.s32 $0x8, v14;
	v18 =	vnsel vm0, $0x0, v19;
	v20 =	vld.idx.msk [tilespmem:v10+s4+$0x0], $0xffff  }
0x187: {  	v21 =	vor.u32 v7, v15;
	vm0 =	vgt.s32 v14, $0x0;
	v19 =	vld.idx.msk [tilespmem:v10+s9+$0x0], $0xffff;
	v10 =	vsub.s32 v16, v18  }
0x188: {  	v14 =	vnsel vm0, $0x0, v14;
	v15 =	vadd.s32 $0x8, v10;
	v10 =	vld.idx.msk [tilespmem:v0+s16+$0x0], $0xffff;
	v0 =	vor.u32 v7, v13;
	v7 =	vmovc v6;
	v6 =	vmovc v12  }
0x189: {  	v13 =	vmin.u32 v14, $0x10;
	vm0 =	vgt.s32 v15, $0x0;
	v12 =	vld.idx.msk [tilespmem:v1+s17+$0x0], $0xffff;
	v1 =	vsub.f32 v11, v9  }
.Ltmp0:
0x18a: {  	v2 =	vadd.f32 v8, v2;
	v13 =	vshll.u32 v13, $0x7;
	v14 =	vld.idx.msk [tilespmem:v17+s4+$0x0], $0xffff;
	v9 =	vnsel vm0, $0x0, v15;
	(pc) =	sbr.rel @p0 .LBB2_2-.Ltmp0, $4  }
0x18b: {  	v11 =	vmov s21;
	v16 =	vld.idx.msk [tilespmem:v17+s9+$0x0], $0xffff;
	v15 =	vmin.u32 v9, $0x10;
	v8 =	vmov v1  }
0x18c: {  	v18 =	vand.u32 $0x7F, v11;
	v1 =	vsub.s32 $0x8, v20;
	v22 =	vadd.s32 $0xFFFFFF09, v20;
	v9 =	vld.idx.msk [tilespmem:v21+s17+$0x0], $0xffff  }
0x18d: {  	vm0 =	vgt.s32 v1, $0x0;
	vm1 =	vgt.s32 v22, $0x0;
	v11 =	vld.idx.msk [tilespmem:v0+s16+$0x0], $0xffff  }
0x18e: {  	s21 =	sadd.s32 $0x1, s21;
	v17 =	vsub.s32 v19, v20;
	v19 =	vnsel vm0, $0x0, v1;
	v20 =	vnsel vm1, $0x0, v22  }
0x18f: {  	v0 =	vbroadcast v18, $0x0;
	_ =	sdelay $0x1  }
0x190: {  	v47 =	vsub.s32 $0x8, v14;
	v21 =	vadd.s32 $0xFFFFFF09, v14;
	v1 =	vor.u32 v4, v0  }
0x191: {  	v19 =	vsub.s32 v19, v20;
	v15 =	vshll.u32 v15, $0x7;
	v52 =	vor.u32 v7, v13  }
0x192: {  	v17 =	vadd.s32 $0x8, v17;
	vm0 =	vgt.s32 v47, $0x0;
	v3 =	vor.u32 v3, v0  }
0x193: {  	vm1 =	vgt.s32 v21, $0x0;
	v49 =	vsub.s32 v16, v14;
	v15 =	vor.u32 v7, v15  }
0x194: {  	vm6 =	vgt.s32 v17, $0x0;
	v18 =	vnsel vm0, $0x0, v47;
	v48 =	vnsel vm1, $0x0, v21  }
0x195: {  	v19 =	vadd.s32 $0x8, v19;
	v17 =	vnsel vm6, $0x0, v17;
	v50 =	vsub.s32 v18, v48;
	v4 =	vld.idx.msk [tilespmem:v1+s4+$0x0], $0xffff  }
0x196: {  	vm7 =	vgt.s32 v19, $0x0;
	v14 =	vadd.s32 $0x8, v49;
	v16 =	vadd.s32 $0x8, v50;
	v1 =	vld.idx.msk [tilespmem:v1+s9+$0x0], $0xffff  }
0x197: {  	v19 =	vnsel vm7, $0x0, v19;
	vm10 =	vgt.s32 v14, $0x0;
	vm11 =	vgt.s32 v16, $0x0;
	v51 =	vld.idx.msk [tilespmem:v3+s4+$0x0], $0xffff  }
0x198: {  	v17 =	vmin.u32 v17, $0x10;
	v14 =	vnsel vm10, $0x0, v14;
	v16 =	vnsel vm11, $0x0, v16;
	v3 =	vld.idx.msk [tilespmem:v3+s9+$0x0], $0xffff  }
0x199: {  	v55 =	vmin.u32 v19, $0x10;
	v14 =	vmin.u32 v14, $0x10;
	v16 =	vmin.u32 v16, $0x10  }
0x19a: {  	v17 =	vshll.u32 v17, $0x7;
	v14 =	vshll.u32 v14, $0x7;
	v16 =	vshll.u32 v16, $0x7  }
0x19b: {  	v17 =	vor.u32 v6, v17;
	v56 =	vor.u32 v6, v14;
	v16 =	vor.u32 v6, v16  }
0x19c: {  	v53 =	vsub.s32 $0x8, v4;
	v1 =	vsub.s32 v1, v4;
	v4 =	vadd.s32 $0xFFFFFF09, v4  }
0x19d: {  	v54 =	vsub.s32 $0x8, v51;
	v3 =	vsub.s32 v3, v51;
	v18 =	vadd.s32 $0xFFFFFF09, v51  }
0x19e: {  	vm4 =	vgt.s32 v53, $0x0;
	vm5 =	vgt.s32 v4, $0x0;
	vm8 =	vgt.s32 v54, $0x0  }
0x19f: {  	vm9 =	vgt.s32 v18, $0x0;
	v1 =	vadd.s32 $0x8, v1;
	v3 =	vadd.s32 $0x8, v3  }
0x1a0: {  	v13 =	vnsel vm4, $0x0, v53;
	v4 =	vnsel vm5, $0x0, v4;
	v18 =	vnsel vm9, $0x0, v18  }
0x1a1: {  	vm12 =	vgt.s32 v1, $0x0;
	vm14 =	vgt.s32 v3, $0x0;
	v4 =	vsub.s32 v13, v4  }
0x1a2: {  	v13 =	vnsel vm8, $0x0, v54;
	v1 =	vnsel vm12, $0x0, v1;
	v3 =	vnsel vm14, $0x0, v3  }
0x1a3: {  	v13 =	vsub.s32 v13, v18;
	v18 =	vshll.u32 v55, $0x7;
	v4 =	vadd.s32 $0x8, v4  }
0x1a4: {  	v1 =	vmin.u32 v1, $0x10;
	v3 =	vmin.u32 v3, $0x10;
	v13 =	vadd.s32 $0x8, v13  }
0x1a5: {  	v18 =	vor.u32 v6, v18;
	vm13 =	vgt.s32 v4, $0x0;
	vm15 =	vgt.s32 v13, $0x0  }
0x1a6: {  	v7 =	vld.idx.msk [tilespmem:v52+s16+$0x0], $0xffff;
	v1 =	vshll.u32 v1, $0x7;
	v3 =	vshll.u32 v3, $0x7;
	v13 =	vnsel vm15, $0x0, v13  }
0x1a7: {  	v57 =	vld.idx.msk [tilespmem:v15+s17+$0x0], $0xffff;
	v4 =	vnsel vm13, $0x0, v4;
	v1 =	vor.u32 v0, v1;
	v13 =	vmin.u32 v13, $0x10  }
0x1a8: {  	v17 =	vld.idx.msk [tilespmem:v17+s16+$0x0], $0xffff;
	v3 =	vor.u32 v0, v3;
	v4 =	vmin.u32 v4, $0x10;
	v13 =	vshll.u32 v13, $0x7  }
0x1a9: {  	v58 =	vld.idx.msk [tilespmem:v16+s17+$0x0], $0xffff;
	v4 =	vshll.u32 v4, $0x7;
	v13 =	vor.u32 v0, v13  }
0x1aa: {  	v6 =	vld.idx.msk [tilespmem:v56+s16+$0x0], $0xffff;
	v0 =	vor.u32 v0, v4  }
0x1ab: {  	v18 =	vld.idx.msk [tilespmem:v18+s17+$0x0], $0xffff  }
0x1ac: {  	v1 =	vld.idx.msk [tilespmem:v1+s16+$0x0], $0xffff  }
0x1ad: {  	v2 =	vadd.f32 v8, v2;
	v9 =	vsub.f32 v11, v9;
	v3 =	vld.idx.msk [tilespmem:v3+s16+$0x0], $0xffff  }
0x1ae: {  	v59 =	vld.idx.msk [tilespmem:v13+s17+$0x0], $0xffff  }
0x1af: {  	v2 =	vadd.f32 v9, v2;
	v7 =	vsub.f32 v7, v57;
	v0 =	vld.idx.msk [tilespmem:v0+s17+$0x0], $0xffff  }
0x1b0: {  	v60 =	vsub.f32 v10, v12  }
0x1b1: {  	v2 =	vadd.f32 v7, v2;
	v4 =	vsub.f32 v6, v58  }
0x1b2: {  	v5 =	vadd.f32 v60, v5;
	v61 =	vsub.f32 v17, v18  }
0x1b3: {  	v2 =	vadd.f32 v4, v2;
	v3 =	vsub.f32 v3, v59  }
0x1b4: {  	v62 =	vadd.f32 v61, v5;
	v0 =	vsub.f32 v1, v0  }
0x1b5: {  	v63 =	vadd.f32 v3, v2  }
0x1b6: {  	s20 =	sadd.s32 $0x1, s20;
	v0 =	vadd.f32 v0, v62  }
0x1b7: {  	p0 =	sne.s32 s20, s8;
	[tilespmem:$0x3900] =	vst v63  }
.Ltmp1:
0x1b8: {  	[tilespmem:$0x3910] =	vst v0;
	(pc) =	sbr.rel @p0 .LBB2_1-.Ltmp1, $4  }
0x1b9: {  	[hbm4b:s7+s4] =	stream.linear.scatter [tilespmem:s18], [sflag:$0x5], $0x20, $0x38;
	[tilespmem:$0x3980] =	vst v63  }
0x1ba: {  	_ =	swait.ge [sflag:s19], $0x20  }
0x1bb: {  	[sflag:s19] =	ssyncset.done $0x0  }
0x1bc: {  	[sflag:s19] =	ssyncadd.s32 $0xFFFFFFE0  }
0x1bd: {  	_ =	sfence.sel $0x180000  }
0x1be: {  	[bflag:$0x0] =	sbarrier.arrive $0xFFFF  }
0x1bf: {  	p0 =	sne.s32 s0, $0x0;
	_ =	strace $0x90000047  }
0x1c0: {  	s0 =	sadd.s32 @!p0 $0x100000, s2;
	[bflag:$0x2] =	sbarrier.arrive $0xFFFF  }
0x1c1: {  	[sflag:s0] =	ssyncadd.tile.s32 @!p0 $0x1;
	_ =	shalt  }
.Lfunc_end2:
_tile_overlayer_lowered:
.L_overlay_start_2:
0x1c2: {  	(tag) =	ssettag $0x2  }
0x1c3: {  	s0 =	rddreg [dreg:$0x0];
	s2 =	stileid.u32  }
0x1c4: {  	s1 =	rddreg [dreg:$0x1];
	p0 =	sne.s32 s2, $0x0  }
0x1c5: {  	s3 =	rddreg [dreg:$0x2];
	[bflag:$0x3] =	sbarrier.arrive $0xFFFF;
	s2 =	simm.s32 @!p0 $0x1C05  }
0x1c6: {  	[timem:s3], [sflag:s2] =	dma.local @!p0 [hbm:s0], s1  }
0x1c7: {  	s0 =	simm.s32 @!p0 $0x5  }
0x1c8: {  	_ =	swait.ge @!p0 [sflag:s0], s1  }
0x1c9: {  	s1 =	ssub.s32 @!p0 $0x0, s1;
	[sflag:s0] =	ssyncset.done @!p0 $0x0  }
0x1ca: {  	[sflag:s0] =	ssyncadd.s32 @!p0 s1  }
0x1cb: {  	[bflag:$0x3] =	sbarrier.arrive $0xFFFF  }
0x1cc: {  	_ =	shalt  }

</sc_bundles>
